<compile_context>
chip_gen: v7x
topology: tpu7x:2x2x1
jax: 0.10.2.dev20260603
libtpu: 0.0.44.dev20260713+nightly
codegen_flags: <defaults>
</compile_context>

<pallas_src>
import jax
import jax.numpy as jnp
from jax import lax
from jax.experimental import pallas as pl
from jax.experimental.pallas import tpu as pltpu
from jax.experimental.pallas import tpu_sc as plsc

FACTOR_REG = 0.0005
BIAS_REG = 0.01

B = 16384
K = 64
NC = 2
NS = 16
NW = NC * NS
BPW = B // NW
CHUNK = 128
NCHUNK = BPW // CHUNK


def _sc_body(u_r, i_r, j_r, ue_hbm, ie_hbm, ib_hbm,
             xuij_out, l2_out,
             idx_u, idx_i, idx_j, rows_u, rows_i, rows_j,
             ibv_buf, jbv_buf, xuij_v, l2_v, sem):
    wid = lax.axis_index("c") * NS + lax.axis_index("s")

    pltpu.sync_copy(u_r.at[pl.ds(wid * NCHUNK, NCHUNK)], idx_u)
    pltpu.sync_copy(i_r.at[pl.ds(wid * NCHUNK, NCHUNK)], idx_i)
    pltpu.sync_copy(j_r.at[pl.ds(wid * NCHUNK, NCHUNK)], idx_j)

    copies = []
    for c in range(NCHUNK):
        sl = pl.ds(c * CHUNK, CHUNK)
        copies.append(pltpu.async_copy(ue_hbm.at[idx_u.at[c]], rows_u.at[sl], sem))
        copies.append(pltpu.async_copy(ie_hbm.at[idx_i.at[c]], rows_i.at[sl], sem))
        copies.append(pltpu.async_copy(ie_hbm.at[idx_j.at[c]], rows_j.at[sl], sem))
        copies.append(pltpu.async_copy(ib_hbm.at[idx_i.at[c]], ibv_buf.at[sl], sem))
        copies.append(pltpu.async_copy(ib_hbm.at[idx_j.at[c]], jbv_buf.at[sl], sem))
    for cp in copies:
        cp.wait()

    lane = lax.iota(jnp.int32, 16)
    zf = jnp.zeros((16,), jnp.float32)

    def group(gg, carry):
        l2f, l2ib, l2jb = carry
        rb = gg * 16
        xvec = zf
        for r in range(16):
            row = rb + r
            pu = [rows_u[row, pl.ds(q * 16, 16)] for q in range(K // 16)]
            pi = [rows_i[row, pl.ds(q * 16, 16)] for q in range(K // 16)]
            pj = [rows_j[row, pl.ds(q * 16, 16)] for q in range(K // 16)]
            di = zf
            dj = zf
            for q in range(K // 16):
                di = di + pu[q] * pi[q]
                dj = dj + pu[q] * pj[q]
                l2f = l2f + pu[q] * pu[q]
                l2f = l2f + pi[q] * pi[q]
                l2f = l2f + pj[q] * pj[q]
            d = jnp.sum(di - dj)
            xvec = jnp.where(lane == r, d, xvec)
        ibv = ibv_buf[pl.ds(rb, 16)]
        jbv = jbv_buf[pl.ds(rb, 16)]
        x = xvec + (ibv - jbv)
        xuij_v[pl.ds(rb, 16)] = x
        l2ib = l2ib + ibv * ibv
        l2jb = l2jb + jbv * jbv
        return l2f, l2ib, l2jb

    l2f, l2ib, l2jb = lax.fori_loop(0, BPW // 16, group, (zf, zf, zf))
    l2_v[...] = (jnp.float32(FACTOR_REG) * l2f
                 + jnp.float32(BIAS_REG) * l2ib
                 + jnp.float32(BIAS_REG / 10.0) * l2jb)

    pltpu.sync_copy(xuij_v, xuij_out.at[pl.ds(wid * BPW, BPW)])
    pltpu.sync_copy(l2_v, l2_out.at[wid])


def _make_sc_call():
    return pl.kernel(
        _sc_body,
        out_type=(
            jax.ShapeDtypeStruct((B,), jnp.float32),
            jax.ShapeDtypeStruct((NW, 16), jnp.float32),
        ),
        mesh=plsc.VectorSubcoreMesh(core_axis_name="c", subcore_axis_name="s"),
        compiler_params=pltpu.CompilerParams(
            needs_layout_passes=False, use_tc_tiling_on_sc=False),
        scratch_types=[
            pltpu.VMEM((NCHUNK, CHUNK), jnp.int32),
            pltpu.VMEM((NCHUNK, CHUNK), jnp.int32),
            pltpu.VMEM((NCHUNK, CHUNK), jnp.int32),
            pltpu.VMEM((BPW, K), jnp.float32),
            pltpu.VMEM((BPW, K), jnp.float32),
            pltpu.VMEM((BPW, K), jnp.float32),
            pltpu.VMEM((BPW,), jnp.float32),
            pltpu.VMEM((BPW,), jnp.float32),
            pltpu.VMEM((BPW,), jnp.float32),
            pltpu.VMEM((16,), jnp.float32),
            pltpu.SemaphoreType.DMA,
        ],
    )


def _tc_body(x_ref, l2_ref, loss_ref, auc_ref):
    x = x_ref[...]
    l2 = jnp.sum(l2_ref[...])
    logsig = jnp.sum(jnp.log(jax.nn.sigmoid(x)))
    auc = jnp.sum((x > 0).astype(jnp.float32))
    loss_ref[0, 0] = l2 - logsig / jnp.float32(B)
    auc_ref[0, 0] = auc / jnp.float32(B)


_tc_call = pl.pallas_call(
    _tc_body,
    out_shape=(
        jax.ShapeDtypeStruct((1, 1), jnp.float32),
        jax.ShapeDtypeStruct((1, 1), jnp.float32),
    ),
    out_specs=(
        pl.BlockSpec(memory_space=pltpu.SMEM),
        pl.BlockSpec(memory_space=pltpu.SMEM),
    ),
)


def kernel(u, i, j, user_emb_w, item_emb_w, item_b):
    u_r = u.astype(jnp.int32).reshape(NW * NCHUNK, CHUNK)
    i_r = i.astype(jnp.int32).reshape(NW * NCHUNK, CHUNK)
    j_r = j.astype(jnp.int32).reshape(NW * NCHUNK, CHUNK)
    ib_flat = item_b.reshape(-1)
    xuij, l2p = _make_sc_call()(u_r, i_r, j_r, user_emb_w, item_emb_w, ib_flat)
    loss, auc = _tc_call(xuij.reshape(128, 128), l2p)
    return (loss[0, 0], auc[0, 0])

# --- scband reference (transcript-rebuilt; emitter-appended) ---
"""Pipeline reference for scband-bpr-68693706932278 (READ-ONLY COPY).

The authoritative reference and input builder live on the scoring server;
editing this copy changes nothing except your own understanding.
"""

import jax, jax.numpy as jnp
import numpy as np

FACTOR_REG = 0.0005
BIAS_REG = 0.01

def setup_inputs(seed: int = 0) -> dict:
    key = jax.random.key(seed)
    k_u, k_i, k_j, k_ue, k_ie, k_ib = jax.random.split(key, 6)
    B = 16384
    USER_COUNT = 1000000
    ITEM_COUNT = 1000000
    K = 64
    u = jax.random.randint(k_u, (B,), 0, USER_COUNT, dtype=jnp.int64) if jax.config.jax_enable_x64 else jax.random.randint(k_u, (B,), 0, USER_COUNT, dtype=jnp.int32)
    i = jax.random.randint(k_i, (B,), 0, ITEM_COUNT, dtype=u.dtype)
    j = jax.random.randint(k_j, (B,), 0, ITEM_COUNT, dtype=u.dtype)
    user_emb_w = 0.1 * jax.random.normal(k_ue, (USER_COUNT + 1, K), dtype=jnp.float32)
    item_emb_w = 0.1 * jax.random.normal(k_ie, (ITEM_COUNT + 1, K), dtype=jnp.float32)
    item_b = 0.1 * jax.random.normal(k_ib, (ITEM_COUNT + 1, 1), dtype=jnp.float32)
    return {"u": u, "i": i, "j": j, "user_emb_w": user_emb_w, "item_emb_w": item_emb_w, "item_b": item_b}

def reference(u, i, j, user_emb_w, item_emb_w, item_b):
    u_emb = jnp.take(user_emb_w, u, axis=0)
    i_emb = jnp.take(item_emb_w, i, axis=0)
    j_emb = jnp.take(item_emb_w, j, axis=0)
    i_b = jnp.take(item_b, i, axis=0)
    j_b = jnp.take(item_b, j, axis=0)
    xui = i_b + jnp.sum(u_emb * i_emb, axis=1, keepdims=True)
    xuj = j_b + jnp.sum(u_emb * j_emb, axis=1, keepdims=True)
    xuij = xui - xuj
    mf_auc = jnp.mean((xuij > 0).astype(jnp.float32))
    l2_norm = (FACTOR_REG * jnp.sum(u_emb * u_emb)
               + FACTOR_REG * jnp.sum(i_emb * i_emb)
               + FACTOR_REG * jnp.sum(j_emb * j_emb)
               + BIAS_REG * jnp.sum(i_b * i_b)
               + (BIAS_REG / 10.0) * jnp.sum(j_b * j_b))
    bprloss = l2_norm - jnp.mean(jnp.log(jax.nn.sigmoid(xuij)))
    return (bprloss, mf_auc)

if __name__ == "__main__":
    import jax
    _d = setup_inputs()
    print(jax.jit(kernel)(*tuple(_d.values())))

</pallas_src>

<mosaic_0001>
#map = affine_map<(d0, d1) -> (0, 0)>
#map1 = affine_map<(d0, d1) -> (0)>
module attributes {stable_mosaic.version = 14 : i64} {
  func.func @_sc_body(%arg0: i32, %arg1: i32, %arg2: memref<128x128xi32, #tpu.memory_space<hbm>>, %arg3: memref<128x128xi32, #tpu.memory_space<hbm>>, %arg4: memref<128x128xi32, #tpu.memory_space<hbm>>, %arg5: memref<1000001x64xf32, #tpu.memory_space<hbm>>, %arg6: memref<1000001x64xf32, #tpu.memory_space<hbm>>, %arg7: memref<1000001xf32, #tpu.memory_space<hbm>>, %arg8: memref<16384xf32, #tpu.memory_space<hbm>>, %arg9: memref<32x16xf32, #tpu.memory_space<hbm>>, %arg10: memref<4x128xi32, #tpu.memory_space<vmem>>, %arg11: memref<4x128xi32, #tpu.memory_space<vmem>>, %arg12: memref<4x128xi32, #tpu.memory_space<vmem>>, %arg13: memref<512x64xf32, #tpu.memory_space<vmem>>, %arg14: memref<512x64xf32, #tpu.memory_space<vmem>>, %arg15: memref<512x64xf32, #tpu.memory_space<vmem>>, %arg16: memref<512xf32, #tpu.memory_space<vmem>>, %arg17: memref<512xf32, #tpu.memory_space<vmem>>, %arg18: memref<512xf32, #tpu.memory_space<vmem>>, %arg19: memref<16xf32, #tpu.memory_space<vmem>>, %arg20: memref<!tpu.dma_semaphore, #tpu.memory_space<semaphore_mem>>) attributes {dimension_semantics = [#tpu.dimension_semantics<core_parallel>, #tpu.dimension_semantics<subcore_parallel>], iteration_bounds = array<i64: 2, 16>, scalar_prefetch = 0 : i64, scratch_operands = 11 : i64, tpu.core_type = #tpu.core_type<sc_vector_subcore>, window_params = [{transform_indices = #map}, {transform_indices = #map}, {transform_indices = #map}, {transform_indices = #map}, {transform_indices = #map}, {transform_indices = #map1}, {transform_indices = #map1}, {transform_indices = #map}]} {
    %mul3A = arith.constant 16 : i32
    %mul3A_0 = arith.muli %arg0, %mul3A : i32
    %add3A = arith.addi %mul3A_0, %arg1 : i32
    %mul3A_1 = arith.constant 4 : i32
    %mul3A_2 = arith.muli %add3A, %mul3A_1 : i32
    "tpu.region"() ({
      %run_scoped3A = tpu.sem_alloc : memref<!tpu.dma_semaphore, #tpu.memory_space<semaphore_mem>>
      %dma_start3A_393 = arith.constant 0 : i32
      %dma_start3A_394 = tpu.memref_slice %arg2[%mul3A_2, %dma_start3A_393] : memref<128x128xi32, #tpu.memory_space<hbm>> -> memref<4x128xi32, #tpu.memory_space<hbm>>
      %dma_start3A_395 = arith.constant 0 : i32
      %dma_start3A_396 = tpu.memref_slice %arg2[%mul3A_2, %dma_start3A_395] : memref<128x128xi32, #tpu.memory_space<hbm>> -> memref<4x128xi32, #tpu.memory_space<hbm>>
      tpu.enqueue_dma source(%dma_start3A_396 : memref<4x128xi32, #tpu.memory_space<hbm>>) target(%arg10 : memref<4x128xi32, #tpu.memory_space<vmem>>) target_semaphore(%run_scoped3A : memref<!tpu.dma_semaphore, #tpu.memory_space<semaphore_mem>>)
      %dma_wait3A_397 = arith.constant 0 : i32
      %dma_wait3A_398 = tpu.memref_slice %arg2[%mul3A_2, %dma_wait3A_397] : memref<128x128xi32, #tpu.memory_space<hbm>> -> memref<4x128xi32, #tpu.memory_space<hbm>>
      %dma_wait3A_399 = arith.constant 0 : i32
      %dma_wait3A_400 = tpu.memref_slice %arg2[%mul3A_2, %dma_wait3A_399] : memref<128x128xi32, #tpu.memory_space<hbm>> -> memref<4x128xi32, #tpu.memory_space<hbm>>
      tpu.wait_dma2 semaphore(%run_scoped3A : memref<!tpu.dma_semaphore, #tpu.memory_space<semaphore_mem>>) src(%dma_wait3A_400 : memref<4x128xi32, #tpu.memory_space<hbm>>) dst(%arg10 : memref<4x128xi32, #tpu.memory_space<vmem>>)
      tpu.yield
    }) : () -> ()
    %mul3A_3 = arith.constant 4 : i32
    %mul3A_4 = arith.muli %add3A, %mul3A_3 : i32
    "tpu.region"() ({
      %run_scoped3A = tpu.sem_alloc : memref<!tpu.dma_semaphore, #tpu.memory_space<semaphore_mem>>
      %dma_start3A_393 = arith.constant 0 : i32
      %dma_start3A_394 = tpu.memref_slice %arg3[%mul3A_4, %dma_start3A_393] : memref<128x128xi32, #tpu.memory_space<hbm>> -> memref<4x128xi32, #tpu.memory_space<hbm>>
      %dma_start3A_395 = arith.constant 0 : i32
      %dma_start3A_396 = tpu.memref_slice %arg3[%mul3A_4, %dma_start3A_395] : memref<128x128xi32, #tpu.memory_space<hbm>> -> memref<4x128xi32, #tpu.memory_space<hbm>>
      tpu.enqueue_dma source(%dma_start3A_396 : memref<4x128xi32, #tpu.memory_space<hbm>>) target(%arg11 : memref<4x128xi32, #tpu.memory_space<vmem>>) target_semaphore(%run_scoped3A : memref<!tpu.dma_semaphore, #tpu.memory_space<semaphore_mem>>)
      %dma_wait3A_397 = arith.constant 0 : i32
      %dma_wait3A_398 = tpu.memref_slice %arg3[%mul3A_4, %dma_wait3A_397] : memref<128x128xi32, #tpu.memory_space<hbm>> -> memref<4x128xi32, #tpu.memory_space<hbm>>
      %dma_wait3A_399 = arith.constant 0 : i32
      %dma_wait3A_400 = tpu.memref_slice %arg3[%mul3A_4, %dma_wait3A_399] : memref<128x128xi32, #tpu.memory_space<hbm>> -> memref<4x128xi32, #tpu.memory_space<hbm>>
      tpu.wait_dma2 semaphore(%run_scoped3A : memref<!tpu.dma_semaphore, #tpu.memory_space<semaphore_mem>>) src(%dma_wait3A_400 : memref<4x128xi32, #tpu.memory_space<hbm>>) dst(%arg11 : memref<4x128xi32, #tpu.memory_space<vmem>>)
      tpu.yield
    }) : () -> ()
    %mul3A_5 = arith.constant 4 : i32
    %mul3A_6 = arith.muli %add3A, %mul3A_5 : i32
    "tpu.region"() ({
      %run_scoped3A = tpu.sem_alloc : memref<!tpu.dma_semaphore, #tpu.memory_space<semaphore_mem>>
      %dma_start3A_393 = arith.constant 0 : i32
      %dma_start3A_394 = tpu.memref_slice %arg4[%mul3A_6, %dma_start3A_393] : memref<128x128xi32, #tpu.memory_space<hbm>> -> memref<4x128xi32, #tpu.memory_space<hbm>>
      %dma_start3A_395 = arith.constant 0 : i32
      %dma_start3A_396 = tpu.memref_slice %arg4[%mul3A_6, %dma_start3A_395] : memref<128x128xi32, #tpu.memory_space<hbm>> -> memref<4x128xi32, #tpu.memory_space<hbm>>
      tpu.enqueue_dma source(%dma_start3A_396 : memref<4x128xi32, #tpu.memory_space<hbm>>) target(%arg12 : memref<4x128xi32, #tpu.memory_space<vmem>>) target_semaphore(%run_scoped3A : memref<!tpu.dma_semaphore, #tpu.memory_space<semaphore_mem>>)
      %dma_wait3A_397 = arith.constant 0 : i32
      %dma_wait3A_398 = tpu.memref_slice %arg4[%mul3A_6, %dma_wait3A_397] : memref<128x128xi32, #tpu.memory_space<hbm>> -> memref<4x128xi32, #tpu.memory_space<hbm>>
      %dma_wait3A_399 = arith.constant 0 : i32
      %dma_wait3A_400 = tpu.memref_slice %arg4[%mul3A_6, %dma_wait3A_399] : memref<128x128xi32, #tpu.memory_space<hbm>> -> memref<4x128xi32, #tpu.memory_space<hbm>>
      tpu.wait_dma2 semaphore(%run_scoped3A : memref<!tpu.dma_semaphore, #tpu.memory_space<semaphore_mem>>) src(%dma_wait3A_400 : memref<4x128xi32, #tpu.memory_space<hbm>>) dst(%arg12 : memref<4x128xi32, #tpu.memory_space<vmem>>)
      tpu.yield
    }) : () -> ()
    %dma_start3A = arith.constant 0 : i32
    %dma_start3A_7 = arith.constant 0 : i32
    %dma_start3A_8 = arith.constant 0 : i32
    %dma_start3A_9 = tpu.memref_slice %arg13[%dma_start3A_7, %dma_start3A_8] : memref<512x64xf32, #tpu.memory_space<vmem>> -> memref<128x64xf32, #tpu.memory_space<vmem>>
    %dma_start3A_10 = arith.constant 0 : i32
    %dma_start3A_11 = tpu.memref_slice %arg10[%dma_start3A, %dma_start3A_10] : memref<4x128xi32, #tpu.memory_space<vmem>> -> memref<1x128xi32, #tpu.memory_space<vmem>>
    %dma_start3A_12 = tpu.memref_squeeze %dma_start3A_11 : memref<1x128xi32, #tpu.memory_space<vmem>> -> memref<128xi32, #tpu.memory_space<vmem>>
    %dma_start3A_13 = arith.constant 0 : i32
    %dma_start3A_14 = arith.constant 0 : i32
    %dma_start3A_15 = tpu.memref_slice %arg5[%dma_start3A_13, %dma_start3A_14] : memref<1000001x64xf32, #tpu.memory_space<hbm>> -> memref<1000001x64xf32, #tpu.memory_space<hbm>>
    tpu.enqueue_indirect_dma source(%dma_start3A_15 : memref<1000001x64xf32, #tpu.memory_space<hbm>>) target(%dma_start3A_9 : memref<128x64xf32, #tpu.memory_space<vmem>>) offsets(%dma_start3A_12 : memref<128xi32, #tpu.memory_space<vmem>>) semaphore(%arg20 : memref<!tpu.dma_semaphore, #tpu.memory_space<semaphore_mem>>)
    %dma_start3A_16 = arith.constant 0 : i32
    %dma_start3A_17 = arith.constant 0 : i32
    %dma_start3A_18 = arith.constant 0 : i32
    %dma_start3A_19 = tpu.memref_slice %arg14[%dma_start3A_17, %dma_start3A_18] : memref<512x64xf32, #tpu.memory_space<vmem>> -> memref<128x64xf32, #tpu.memory_space<vmem>>
    %dma_start3A_20 = arith.constant 0 : i32
    %dma_start3A_21 = tpu.memref_slice %arg11[%dma_start3A_16, %dma_start3A_20] : memref<4x128xi32, #tpu.memory_space<vmem>> -> memref<1x128xi32, #tpu.memory_space<vmem>>
    %dma_start3A_22 = tpu.memref_squeeze %dma_start3A_21 : memref<1x128xi32, #tpu.memory_space<vmem>> -> memref<128xi32, #tpu.memory_space<vmem>>
    %dma_start3A_23 = arith.constant 0 : i32
    %dma_start3A_24 = arith.constant 0 : i32
    %dma_start3A_25 = tpu.memref_slice %arg6[%dma_start3A_23, %dma_start3A_24] : memref<1000001x64xf32, #tpu.memory_space<hbm>> -> memref<1000001x64xf32, #tpu.memory_space<hbm>>
    tpu.enqueue_indirect_dma source(%dma_start3A_25 : memref<1000001x64xf32, #tpu.memory_space<hbm>>) target(%dma_start3A_19 : memref<128x64xf32, #tpu.memory_space<vmem>>) offsets(%dma_start3A_22 : memref<128xi32, #tpu.memory_space<vmem>>) semaphore(%arg20 : memref<!tpu.dma_semaphore, #tpu.memory_space<semaphore_mem>>)
    %dma_start3A_26 = arith.constant 0 : i32
    %dma_start3A_27 = arith.constant 0 : i32
    %dma_start3A_28 = arith.constant 0 : i32
    %dma_start3A_29 = tpu.memref_slice %arg15[%dma_start3A_27, %dma_start3A_28] : memref<512x64xf32, #tpu.memory_space<vmem>> -> memref<128x64xf32, #tpu.memory_space<vmem>>
    %dma_start3A_30 = arith.constant 0 : i32
    %dma_start3A_31 = tpu.memref_slice %arg12[%dma_start3A_26, %dma_start3A_30] : memref<4x128xi32, #tpu.memory_space<vmem>> -> memref<1x128xi32, #tpu.memory_space<vmem>>
    %dma_start3A_32 = tpu.memref_squeeze %dma_start3A_31 : memref<1x128xi32, #tpu.memory_space<vmem>> -> memref<128xi32, #tpu.memory_space<vmem>>
    %dma_start3A_33 = arith.constant 0 : i32
    %dma_start3A_34 = arith.constant 0 : i32
    %dma_start3A_35 = tpu.memref_slice %arg6[%dma_start3A_33, %dma_start3A_34] : memref<1000001x64xf32, #tpu.memory_space<hbm>> -> memref<1000001x64xf32, #tpu.memory_space<hbm>>
    tpu.enqueue_indirect_dma source(%dma_start3A_35 : memref<1000001x64xf32, #tpu.memory_space<hbm>>) target(%dma_start3A_29 : memref<128x64xf32, #tpu.memory_space<vmem>>) offsets(%dma_start3A_32 : memref<128xi32, #tpu.memory_space<vmem>>) semaphore(%arg20 : memref<!tpu.dma_semaphore, #tpu.memory_space<semaphore_mem>>)
    %dma_start3A_36 = arith.constant 0 : i32
    %dma_start3A_37 = arith.constant 0 : i32
    %dma_start3A_38 = tpu.memref_slice %arg16[%dma_start3A_37] : memref<512xf32, #tpu.memory_space<vmem>> -> memref<128xf32, #tpu.memory_space<vmem>>
    %dma_start3A_39 = arith.constant 0 : i32
    %dma_start3A_40 = tpu.memref_slice %arg11[%dma_start3A_36, %dma_start3A_39] : memref<4x128xi32, #tpu.memory_space<vmem>> -> memref<1x128xi32, #tpu.memory_space<vmem>>
    %dma_start3A_41 = tpu.memref_squeeze %dma_start3A_40 : memref<1x128xi32, #tpu.memory_space<vmem>> -> memref<128xi32, #tpu.memory_space<vmem>>
    %dma_start3A_42 = arith.constant 0 : i32
    %dma_start3A_43 = tpu.memref_slice %arg7[%dma_start3A_42] : memref<1000001xf32, #tpu.memory_space<hbm>> -> memref<1000001xf32, #tpu.memory_space<hbm>>
    tpu.enqueue_indirect_dma source(%dma_start3A_43 : memref<1000001xf32, #tpu.memory_space<hbm>>) target(%dma_start3A_38 : memref<128xf32, #tpu.memory_space<vmem>>) offsets(%dma_start3A_41 : memref<128xi32, #tpu.memory_space<vmem>>) semaphore(%arg20 : memref<!tpu.dma_semaphore, #tpu.memory_space<semaphore_mem>>)
    %dma_start3A_44 = arith.constant 0 : i32
    %dma_start3A_45 = arith.constant 0 : i32
    %dma_start3A_46 = tpu.memref_slice %arg17[%dma_start3A_45] : memref<512xf32, #tpu.memory_space<vmem>> -> memref<128xf32, #tpu.memory_space<vmem>>
    %dma_start3A_47 = arith.constant 0 : i32
    %dma_start3A_48 = tpu.memref_slice %arg12[%dma_start3A_44, %dma_start3A_47] : memref<4x128xi32, #tpu.memory_space<vmem>> -> memref<1x128xi32, #tpu.memory_space<vmem>>
    %dma_start3A_49 = tpu.memref_squeeze %dma_start3A_48 : memref<1x128xi32, #tpu.memory_space<vmem>> -> memref<128xi32, #tpu.memory_space<vmem>>
    %dma_start3A_50 = arith.constant 0 : i32
    %dma_start3A_51 = tpu.memref_slice %arg7[%dma_start3A_50] : memref<1000001xf32, #tpu.memory_space<hbm>> -> memref<1000001xf32, #tpu.memory_space<hbm>>
    tpu.enqueue_indirect_dma source(%dma_start3A_51 : memref<1000001xf32, #tpu.memory_space<hbm>>) target(%dma_start3A_46 : memref<128xf32, #tpu.memory_space<vmem>>) offsets(%dma_start3A_49 : memref<128xi32, #tpu.memory_space<vmem>>) semaphore(%arg20 : memref<!tpu.dma_semaphore, #tpu.memory_space<semaphore_mem>>)
    %dma_start3A_52 = arith.constant 1 : i32
    %dma_start3A_53 = arith.constant 128 : i32
    %dma_start3A_54 = arith.constant 0 : i32
    %dma_start3A_55 = tpu.memref_slice %arg13[%dma_start3A_53, %dma_start3A_54] : memref<512x64xf32, #tpu.memory_space<vmem>> -> memref<128x64xf32, #tpu.memory_space<vmem>>
    %dma_start3A_56 = arith.constant 0 : i32
    %dma_start3A_57 = tpu.memref_slice %arg10[%dma_start3A_52, %dma_start3A_56] : memref<4x128xi32, #tpu.memory_space<vmem>> -> memref<1x128xi32, #tpu.memory_space<vmem>>
    %dma_start3A_58 = tpu.memref_squeeze %dma_start3A_57 : memref<1x128xi32, #tpu.memory_space<vmem>> -> memref<128xi32, #tpu.memory_space<vmem>>
    %dma_start3A_59 = arith.constant 0 : i32
    %dma_start3A_60 = arith.constant 0 : i32
    %dma_start3A_61 = tpu.memref_slice %arg5[%dma_start3A_59, %dma_start3A_60] : memref<1000001x64xf32, #tpu.memory_space<hbm>> -> memref<1000001x64xf32, #tpu.memory_space<hbm>>
    tpu.enqueue_indirect_dma source(%dma_start3A_61 : memref<1000001x64xf32, #tpu.memory_space<hbm>>) target(%dma_start3A_55 : memref<128x64xf32, #tpu.memory_space<vmem>>) offsets(%dma_start3A_58 : memref<128xi32, #tpu.memory_space<vmem>>) semaphore(%arg20 : memref<!tpu.dma_semaphore, #tpu.memory_space<semaphore_mem>>)
    %dma_start3A_62 = arith.constant 1 : i32
    %dma_start3A_63 = arith.constant 128 : i32
    %dma_start3A_64 = arith.constant 0 : i32
    %dma_start3A_65 = tpu.memref_slice %arg14[%dma_start3A_63, %dma_start3A_64] : memref<512x64xf32, #tpu.memory_space<vmem>> -> memref<128x64xf32, #tpu.memory_space<vmem>>
    %dma_start3A_66 = arith.constant 0 : i32
    %dma_start3A_67 = tpu.memref_slice %arg11[%dma_start3A_62, %dma_start3A_66] : memref<4x128xi32, #tpu.memory_space<vmem>> -> memref<1x128xi32, #tpu.memory_space<vmem>>
    %dma_start3A_68 = tpu.memref_squeeze %dma_start3A_67 : memref<1x128xi32, #tpu.memory_space<vmem>> -> memref<128xi32, #tpu.memory_space<vmem>>
    %dma_start3A_69 = arith.constant 0 : i32
    %dma_start3A_70 = arith.constant 0 : i32
    %dma_start3A_71 = tpu.memref_slice %arg6[%dma_start3A_69, %dma_start3A_70] : memref<1000001x64xf32, #tpu.memory_space<hbm>> -> memref<1000001x64xf32, #tpu.memory_space<hbm>>
    tpu.enqueue_indirect_dma source(%dma_start3A_71 : memref<1000001x64xf32, #tpu.memory_space<hbm>>) target(%dma_start3A_65 : memref<128x64xf32, #tpu.memory_space<vmem>>) offsets(%dma_start3A_68 : memref<128xi32, #tpu.memory_space<vmem>>) semaphore(%arg20 : memref<!tpu.dma_semaphore, #tpu.memory_space<semaphore_mem>>)
    %dma_start3A_72 = arith.constant 1 : i32
    %dma_start3A_73 = arith.constant 128 : i32
    %dma_start3A_74 = arith.constant 0 : i32
    %dma_start3A_75 = tpu.memref_slice %arg15[%dma_start3A_73, %dma_start3A_74] : memref<512x64xf32, #tpu.memory_space<vmem>> -> memref<128x64xf32, #tpu.memory_space<vmem>>
    %dma_start3A_76 = arith.constant 0 : i32
    %dma_start3A_77 = tpu.memref_slice %arg12[%dma_start3A_72, %dma_start3A_76] : memref<4x128xi32, #tpu.memory_space<vmem>> -> memref<1x128xi32, #tpu.memory_space<vmem>>
    %dma_start3A_78 = tpu.memref_squeeze %dma_start3A_77 : memref<1x128xi32, #tpu.memory_space<vmem>> -> memref<128xi32, #tpu.memory_space<vmem>>
    %dma_start3A_79 = arith.constant 0 : i32
    %dma_start3A_80 = arith.constant 0 : i32
    %dma_start3A_81 = tpu.memref_slice %arg6[%dma_start3A_79, %dma_start3A_80] : memref<1000001x64xf32, #tpu.memory_space<hbm>> -> memref<1000001x64xf32, #tpu.memory_space<hbm>>
    tpu.enqueue_indirect_dma source(%dma_start3A_81 : memref<1000001x64xf32, #tpu.memory_space<hbm>>) target(%dma_start3A_75 : memref<128x64xf32, #tpu.memory_space<vmem>>) offsets(%dma_start3A_78 : memref<128xi32, #tpu.memory_space<vmem>>) semaphore(%arg20 : memref<!tpu.dma_semaphore, #tpu.memory_space<semaphore_mem>>)
    %dma_start3A_82 = arith.constant 1 : i32
    %dma_start3A_83 = arith.constant 128 : i32
    %dma_start3A_84 = tpu.memref_slice %arg16[%dma_start3A_83] : memref<512xf32, #tpu.memory_space<vmem>> -> memref<128xf32, #tpu.memory_space<vmem>>
    %dma_start3A_85 = arith.constant 0 : i32
    %dma_start3A_86 = tpu.memref_slice %arg11[%dma_start3A_82, %dma_start3A_85] : memref<4x128xi32, #tpu.memory_space<vmem>> -> memref<1x128xi32, #tpu.memory_space<vmem>>
    %dma_start3A_87 = tpu.memref_squeeze %dma_start3A_86 : memref<1x128xi32, #tpu.memory_space<vmem>> -> memref<128xi32, #tpu.memory_space<vmem>>
    %dma_start3A_88 = arith.constant 0 : i32
    %dma_start3A_89 = tpu.memref_slice %arg7[%dma_start3A_88] : memref<1000001xf32, #tpu.memory_space<hbm>> -> memref<1000001xf32, #tpu.memory_space<hbm>>
    tpu.enqueue_indirect_dma source(%dma_start3A_89 : memref<1000001xf32, #tpu.memory_space<hbm>>) target(%dma_start3A_84 : memref<128xf32, #tpu.memory_space<vmem>>) offsets(%dma_start3A_87 : memref<128xi32, #tpu.memory_space<vmem>>) semaphore(%arg20 : memref<!tpu.dma_semaphore, #tpu.memory_space<semaphore_mem>>)
    %dma_start3A_90 = arith.constant 1 : i32
    %dma_start3A_91 = arith.constant 128 : i32
    %dma_start3A_92 = tpu.memref_slice %arg17[%dma_start3A_91] : memref<512xf32, #tpu.memory_space<vmem>> -> memref<128xf32, #tpu.memory_space<vmem>>
    %dma_start3A_93 = arith.constant 0 : i32
    %dma_start3A_94 = tpu.memref_slice %arg12[%dma_start3A_90, %dma_start3A_93] : memref<4x128xi32, #tpu.memory_space<vmem>> -> memref<1x128xi32, #tpu.memory_space<vmem>>
    %dma_start3A_95 = tpu.memref_squeeze %dma_start3A_94 : memref<1x128xi32, #tpu.memory_space<vmem>> -> memref<128xi32, #tpu.memory_space<vmem>>
    %dma_start3A_96 = arith.constant 0 : i32
    %dma_start3A_97 = tpu.memref_slice %arg7[%dma_start3A_96] : memref<1000001xf32, #tpu.memory_space<hbm>> -> memref<1000001xf32, #tpu.memory_space<hbm>>
    tpu.enqueue_indirect_dma source(%dma_start3A_97 : memref<1000001xf32, #tpu.memory_space<hbm>>) target(%dma_start3A_92 : memref<128xf32, #tpu.memory_space<vmem>>) offsets(%dma_start3A_95 : memref<128xi32, #tpu.memory_space<vmem>>) semaphore(%arg20 : memref<!tpu.dma_semaphore, #tpu.memory_space<semaphore_mem>>)
    %dma_start3A_98 = arith.constant 2 : i32
    %dma_start3A_99 = arith.constant 256 : i32
    %dma_start3A_100 = arith.constant 0 : i32
    %dma_start3A_101 = tpu.memref_slice %arg13[%dma_start3A_99, %dma_start3A_100] : memref<512x64xf32, #tpu.memory_space<vmem>> -> memref<128x64xf32, #tpu.memory_space<vmem>>
    %dma_start3A_102 = arith.constant 0 : i32
    %dma_start3A_103 = tpu.memref_slice %arg10[%dma_start3A_98, %dma_start3A_102] : memref<4x128xi32, #tpu.memory_space<vmem>> -> memref<1x128xi32, #tpu.memory_space<vmem>>
    %dma_start3A_104 = tpu.memref_squeeze %dma_start3A_103 : memref<1x128xi32, #tpu.memory_space<vmem>> -> memref<128xi32, #tpu.memory_space<vmem>>
    %dma_start3A_105 = arith.constant 0 : i32
    %dma_start3A_106 = arith.constant 0 : i32
    %dma_start3A_107 = tpu.memref_slice %arg5[%dma_start3A_105, %dma_start3A_106] : memref<1000001x64xf32, #tpu.memory_space<hbm>> -> memref<1000001x64xf32, #tpu.memory_space<hbm>>
    tpu.enqueue_indirect_dma source(%dma_start3A_107 : memref<1000001x64xf32, #tpu.memory_space<hbm>>) target(%dma_start3A_101 : memref<128x64xf32, #tpu.memory_space<vmem>>) offsets(%dma_start3A_104 : memref<128xi32, #tpu.memory_space<vmem>>) semaphore(%arg20 : memref<!tpu.dma_semaphore, #tpu.memory_space<semaphore_mem>>)
    %dma_start3A_108 = arith.constant 2 : i32
    %dma_start3A_109 = arith.constant 256 : i32
    %dma_start3A_110 = arith.constant 0 : i32
    %dma_start3A_111 = tpu.memref_slice %arg14[%dma_start3A_109, %dma_start3A_110] : memref<512x64xf32, #tpu.memory_space<vmem>> -> memref<128x64xf32, #tpu.memory_space<vmem>>
    %dma_start3A_112 = arith.constant 0 : i32
    %dma_start3A_113 = tpu.memref_slice %arg11[%dma_start3A_108, %dma_start3A_112] : memref<4x128xi32, #tpu.memory_space<vmem>> -> memref<1x128xi32, #tpu.memory_space<vmem>>
    %dma_start3A_114 = tpu.memref_squeeze %dma_start3A_113 : memref<1x128xi32, #tpu.memory_space<vmem>> -> memref<128xi32, #tpu.memory_space<vmem>>
    %dma_start3A_115 = arith.constant 0 : i32
    %dma_start3A_116 = arith.constant 0 : i32
    %dma_start3A_117 = tpu.memref_slice %arg6[%dma_start3A_115, %dma_start3A_116] : memref<1000001x64xf32, #tpu.memory_space<hbm>> -> memref<1000001x64xf32, #tpu.memory_space<hbm>>
    tpu.enqueue_indirect_dma source(%dma_start3A_117 : memref<1000001x64xf32, #tpu.memory_space<hbm>>) target(%dma_start3A_111 : memref<128x64xf32, #tpu.memory_space<vmem>>) offsets(%dma_start3A_114 : memref<128xi32, #tpu.memory_space<vmem>>) semaphore(%arg20 : memref<!tpu.dma_semaphore, #tpu.memory_space<semaphore_mem>>)
    %dma_start3A_118 = arith.constant 2 : i32
    %dma_start3A_119 = arith.constant 256 : i32
    %dma_start3A_120 = arith.constant 0 : i32
    %dma_start3A_121 = tpu.memref_slice %arg15[%dma_start3A_119, %dma_start3A_120] : memref<512x64xf32, #tpu.memory_space<vmem>> -> memref<128x64xf32, #tpu.memory_space<vmem>>
    %dma_start3A_122 = arith.constant 0 : i32
    %dma_start3A_123 = tpu.memref_slice %arg12[%dma_start3A_118, %dma_start3A_122] : memref<4x128xi32, #tpu.memory_space<vmem>> -> memref<1x128xi32, #tpu.memory_space<vmem>>
    %dma_start3A_124 = tpu.memref_squeeze %dma_start3A_123 : memref<1x128xi32, #tpu.memory_space<vmem>> -> memref<128xi32, #tpu.memory_space<vmem>>
    %dma_start3A_125 = arith.constant 0 : i32
    %dma_start3A_126 = arith.constant 0 : i32
    %dma_start3A_127 = tpu.memref_slice %arg6[%dma_start3A_125, %dma_start3A_126] : memref<1000001x64xf32, #tpu.memory_space<hbm>> -> memref<1000001x64xf32, #tpu.memory_space<hbm>>
    tpu.enqueue_indirect_dma source(%dma_start3A_127 : memref<1000001x64xf32, #tpu.memory_space<hbm>>) target(%dma_start3A_121 : memref<128x64xf32, #tpu.memory_space<vmem>>) offsets(%dma_start3A_124 : memref<128xi32, #tpu.memory_space<vmem>>) semaphore(%arg20 : memref<!tpu.dma_semaphore, #tpu.memory_space<semaphore_mem>>)
    %dma_start3A_128 = arith.constant 2 : i32
    %dma_start3A_129 = arith.constant 256 : i32
    %dma_start3A_130 = tpu.memref_slice %arg16[%dma_start3A_129] : memref<512xf32, #tpu.memory_space<vmem>> -> memref<128xf32, #tpu.memory_space<vmem>>
    %dma_start3A_131 = arith.constant 0 : i32
    %dma_start3A_132 = tpu.memref_slice %arg11[%dma_start3A_128, %dma_start3A_131] : memref<4x128xi32, #tpu.memory_space<vmem>> -> memref<1x128xi32, #tpu.memory_space<vmem>>
    %dma_start3A_133 = tpu.memref_squeeze %dma_start3A_132 : memref<1x128xi32, #tpu.memory_space<vmem>> -> memref<128xi32, #tpu.memory_space<vmem>>
    %dma_start3A_134 = arith.constant 0 : i32
    %dma_start3A_135 = tpu.memref_slice %arg7[%dma_start3A_134] : memref<1000001xf32, #tpu.memory_space<hbm>> -> memref<1000001xf32, #tpu.memory_space<hbm>>
    tpu.enqueue_indirect_dma source(%dma_start3A_135 : memref<1000001xf32, #tpu.memory_space<hbm>>) target(%dma_start3A_130 : memref<128xf32, #tpu.memory_space<vmem>>) offsets(%dma_start3A_133 : memref<128xi32, #tpu.memory_space<vmem>>) semaphore(%arg20 : memref<!tpu.dma_semaphore, #tpu.memory_space<semaphore_mem>>)
    %dma_start3A_136 = arith.constant 2 : i32
    %dma_start3A_137 = arith.constant 256 : i32
    %dma_start3A_138 = tpu.memref_slice %arg17[%dma_start3A_137] : memref<512xf32, #tpu.memory_space<vmem>> -> memref<128xf32, #tpu.memory_space<vmem>>
    %dma_start3A_139 = arith.constant 0 : i32
    %dma_start3A_140 = tpu.memref_slice %arg12[%dma_start3A_136, %dma_start3A_139] : memref<4x128xi32, #tpu.memory_space<vmem>> -> memref<1x128xi32, #tpu.memory_space<vmem>>
    %dma_start3A_141 = tpu.memref_squeeze %dma_start3A_140 : memref<1x128xi32, #tpu.memory_space<vmem>> -> memref<128xi32, #tpu.memory_space<vmem>>
    %dma_start3A_142 = arith.constant 0 : i32
    %dma_start3A_143 = tpu.memref_slice %arg7[%dma_start3A_142] : memref<1000001xf32, #tpu.memory_space<hbm>> -> memref<1000001xf32, #tpu.memory_space<hbm>>
    tpu.enqueue_indirect_dma source(%dma_start3A_143 : memref<1000001xf32, #tpu.memory_space<hbm>>) target(%dma_start3A_138 : memref<128xf32, #tpu.memory_space<vmem>>) offsets(%dma_start3A_141 : memref<128xi32, #tpu.memory_space<vmem>>) semaphore(%arg20 : memref<!tpu.dma_semaphore, #tpu.memory_space<semaphore_mem>>)
    %dma_start3A_144 = arith.constant 3 : i32
    %dma_start3A_145 = arith.constant 384 : i32
    %dma_start3A_146 = arith.constant 0 : i32
    %dma_start3A_147 = tpu.memref_slice %arg13[%dma_start3A_145, %dma_start3A_146] : memref<512x64xf32, #tpu.memory_space<vmem>> -> memref<128x64xf32, #tpu.memory_space<vmem>>
    %dma_start3A_148 = arith.constant 0 : i32
    %dma_start3A_149 = tpu.memref_slice %arg10[%dma_start3A_144, %dma_start3A_148] : memref<4x128xi32, #tpu.memory_space<vmem>> -> memref<1x128xi32, #tpu.memory_space<vmem>>
    %dma_start3A_150 = tpu.memref_squeeze %dma_start3A_149 : memref<1x128xi32, #tpu.memory_space<vmem>> -> memref<128xi32, #tpu.memory_space<vmem>>
    %dma_start3A_151 = arith.constant 0 : i32
    %dma_start3A_152 = arith.constant 0 : i32
    %dma_start3A_153 = tpu.memref_slice %arg5[%dma_start3A_151, %dma_start3A_152] : memref<1000001x64xf32, #tpu.memory_space<hbm>> -> memref<1000001x64xf32, #tpu.memory_space<hbm>>
    tpu.enqueue_indirect_dma source(%dma_start3A_153 : memref<1000001x64xf32, #tpu.memory_space<hbm>>) target(%dma_start3A_147 : memref<128x64xf32, #tpu.memory_space<vmem>>) offsets(%dma_start3A_150 : memref<128xi32, #tpu.memory_space<vmem>>) semaphore(%arg20 : memref<!tpu.dma_semaphore, #tpu.memory_space<semaphore_mem>>)
    %dma_start3A_154 = arith.constant 3 : i32
    %dma_start3A_155 = arith.constant 384 : i32
    %dma_start3A_156 = arith.constant 0 : i32
    %dma_start3A_157 = tpu.memref_slice %arg14[%dma_start3A_155, %dma_start3A_156] : memref<512x64xf32, #tpu.memory_space<vmem>> -> memref<128x64xf32, #tpu.memory_space<vmem>>
    %dma_start3A_158 = arith.constant 0 : i32
    %dma_start3A_159 = tpu.memref_slice %arg11[%dma_start3A_154, %dma_start3A_158] : memref<4x128xi32, #tpu.memory_space<vmem>> -> memref<1x128xi32, #tpu.memory_space<vmem>>
    %dma_start3A_160 = tpu.memref_squeeze %dma_start3A_159 : memref<1x128xi32, #tpu.memory_space<vmem>> -> memref<128xi32, #tpu.memory_space<vmem>>
    %dma_start3A_161 = arith.constant 0 : i32
    %dma_start3A_162 = arith.constant 0 : i32
    %dma_start3A_163 = tpu.memref_slice %arg6[%dma_start3A_161, %dma_start3A_162] : memref<1000001x64xf32, #tpu.memory_space<hbm>> -> memref<1000001x64xf32, #tpu.memory_space<hbm>>
    tpu.enqueue_indirect_dma source(%dma_start3A_163 : memref<1000001x64xf32, #tpu.memory_space<hbm>>) target(%dma_start3A_157 : memref<128x64xf32, #tpu.memory_space<vmem>>) offsets(%dma_start3A_160 : memref<128xi32, #tpu.memory_space<vmem>>) semaphore(%arg20 : memref<!tpu.dma_semaphore, #tpu.memory_space<semaphore_mem>>)
    %dma_start3A_164 = arith.constant 3 : i32
    %dma_start3A_165 = arith.constant 384 : i32
    %dma_start3A_166 = arith.constant 0 : i32
    %dma_start3A_167 = tpu.memref_slice %arg15[%dma_start3A_165, %dma_start3A_166] : memref<512x64xf32, #tpu.memory_space<vmem>> -> memref<128x64xf32, #tpu.memory_space<vmem>>
    %dma_start3A_168 = arith.constant 0 : i32
    %dma_start3A_169 = tpu.memref_slice %arg12[%dma_start3A_164, %dma_start3A_168] : memref<4x128xi32, #tpu.memory_space<vmem>> -> memref<1x128xi32, #tpu.memory_space<vmem>>
    %dma_start3A_170 = tpu.memref_squeeze %dma_start3A_169 : memref<1x128xi32, #tpu.memory_space<vmem>> -> memref<128xi32, #tpu.memory_space<vmem>>
    %dma_start3A_171 = arith.constant 0 : i32
    %dma_start3A_172 = arith.constant 0 : i32
    %dma_start3A_173 = tpu.memref_slice %arg6[%dma_start3A_171, %dma_start3A_172] : memref<1000001x64xf32, #tpu.memory_space<hbm>> -> memref<1000001x64xf32, #tpu.memory_space<hbm>>
    tpu.enqueue_indirect_dma source(%dma_start3A_173 : memref<1000001x64xf32, #tpu.memory_space<hbm>>) target(%dma_start3A_167 : memref<128x64xf32, #tpu.memory_space<vmem>>) offsets(%dma_start3A_170 : memref<128xi32, #tpu.memory_space<vmem>>) semaphore(%arg20 : memref<!tpu.dma_semaphore, #tpu.memory_space<semaphore_mem>>)
    %dma_start3A_174 = arith.constant 3 : i32
    %dma_start3A_175 = arith.constant 384 : i32
    %dma_start3A_176 = tpu.memref_slice %arg16[%dma_start3A_175] : memref<512xf32, #tpu.memory_space<vmem>> -> memref<128xf32, #tpu.memory_space<vmem>>
    %dma_start3A_177 = arith.constant 0 : i32
    %dma_start3A_178 = tpu.memref_slice %arg11[%dma_start3A_174, %dma_start3A_177] : memref<4x128xi32, #tpu.memory_space<vmem>> -> memref<1x128xi32, #tpu.memory_space<vmem>>
    %dma_start3A_179 = tpu.memref_squeeze %dma_start3A_178 : memref<1x128xi32, #tpu.memory_space<vmem>> -> memref<128xi32, #tpu.memory_space<vmem>>
    %dma_start3A_180 = arith.constant 0 : i32
    %dma_start3A_181 = tpu.memref_slice %arg7[%dma_start3A_180] : memref<1000001xf32, #tpu.memory_space<hbm>> -> memref<1000001xf32, #tpu.memory_space<hbm>>
    tpu.enqueue_indirect_dma source(%dma_start3A_181 : memref<1000001xf32, #tpu.memory_space<hbm>>) target(%dma_start3A_176 : memref<128xf32, #tpu.memory_space<vmem>>) offsets(%dma_start3A_179 : memref<128xi32, #tpu.memory_space<vmem>>) semaphore(%arg20 : memref<!tpu.dma_semaphore, #tpu.memory_space<semaphore_mem>>)
    %dma_start3A_182 = arith.constant 3 : i32
    %dma_start3A_183 = arith.constant 384 : i32
    %dma_start3A_184 = tpu.memref_slice %arg17[%dma_start3A_183] : memref<512xf32, #tpu.memory_space<vmem>> -> memref<128xf32, #tpu.memory_space<vmem>>
    %dma_start3A_185 = arith.constant 0 : i32
    %dma_start3A_186 = tpu.memref_slice %arg12[%dma_start3A_182, %dma_start3A_185] : memref<4x128xi32, #tpu.memory_space<vmem>> -> memref<1x128xi32, #tpu.memory_space<vmem>>
    %dma_start3A_187 = tpu.memref_squeeze %dma_start3A_186 : memref<1x128xi32, #tpu.memory_space<vmem>> -> memref<128xi32, #tpu.memory_space<vmem>>
    %dma_start3A_188 = arith.constant 0 : i32
    %dma_start3A_189 = tpu.memref_slice %arg7[%dma_start3A_188] : memref<1000001xf32, #tpu.memory_space<hbm>> -> memref<1000001xf32, #tpu.memory_space<hbm>>
    tpu.enqueue_indirect_dma source(%dma_start3A_189 : memref<1000001xf32, #tpu.memory_space<hbm>>) target(%dma_start3A_184 : memref<128xf32, #tpu.memory_space<vmem>>) offsets(%dma_start3A_187 : memref<128xi32, #tpu.memory_space<vmem>>) semaphore(%arg20 : memref<!tpu.dma_semaphore, #tpu.memory_space<semaphore_mem>>)
    %dma_wait3A = arith.constant 0 : i32
    %dma_wait3A_190 = arith.constant 0 : i32
    %dma_wait3A_191 = arith.constant 0 : i32
    %dma_wait3A_192 = tpu.memref_slice %arg13[%dma_wait3A_190, %dma_wait3A_191] : memref<512x64xf32, #tpu.memory_space<vmem>> -> memref<128x64xf32, #tpu.memory_space<vmem>>
    %dma_wait3A_193 = arith.constant 0 : i32
    %dma_wait3A_194 = tpu.memref_slice %arg10[%dma_wait3A, %dma_wait3A_193] : memref<4x128xi32, #tpu.memory_space<vmem>> -> memref<1x128xi32, #tpu.memory_space<vmem>>
    %dma_wait3A_195 = tpu.memref_squeeze %dma_wait3A_194 : memref<1x128xi32, #tpu.memory_space<vmem>> -> memref<128xi32, #tpu.memory_space<vmem>>
    %dma_wait3A_196 = arith.constant 0 : i32
    %dma_wait3A_197 = arith.constant 0 : i32
    %dma_wait3A_198 = tpu.memref_slice %arg5[%dma_wait3A_196, %dma_wait3A_197] : memref<1000001x64xf32, #tpu.memory_space<hbm>> -> memref<1000001x64xf32, #tpu.memory_space<hbm>>
    tpu.wait_indirect_dma semaphore(%arg20 : memref<!tpu.dma_semaphore, #tpu.memory_space<semaphore_mem>>) src(%dma_wait3A_198 : memref<1000001x64xf32, #tpu.memory_space<hbm>>) dst(%dma_wait3A_192 : memref<128x64xf32, #tpu.memory_space<vmem>>)
    %dma_wait3A_199 = arith.constant 0 : i32
    %dma_wait3A_200 = arith.constant 0 : i32
    %dma_wait3A_201 = arith.constant 0 : i32
    %dma_wait3A_202 = tpu.memref_slice %arg14[%dma_wait3A_200, %dma_wait3A_201] : memref<512x64xf32, #tpu.memory_space<vmem>> -> memref<128x64xf32, #tpu.memory_space<vmem>>
    %dma_wait3A_203 = arith.constant 0 : i32
    %dma_wait3A_204 = tpu.memref_slice %arg11[%dma_wait3A_199, %dma_wait3A_203] : memref<4x128xi32, #tpu.memory_space<vmem>> -> memref<1x128xi32, #tpu.memory_space<vmem>>
    %dma_wait3A_205 = tpu.memref_squeeze %dma_wait3A_204 : memref<1x128xi32, #tpu.memory_space<vmem>> -> memref<128xi32, #tpu.memory_space<vmem>>
    %dma_wait3A_206 = arith.constant 0 : i32
    %dma_wait3A_207 = arith.constant 0 : i32
    %dma_wait3A_208 = tpu.memref_slice %arg6[%dma_wait3A_206, %dma_wait3A_207] : memref<1000001x64xf32, #tpu.memory_space<hbm>> -> memref<1000001x64xf32, #tpu.memory_space<hbm>>
    tpu.wait_indirect_dma semaphore(%arg20 : memref<!tpu.dma_semaphore, #tpu.memory_space<semaphore_mem>>) src(%dma_wait3A_208 : memref<1000001x64xf32, #tpu.memory_space<hbm>>) dst(%dma_wait3A_202 : memref<128x64xf32, #tpu.memory_space<vmem>>)
    %dma_wait3A_209 = arith.constant 0 : i32
    %dma_wait3A_210 = arith.constant 0 : i32
    %dma_wait3A_211 = arith.constant 0 : i32
    %dma_wait3A_212 = tpu.memref_slice %arg15[%dma_wait3A_210, %dma_wait3A_211] : memref<512x64xf32, #tpu.memory_space<vmem>> -> memref<128x64xf32, #tpu.memory_space<vmem>>
    %dma_wait3A_213 = arith.constant 0 : i32
    %dma_wait3A_214 = tpu.memref_slice %arg12[%dma_wait3A_209, %dma_wait3A_213] : memref<4x128xi32, #tpu.memory_space<vmem>> -> memref<1x128xi32, #tpu.memory_space<vmem>>
    %dma_wait3A_215 = tpu.memref_squeeze %dma_wait3A_214 : memref<1x128xi32, #tpu.memory_space<vmem>> -> memref<128xi32, #tpu.memory_space<vmem>>
    %dma_wait3A_216 = arith.constant 0 : i32
    %dma_wait3A_217 = arith.constant 0 : i32
    %dma_wait3A_218 = tpu.memref_slice %arg6[%dma_wait3A_216, %dma_wait3A_217] : memref<1000001x64xf32, #tpu.memory_space<hbm>> -> memref<1000001x64xf32, #tpu.memory_space<hbm>>
    tpu.wait_indirect_dma semaphore(%arg20 : memref<!tpu.dma_semaphore, #tpu.memory_space<semaphore_mem>>) src(%dma_wait3A_218 : memref<1000001x64xf32, #tpu.memory_space<hbm>>) dst(%dma_wait3A_212 : memref<128x64xf32, #tpu.memory_space<vmem>>)
    %dma_wait3A_219 = arith.constant 0 : i32
    %dma_wait3A_220 = arith.constant 0 : i32
    %dma_wait3A_221 = tpu.memref_slice %arg16[%dma_wait3A_220] : memref<512xf32, #tpu.memory_space<vmem>> -> memref<128xf32, #tpu.memory_space<vmem>>
    %dma_wait3A_222 = arith.constant 0 : i32
    %dma_wait3A_223 = tpu.memref_slice %arg11[%dma_wait3A_219, %dma_wait3A_222] : memref<4x128xi32, #tpu.memory_space<vmem>> -> memref<1x128xi32, #tpu.memory_space<vmem>>
    %dma_wait3A_224 = tpu.memref_squeeze %dma_wait3A_223 : memref<1x128xi32, #tpu.memory_space<vmem>> -> memref<128xi32, #tpu.memory_space<vmem>>
    %dma_wait3A_225 = arith.constant 0 : i32
    %dma_wait3A_226 = tpu.memref_slice %arg7[%dma_wait3A_225] : memref<1000001xf32, #tpu.memory_space<hbm>> -> memref<1000001xf32, #tpu.memory_space<hbm>>
    tpu.wait_indirect_dma semaphore(%arg20 : memref<!tpu.dma_semaphore, #tpu.memory_space<semaphore_mem>>) src(%dma_wait3A_226 : memref<1000001xf32, #tpu.memory_space<hbm>>) dst(%dma_wait3A_221 : memref<128xf32, #tpu.memory_space<vmem>>)
    %dma_wait3A_227 = arith.constant 0 : i32
    %dma_wait3A_228 = arith.constant 0 : i32
    %dma_wait3A_229 = tpu.memref_slice %arg17[%dma_wait3A_228] : memref<512xf32, #tpu.memory_space<vmem>> -> memref<128xf32, #tpu.memory_space<vmem>>
    %dma_wait3A_230 = arith.constant 0 : i32
    %dma_wait3A_231 = tpu.memref_slice %arg12[%dma_wait3A_227, %dma_wait3A_230] : memref<4x128xi32, #tpu.memory_space<vmem>> -> memref<1x128xi32, #tpu.memory_space<vmem>>
    %dma_wait3A_232 = tpu.memref_squeeze %dma_wait3A_231 : memref<1x128xi32, #tpu.memory_space<vmem>> -> memref<128xi32, #tpu.memory_space<vmem>>
    %dma_wait3A_233 = arith.constant 0 : i32
    %dma_wait3A_234 = tpu.memref_slice %arg7[%dma_wait3A_233] : memref<1000001xf32, #tpu.memory_space<hbm>> -> memref<1000001xf32, #tpu.memory_space<hbm>>
    tpu.wait_indirect_dma semaphore(%arg20 : memref<!tpu.dma_semaphore, #tpu.memory_space<semaphore_mem>>) src(%dma_wait3A_234 : memref<1000001xf32, #tpu.memory_space<hbm>>) dst(%dma_wait3A_229 : memref<128xf32, #tpu.memory_space<vmem>>)
    %dma_wait3A_235 = arith.constant 1 : i32
    %dma_wait3A_236 = arith.constant 128 : i32
    %dma_wait3A_237 = arith.constant 0 : i32
    %dma_wait3A_238 = tpu.memref_slice %arg13[%dma_wait3A_236, %dma_wait3A_237] : memref<512x64xf32, #tpu.memory_space<vmem>> -> memref<128x64xf32, #tpu.memory_space<vmem>>
    %dma_wait3A_239 = arith.constant 0 : i32
    %dma_wait3A_240 = tpu.memref_slice %arg10[%dma_wait3A_235, %dma_wait3A_239] : memref<4x128xi32, #tpu.memory_space<vmem>> -> memref<1x128xi32, #tpu.memory_space<vmem>>
    %dma_wait3A_241 = tpu.memref_squeeze %dma_wait3A_240 : memref<1x128xi32, #tpu.memory_space<vmem>> -> memref<128xi32, #tpu.memory_space<vmem>>
    %dma_wait3A_242 = arith.constant 0 : i32
    %dma_wait3A_243 = arith.constant 0 : i32
    %dma_wait3A_244 = tpu.memref_slice %arg5[%dma_wait3A_242, %dma_wait3A_243] : memref<1000001x64xf32, #tpu.memory_space<hbm>> -> memref<1000001x64xf32, #tpu.memory_space<hbm>>
    tpu.wait_indirect_dma semaphore(%arg20 : memref<!tpu.dma_semaphore, #tpu.memory_space<semaphore_mem>>) src(%dma_wait3A_244 : memref<1000001x64xf32, #tpu.memory_space<hbm>>) dst(%dma_wait3A_238 : memref<128x64xf32, #tpu.memory_space<vmem>>)
    %dma_wait3A_245 = arith.constant 1 : i32
    %dma_wait3A_246 = arith.constant 128 : i32
    %dma_wait3A_247 = arith.constant 0 : i32
    %dma_wait3A_248 = tpu.memref_slice %arg14[%dma_wait3A_246, %dma_wait3A_247] : memref<512x64xf32, #tpu.memory_space<vmem>> -> memref<128x64xf32, #tpu.memory_space<vmem>>
    %dma_wait3A_249 = arith.constant 0 : i32
    %dma_wait3A_250 = tpu.memref_slice %arg11[%dma_wait3A_245, %dma_wait3A_249] : memref<4x128xi32, #tpu.memory_space<vmem>> -> memref<1x128xi32, #tpu.memory_space<vmem>>
    %dma_wait3A_251 = tpu.memref_squeeze %dma_wait3A_250 : memref<1x128xi32, #tpu.memory_space<vmem>> -> memref<128xi32, #tpu.memory_space<vmem>>
    %dma_wait3A_252 = arith.constant 0 : i32
    %dma_wait3A_253 = arith.constant 0 : i32
    %dma_wait3A_254 = tpu.memref_slice %arg6[%dma_wait3A_252, %dma_wait3A_253] : memref<1000001x64xf32, #tpu.memory_space<hbm>> -> memref<1000001x64xf32, #tpu.memory_space<hbm>>
    tpu.wait_indirect_dma semaphore(%arg20 : memref<!tpu.dma_semaphore, #tpu.memory_space<semaphore_mem>>) src(%dma_wait3A_254 : memref<1000001x64xf32, #tpu.memory_space<hbm>>) dst(%dma_wait3A_248 : memref<128x64xf32, #tpu.memory_space<vmem>>)
    %dma_wait3A_255 = arith.constant 1 : i32
    %dma_wait3A_256 = arith.constant 128 : i32
    %dma_wait3A_257 = arith.constant 0 : i32
    %dma_wait3A_258 = tpu.memref_slice %arg15[%dma_wait3A_256, %dma_wait3A_257] : memref<512x64xf32, #tpu.memory_space<vmem>> -> memref<128x64xf32, #tpu.memory_space<vmem>>
    %dma_wait3A_259 = arith.constant 0 : i32
    %dma_wait3A_260 = tpu.memref_slice %arg12[%dma_wait3A_255, %dma_wait3A_259] : memref<4x128xi32, #tpu.memory_space<vmem>> -> memref<1x128xi32, #tpu.memory_space<vmem>>
    %dma_wait3A_261 = tpu.memref_squeeze %dma_wait3A_260 : memref<1x128xi32, #tpu.memory_space<vmem>> -> memref<128xi32, #tpu.memory_space<vmem>>
    %dma_wait3A_262 = arith.constant 0 : i32
    %dma_wait3A_263 = arith.constant 0 : i32
    %dma_wait3A_264 = tpu.memref_slice %arg6[%dma_wait3A_262, %dma_wait3A_263] : memref<1000001x64xf32, #tpu.memory_space<hbm>> -> memref<1000001x64xf32, #tpu.memory_space<hbm>>
    tpu.wait_indirect_dma semaphore(%arg20 : memref<!tpu.dma_semaphore, #tpu.memory_space<semaphore_mem>>) src(%dma_wait3A_264 : memref<1000001x64xf32, #tpu.memory_space<hbm>>) dst(%dma_wait3A_258 : memref<128x64xf32, #tpu.memory_space<vmem>>)
    %dma_wait3A_265 = arith.constant 1 : i32
    %dma_wait3A_266 = arith.constant 128 : i32
    %dma_wait3A_267 = tpu.memref_slice %arg16[%dma_wait3A_266] : memref<512xf32, #tpu.memory_space<vmem>> -> memref<128xf32, #tpu.memory_space<vmem>>
    %dma_wait3A_268 = arith.constant 0 : i32
    %dma_wait3A_269 = tpu.memref_slice %arg11[%dma_wait3A_265, %dma_wait3A_268] : memref<4x128xi32, #tpu.memory_space<vmem>> -> memref<1x128xi32, #tpu.memory_space<vmem>>
    %dma_wait3A_270 = tpu.memref_squeeze %dma_wait3A_269 : memref<1x128xi32, #tpu.memory_space<vmem>> -> memref<128xi32, #tpu.memory_space<vmem>>
    %dma_wait3A_271 = arith.constant 0 : i32
    %dma_wait3A_272 = tpu.memref_slice %arg7[%dma_wait3A_271] : memref<1000001xf32, #tpu.memory_space<hbm>> -> memref<1000001xf32, #tpu.memory_space<hbm>>
    tpu.wait_indirect_dma semaphore(%arg20 : memref<!tpu.dma_semaphore, #tpu.memory_space<semaphore_mem>>) src(%dma_wait3A_272 : memref<1000001xf32, #tpu.memory_space<hbm>>) dst(%dma_wait3A_267 : memref<128xf32, #tpu.memory_space<vmem>>)
    %dma_wait3A_273 = arith.constant 1 : i32
    %dma_wait3A_274 = arith.constant 128 : i32
    %dma_wait3A_275 = tpu.memref_slice %arg17[%dma_wait3A_274] : memref<512xf32, #tpu.memory_space<vmem>> -> memref<128xf32, #tpu.memory_space<vmem>>
    %dma_wait3A_276 = arith.constant 0 : i32
    %dma_wait3A_277 = tpu.memref_slice %arg12[%dma_wait3A_273, %dma_wait3A_276] : memref<4x128xi32, #tpu.memory_space<vmem>> -> memref<1x128xi32, #tpu.memory_space<vmem>>
    %dma_wait3A_278 = tpu.memref_squeeze %dma_wait3A_277 : memref<1x128xi32, #tpu.memory_space<vmem>> -> memref<128xi32, #tpu.memory_space<vmem>>
    %dma_wait3A_279 = arith.constant 0 : i32
    %dma_wait3A_280 = tpu.memref_slice %arg7[%dma_wait3A_279] : memref<1000001xf32, #tpu.memory_space<hbm>> -> memref<1000001xf32, #tpu.memory_space<hbm>>
    tpu.wait_indirect_dma semaphore(%arg20 : memref<!tpu.dma_semaphore, #tpu.memory_space<semaphore_mem>>) src(%dma_wait3A_280 : memref<1000001xf32, #tpu.memory_space<hbm>>) dst(%dma_wait3A_275 : memref<128xf32, #tpu.memory_space<vmem>>)
    %dma_wait3A_281 = arith.constant 2 : i32
    %dma_wait3A_282 = arith.constant 256 : i32
    %dma_wait3A_283 = arith.constant 0 : i32
    %dma_wait3A_284 = tpu.memref_slice %arg13[%dma_wait3A_282, %dma_wait3A_283] : memref<512x64xf32, #tpu.memory_space<vmem>> -> memref<128x64xf32, #tpu.memory_space<vmem>>
    %dma_wait3A_285 = arith.constant 0 : i32
    %dma_wait3A_286 = tpu.memref_slice %arg10[%dma_wait3A_281, %dma_wait3A_285] : memref<4x128xi32, #tpu.memory_space<vmem>> -> memref<1x128xi32, #tpu.memory_space<vmem>>
    %dma_wait3A_287 = tpu.memref_squeeze %dma_wait3A_286 : memref<1x128xi32, #tpu.memory_space<vmem>> -> memref<128xi32, #tpu.memory_space<vmem>>
    %dma_wait3A_288 = arith.constant 0 : i32
    %dma_wait3A_289 = arith.constant 0 : i32
    %dma_wait3A_290 = tpu.memref_slice %arg5[%dma_wait3A_288, %dma_wait3A_289] : memref<1000001x64xf32, #tpu.memory_space<hbm>> -> memref<1000001x64xf32, #tpu.memory_space<hbm>>
    tpu.wait_indirect_dma semaphore(%arg20 : memref<!tpu.dma_semaphore, #tpu.memory_space<semaphore_mem>>) src(%dma_wait3A_290 : memref<1000001x64xf32, #tpu.memory_space<hbm>>) dst(%dma_wait3A_284 : memref<128x64xf32, #tpu.memory_space<vmem>>)
    %dma_wait3A_291 = arith.constant 2 : i32
    %dma_wait3A_292 = arith.constant 256 : i32
    %dma_wait3A_293 = arith.constant 0 : i32
    %dma_wait3A_294 = tpu.memref_slice %arg14[%dma_wait3A_292, %dma_wait3A_293] : memref<512x64xf32, #tpu.memory_space<vmem>> -> memref<128x64xf32, #tpu.memory_space<vmem>>
    %dma_wait3A_295 = arith.constant 0 : i32
    %dma_wait3A_296 = tpu.memref_slice %arg11[%dma_wait3A_291, %dma_wait3A_295] : memref<4x128xi32, #tpu.memory_space<vmem>> -> memref<1x128xi32, #tpu.memory_space<vmem>>
    %dma_wait3A_297 = tpu.memref_squeeze %dma_wait3A_296 : memref<1x128xi32, #tpu.memory_space<vmem>> -> memref<128xi32, #tpu.memory_space<vmem>>
    %dma_wait3A_298 = arith.constant 0 : i32
    %dma_wait3A_299 = arith.constant 0 : i32
    %dma_wait3A_300 = tpu.memref_slice %arg6[%dma_wait3A_298, %dma_wait3A_299] : memref<1000001x64xf32, #tpu.memory_space<hbm>> -> memref<1000001x64xf32, #tpu.memory_space<hbm>>
    tpu.wait_indirect_dma semaphore(%arg20 : memref<!tpu.dma_semaphore, #tpu.memory_space<semaphore_mem>>) src(%dma_wait3A_300 : memref<1000001x64xf32, #tpu.memory_space<hbm>>) dst(%dma_wait3A_294 : memref<128x64xf32, #tpu.memory_space<vmem>>)
    %dma_wait3A_301 = arith.constant 2 : i32
    %dma_wait3A_302 = arith.constant 256 : i32
    %dma_wait3A_303 = arith.constant 0 : i32
    %dma_wait3A_304 = tpu.memref_slice %arg15[%dma_wait3A_302, %dma_wait3A_303] : memref<512x64xf32, #tpu.memory_space<vmem>> -> memref<128x64xf32, #tpu.memory_space<vmem>>
    %dma_wait3A_305 = arith.constant 0 : i32
    %dma_wait3A_306 = tpu.memref_slice %arg12[%dma_wait3A_301, %dma_wait3A_305] : memref<4x128xi32, #tpu.memory_space<vmem>> -> memref<1x128xi32, #tpu.memory_space<vmem>>
    %dma_wait3A_307 = tpu.memref_squeeze %dma_wait3A_306 : memref<1x128xi32, #tpu.memory_space<vmem>> -> memref<128xi32, #tpu.memory_space<vmem>>
    %dma_wait3A_308 = arith.constant 0 : i32
    %dma_wait3A_309 = arith.constant 0 : i32
    %dma_wait3A_310 = tpu.memref_slice %arg6[%dma_wait3A_308, %dma_wait3A_309] : memref<1000001x64xf32, #tpu.memory_space<hbm>> -> memref<1000001x64xf32, #tpu.memory_space<hbm>>
    tpu.wait_indirect_dma semaphore(%arg20 : memref<!tpu.dma_semaphore, #tpu.memory_space<semaphore_mem>>) src(%dma_wait3A_310 : memref<1000001x64xf32, #tpu.memory_space<hbm>>) dst(%dma_wait3A_304 : memref<128x64xf32, #tpu.memory_space<vmem>>)
    %dma_wait3A_311 = arith.constant 2 : i32
    %dma_wait3A_312 = arith.constant 256 : i32
    %dma_wait3A_313 = tpu.memref_slice %arg16[%dma_wait3A_312] : memref<512xf32, #tpu.memory_space<vmem>> -> memref<128xf32, #tpu.memory_space<vmem>>
    %dma_wait3A_314 = arith.constant 0 : i32
    %dma_wait3A_315 = tpu.memref_slice %arg11[%dma_wait3A_311, %dma_wait3A_314] : memref<4x128xi32, #tpu.memory_space<vmem>> -> memref<1x128xi32, #tpu.memory_space<vmem>>
    %dma_wait3A_316 = tpu.memref_squeeze %dma_wait3A_315 : memref<1x128xi32, #tpu.memory_space<vmem>> -> memref<128xi32, #tpu.memory_space<vmem>>
    %dma_wait3A_317 = arith.constant 0 : i32
    %dma_wait3A_318 = tpu.memref_slice %arg7[%dma_wait3A_317] : memref<1000001xf32, #tpu.memory_space<hbm>> -> memref<1000001xf32, #tpu.memory_space<hbm>>
    tpu.wait_indirect_dma semaphore(%arg20 : memref<!tpu.dma_semaphore, #tpu.memory_space<semaphore_mem>>) src(%dma_wait3A_318 : memref<1000001xf32, #tpu.memory_space<hbm>>) dst(%dma_wait3A_313 : memref<128xf32, #tpu.memory_space<vmem>>)
    %dma_wait3A_319 = arith.constant 2 : i32
    %dma_wait3A_320 = arith.constant 256 : i32
    %dma_wait3A_321 = tpu.memref_slice %arg17[%dma_wait3A_320] : memref<512xf32, #tpu.memory_space<vmem>> -> memref<128xf32, #tpu.memory_space<vmem>>
    %dma_wait3A_322 = arith.constant 0 : i32
    %dma_wait3A_323 = tpu.memref_slice %arg12[%dma_wait3A_319, %dma_wait3A_322] : memref<4x128xi32, #tpu.memory_space<vmem>> -> memref<1x128xi32, #tpu.memory_space<vmem>>
    %dma_wait3A_324 = tpu.memref_squeeze %dma_wait3A_323 : memref<1x128xi32, #tpu.memory_space<vmem>> -> memref<128xi32, #tpu.memory_space<vmem>>
    %dma_wait3A_325 = arith.constant 0 : i32
    %dma_wait3A_326 = tpu.memref_slice %arg7[%dma_wait3A_325] : memref<1000001xf32, #tpu.memory_space<hbm>> -> memref<1000001xf32, #tpu.memory_space<hbm>>
    tpu.wait_indirect_dma semaphore(%arg20 : memref<!tpu.dma_semaphore, #tpu.memory_space<semaphore_mem>>) src(%dma_wait3A_326 : memref<1000001xf32, #tpu.memory_space<hbm>>) dst(%dma_wait3A_321 : memref<128xf32, #tpu.memory_space<vmem>>)
    %dma_wait3A_327 = arith.constant 3 : i32
    %dma_wait3A_328 = arith.constant 384 : i32
    %dma_wait3A_329 = arith.constant 0 : i32
    %dma_wait3A_330 = tpu.memref_slice %arg13[%dma_wait3A_328, %dma_wait3A_329] : memref<512x64xf32, #tpu.memory_space<vmem>> -> memref<128x64xf32, #tpu.memory_space<vmem>>
    %dma_wait3A_331 = arith.constant 0 : i32
    %dma_wait3A_332 = tpu.memref_slice %arg10[%dma_wait3A_327, %dma_wait3A_331] : memref<4x128xi32, #tpu.memory_space<vmem>> -> memref<1x128xi32, #tpu.memory_space<vmem>>
    %dma_wait3A_333 = tpu.memref_squeeze %dma_wait3A_332 : memref<1x128xi32, #tpu.memory_space<vmem>> -> memref<128xi32, #tpu.memory_space<vmem>>
    %dma_wait3A_334 = arith.constant 0 : i32
    %dma_wait3A_335 = arith.constant 0 : i32
    %dma_wait3A_336 = tpu.memref_slice %arg5[%dma_wait3A_334, %dma_wait3A_335] : memref<1000001x64xf32, #tpu.memory_space<hbm>> -> memref<1000001x64xf32, #tpu.memory_space<hbm>>
    tpu.wait_indirect_dma semaphore(%arg20 : memref<!tpu.dma_semaphore, #tpu.memory_space<semaphore_mem>>) src(%dma_wait3A_336 : memref<1000001x64xf32, #tpu.memory_space<hbm>>) dst(%dma_wait3A_330 : memref<128x64xf32, #tpu.memory_space<vmem>>)
    %dma_wait3A_337 = arith.constant 3 : i32
    %dma_wait3A_338 = arith.constant 384 : i32
    %dma_wait3A_339 = arith.constant 0 : i32
    %dma_wait3A_340 = tpu.memref_slice %arg14[%dma_wait3A_338, %dma_wait3A_339] : memref<512x64xf32, #tpu.memory_space<vmem>> -> memref<128x64xf32, #tpu.memory_space<vmem>>
    %dma_wait3A_341 = arith.constant 0 : i32
    %dma_wait3A_342 = tpu.memref_slice %arg11[%dma_wait3A_337, %dma_wait3A_341] : memref<4x128xi32, #tpu.memory_space<vmem>> -> memref<1x128xi32, #tpu.memory_space<vmem>>
    %dma_wait3A_343 = tpu.memref_squeeze %dma_wait3A_342 : memref<1x128xi32, #tpu.memory_space<vmem>> -> memref<128xi32, #tpu.memory_space<vmem>>
    %dma_wait3A_344 = arith.constant 0 : i32
    %dma_wait3A_345 = arith.constant 0 : i32
    %dma_wait3A_346 = tpu.memref_slice %arg6[%dma_wait3A_344, %dma_wait3A_345] : memref<1000001x64xf32, #tpu.memory_space<hbm>> -> memref<1000001x64xf32, #tpu.memory_space<hbm>>
    tpu.wait_indirect_dma semaphore(%arg20 : memref<!tpu.dma_semaphore, #tpu.memory_space<semaphore_mem>>) src(%dma_wait3A_346 : memref<1000001x64xf32, #tpu.memory_space<hbm>>) dst(%dma_wait3A_340 : memref<128x64xf32, #tpu.memory_space<vmem>>)
    %dma_wait3A_347 = arith.constant 3 : i32
    %dma_wait3A_348 = arith.constant 384 : i32
    %dma_wait3A_349 = arith.constant 0 : i32
    %dma_wait3A_350 = tpu.memref_slice %arg15[%dma_wait3A_348, %dma_wait3A_349] : memref<512x64xf32, #tpu.memory_space<vmem>> -> memref<128x64xf32, #tpu.memory_space<vmem>>
    %dma_wait3A_351 = arith.constant 0 : i32
    %dma_wait3A_352 = tpu.memref_slice %arg12[%dma_wait3A_347, %dma_wait3A_351] : memref<4x128xi32, #tpu.memory_space<vmem>> -> memref<1x128xi32, #tpu.memory_space<vmem>>
    %dma_wait3A_353 = tpu.memref_squeeze %dma_wait3A_352 : memref<1x128xi32, #tpu.memory_space<vmem>> -> memref<128xi32, #tpu.memory_space<vmem>>
    %dma_wait3A_354 = arith.constant 0 : i32
    %dma_wait3A_355 = arith.constant 0 : i32
    %dma_wait3A_356 = tpu.memref_slice %arg6[%dma_wait3A_354, %dma_wait3A_355] : memref<1000001x64xf32, #tpu.memory_space<hbm>> -> memref<1000001x64xf32, #tpu.memory_space<hbm>>
    tpu.wait_indirect_dma semaphore(%arg20 : memref<!tpu.dma_semaphore, #tpu.memory_space<semaphore_mem>>) src(%dma_wait3A_356 : memref<1000001x64xf32, #tpu.memory_space<hbm>>) dst(%dma_wait3A_350 : memref<128x64xf32, #tpu.memory_space<vmem>>)
    %dma_wait3A_357 = arith.constant 3 : i32
    %dma_wait3A_358 = arith.constant 384 : i32
    %dma_wait3A_359 = tpu.memref_slice %arg16[%dma_wait3A_358] : memref<512xf32, #tpu.memory_space<vmem>> -> memref<128xf32, #tpu.memory_space<vmem>>
    %dma_wait3A_360 = arith.constant 0 : i32
    %dma_wait3A_361 = tpu.memref_slice %arg11[%dma_wait3A_357, %dma_wait3A_360] : memref<4x128xi32, #tpu.memory_space<vmem>> -> memref<1x128xi32, #tpu.memory_space<vmem>>
    %dma_wait3A_362 = tpu.memref_squeeze %dma_wait3A_361 : memref<1x128xi32, #tpu.memory_space<vmem>> -> memref<128xi32, #tpu.memory_space<vmem>>
    %dma_wait3A_363 = arith.constant 0 : i32
    %dma_wait3A_364 = tpu.memref_slice %arg7[%dma_wait3A_363] : memref<1000001xf32, #tpu.memory_space<hbm>> -> memref<1000001xf32, #tpu.memory_space<hbm>>
    tpu.wait_indirect_dma semaphore(%arg20 : memref<!tpu.dma_semaphore, #tpu.memory_space<semaphore_mem>>) src(%dma_wait3A_364 : memref<1000001xf32, #tpu.memory_space<hbm>>) dst(%dma_wait3A_359 : memref<128xf32, #tpu.memory_space<vmem>>)
    %dma_wait3A_365 = arith.constant 3 : i32
    %dma_wait3A_366 = arith.constant 384 : i32
    %dma_wait3A_367 = tpu.memref_slice %arg17[%dma_wait3A_366] : memref<512xf32, #tpu.memory_space<vmem>> -> memref<128xf32, #tpu.memory_space<vmem>>
    %dma_wait3A_368 = arith.constant 0 : i32
    %dma_wait3A_369 = tpu.memref_slice %arg12[%dma_wait3A_365, %dma_wait3A_368] : memref<4x128xi32, #tpu.memory_space<vmem>> -> memref<1x128xi32, #tpu.memory_space<vmem>>
    %dma_wait3A_370 = tpu.memref_squeeze %dma_wait3A_369 : memref<1x128xi32, #tpu.memory_space<vmem>> -> memref<128xi32, #tpu.memory_space<vmem>>
    %dma_wait3A_371 = arith.constant 0 : i32
    %dma_wait3A_372 = tpu.memref_slice %arg7[%dma_wait3A_371] : memref<1000001xf32, #tpu.memory_space<hbm>> -> memref<1000001xf32, #tpu.memory_space<hbm>>
    tpu.wait_indirect_dma semaphore(%arg20 : memref<!tpu.dma_semaphore, #tpu.memory_space<semaphore_mem>>) src(%dma_wait3A_372 : memref<1000001xf32, #tpu.memory_space<hbm>>) dst(%dma_wait3A_367 : memref<128xf32, #tpu.memory_space<vmem>>)
    %iota3A = tpu.iota {dimensions = array<i32: 0>} : vector<16xi32>
    %broadcast_in_dim3A = arith.constant 0.000000e+00 : f32
    %broadcast_in_dim3A_373 = vector.broadcast %broadcast_in_dim3A : f32 to vector<16xf32>
    %scan3A = arith.constant 0 : i32
    %scan3A_374 = arith.constant 32 : i32
    %scan3A_375 = arith.addi %scan3A, %scan3A_374 : i32
    %scan3A_376 = arith.constant 1 : i32
    %scan3A_377:3 = scf.for %scan3A_393 = %scan3A to %scan3A_375 step %scan3A_376 iter_args(%scan3A_394 = %broadcast_in_dim3A_373, %scan3A_395 = %broadcast_in_dim3A_373, %scan3A_396 = %broadcast_in_dim3A_373) -> (vector<16xf32>, vector<16xf32>, vector<16xf32>)  : i32 {
      %mul3A_397 = arith.constant 16 : i32
      %mul3A_398 = arith.muli %scan3A_393, %mul3A_397 : i32
      %add3A_399 = arith.constant 0 : i32
      %add3A_400 = arith.addi %mul3A_398, %add3A_399 : i32
      %get3A = arith.index_cast %add3A_400 : i32 to index
      %get3A_401 = arith.constant 0 : index
      %get3A_402 = tpu.vector_load %arg13[%get3A, %get3A_401] {strides = array<i32>} : memref<512x64xf32, #tpu.memory_space<vmem>>, vector<16xf32>,
      %get3A_403 = arith.index_cast %add3A_400 : i32 to index
      %get3A_404 = arith.constant 16 : index
      %get3A_405 = tpu.vector_load %arg13[%get3A_403, %get3A_404] {strides = array<i32>} : memref<512x64xf32, #tpu.memory_space<vmem>>, vector<16xf32>,
      %get3A_406 = arith.index_cast %add3A_400 : i32 to index
      %get3A_407 = arith.constant 32 : index
      %get3A_408 = tpu.vector_load %arg13[%get3A_406, %get3A_407] {strides = array<i32>} : memref<512x64xf32, #tpu.memory_space<vmem>>, vector<16xf32>,
      %get3A_409 = arith.index_cast %add3A_400 : i32 to index
      %get3A_410 = arith.constant 48 : index
      %get3A_411 = tpu.vector_load %arg13[%get3A_409, %get3A_410] {strides = array<i32>} : memref<512x64xf32, #tpu.memory_space<vmem>>, vector<16xf32>,
      %get3A_412 = arith.index_cast %add3A_400 : i32 to index
      %get3A_413 = arith.constant 0 : index
      %get3A_414 = tpu.vector_load %arg14[%get3A_412, %get3A_413] {strides = array<i32>} : memref<512x64xf32, #tpu.memory_space<vmem>>, vector<16xf32>,
      %get3A_415 = arith.index_cast %add3A_400 : i32 to index
      %get3A_416 = arith.constant 16 : index
      %get3A_417 = tpu.vector_load %arg14[%get3A_415, %get3A_416] {strides = array<i32>} : memref<512x64xf32, #tpu.memory_space<vmem>>, vector<16xf32>,
      %get3A_418 = arith.index_cast %add3A_400 : i32 to index
      %get3A_419 = arith.constant 32 : index
      %get3A_420 = tpu.vector_load %arg14[%get3A_418, %get3A_419] {strides = array<i32>} : memref<512x64xf32, #tpu.memory_space<vmem>>, vector<16xf32>,
      %get3A_421 = arith.index_cast %add3A_400 : i32 to index
      %get3A_422 = arith.constant 48 : index
      %get3A_423 = tpu.vector_load %arg14[%get3A_421, %get3A_422] {strides = array<i32>} : memref<512x64xf32, #tpu.memory_space<vmem>>, vector<16xf32>,
      %get3A_424 = arith.index_cast %add3A_400 : i32 to index
      %get3A_425 = arith.constant 0 : index
      %get3A_426 = tpu.vector_load %arg15[%get3A_424, %get3A_425] {strides = array<i32>} : memref<512x64xf32, #tpu.memory_space<vmem>>, vector<16xf32>,
      %get3A_427 = arith.index_cast %add3A_400 : i32 to index
      %get3A_428 = arith.constant 16 : index
      %get3A_429 = tpu.vector_load %arg15[%get3A_427, %get3A_428] {strides = array<i32>} : memref<512x64xf32, #tpu.memory_space<vmem>>, vector<16xf32>,
      %get3A_430 = arith.index_cast %add3A_400 : i32 to index
      %get3A_431 = arith.constant 32 : index
      %get3A_432 = tpu.vector_load %arg15[%get3A_430, %get3A_431] {strides = array<i32>} : memref<512x64xf32, #tpu.memory_space<vmem>>, vector<16xf32>,
      %get3A_433 = arith.index_cast %add3A_400 : i32 to index
      %get3A_434 = arith.constant 48 : index
      %get3A_435 = tpu.vector_load %arg15[%get3A_433, %get3A_434] {strides = array<i32>} : memref<512x64xf32, #tpu.memory_space<vmem>>, vector<16xf32>,
      %mul3A_436 = arith.mulf %get3A_402, %get3A_414 : vector<16xf32>
      %add3A_437 = arith.addf %broadcast_in_dim3A_373, %mul3A_436 : vector<16xf32>
      %mul3A_438 = arith.mulf %get3A_402, %get3A_426 : vector<16xf32>
      %add3A_439 = arith.addf %broadcast_in_dim3A_373, %mul3A_438 : vector<16xf32>
      %mul3A_440 = arith.mulf %get3A_402, %get3A_402 : vector<16xf32>
      %add3A_441 = arith.addf %scan3A_394, %mul3A_440 : vector<16xf32>
      %mul3A_442 = arith.mulf %get3A_414, %get3A_414 : vector<16xf32>
      %add3A_443 = arith.addf %add3A_441, %mul3A_442 : vector<16xf32>
      %mul3A_444 = arith.mulf %get3A_426, %get3A_426 : vector<16xf32>
      %add3A_445 = arith.addf %add3A_443, %mul3A_444 : vector<16xf32>
      %mul3A_446 = arith.mulf %get3A_405, %get3A_417 : vector<16xf32>
      %add3A_447 = arith.addf %add3A_437, %mul3A_446 : vector<16xf32>
      %mul3A_448 = arith.mulf %get3A_405, %get3A_429 : vector<16xf32>
      %add3A_449 = arith.addf %add3A_439, %mul3A_448 : vector<16xf32>
      %mul3A_450 = arith.mulf %get3A_405, %get3A_405 : vector<16xf32>
      %add3A_451 = arith.addf %add3A_445, %mul3A_450 : vector<16xf32>
      %mul3A_452 = arith.mulf %get3A_417, %get3A_417 : vector<16xf32>
      %add3A_453 = arith.addf %add3A_451, %mul3A_452 : vector<16xf32>
      %mul3A_454 = arith.mulf %get3A_429, %get3A_429 : vector<16xf32>
      %add3A_455 = arith.addf %add3A_453, %mul3A_454 : vector<16xf32>
      %mul3A_456 = arith.mulf %get3A_408, %get3A_420 : vector<16xf32>
      %add3A_457 = arith.addf %add3A_447, %mul3A_456 : vector<16xf32>
      %mul3A_458 = arith.mulf %get3A_408, %get3A_432 : vector<16xf32>
      %add3A_459 = arith.addf %add3A_449, %mul3A_458 : vector<16xf32>
      %mul3A_460 = arith.mulf %get3A_408, %get3A_408 : vector<16xf32>
      %add3A_461 = arith.addf %add3A_455, %mul3A_460 : vector<16xf32>
      %mul3A_462 = arith.mulf %get3A_420, %get3A_420 : vector<16xf32>
      %add3A_463 = arith.addf %add3A_461, %mul3A_462 : vector<16xf32>
      %mul3A_464 = arith.mulf %get3A_432, %get3A_432 : vector<16xf32>
      %add3A_465 = arith.addf %add3A_463, %mul3A_464 : vector<16xf32>
      %mul3A_466 = arith.mulf %get3A_411, %get3A_423 : vector<16xf32>
      %add3A_467 = arith.addf %add3A_457, %mul3A_466 : vector<16xf32>
      %mul3A_468 = arith.mulf %get3A_411, %get3A_435 : vector<16xf32>
      %add3A_469 = arith.addf %add3A_459, %mul3A_468 : vector<16xf32>
      %mul3A_470 = arith.mulf %get3A_411, %get3A_411 : vector<16xf32>
      %add3A_471 = arith.addf %add3A_465, %mul3A_470 : vector<16xf32>
      %mul3A_472 = arith.mulf %get3A_423, %get3A_423 : vector<16xf32>
      %add3A_473 = arith.addf %add3A_471, %mul3A_472 : vector<16xf32>
      %mul3A_474 = arith.mulf %get3A_435, %get3A_435 : vector<16xf32>
      %add3A_475 = arith.addf %add3A_473, %mul3A_474 : vector<16xf32>
      %sub3A = arith.subf %add3A_467, %add3A_469 : vector<16xf32>
      %reduce_sum3A = arith.constant true
      %reduce_sum3A_476 = vector.broadcast %reduce_sum3A : i1 to vector<16xi1>
      %reduce_sum3A_477 = tpu.scan <sum>, %sub3A masked %reduce_sum3A_476 : vector<16xf32>, vector<16xi1> -> vector<16xf32>
      %reduce_sum3A_478 = vector.extract %reduce_sum3A_477[15] : f32 from vector<16xf32>
      %eq3A = arith.constant 0 : i32
      %eq3A_479 = vector.broadcast %eq3A : i32 to vector<16xi32>
      %eq3A_480 = arith.cmpi eq, %iota3A, %eq3A_479 : vector<16xi32>
      %broadcast_in_dim3A_481 = vector.broadcast %reduce_sum3A_478 : f32 to vector<16xf32>
      %select_n3A = arith.select %eq3A_480, %broadcast_in_dim3A_481, %broadcast_in_dim3A_373 : vector<16xi1>, vector<16xf32>
      %add3A_482 = arith.constant 1 : i32
      %add3A_483 = arith.addi %mul3A_398, %add3A_482 : i32
      %get3A_484 = arith.index_cast %add3A_483 : i32 to index
      %get3A_485 = arith.constant 0 : index
      %get3A_486 = tpu.vector_load %arg13[%get3A_484, %get3A_485] {strides = array<i32>} : memref<512x64xf32, #tpu.memory_space<vmem>>, vector<16xf32>,
      %get3A_487 = arith.index_cast %add3A_483 : i32 to index
      %get3A_488 = arith.constant 16 : index
      %get3A_489 = tpu.vector_load %arg13[%get3A_487, %get3A_488] {strides = array<i32>} : memref<512x64xf32, #tpu.memory_space<vmem>>, vector<16xf32>,
      %get3A_490 = arith.index_cast %add3A_483 : i32 to index
      %get3A_491 = arith.constant 32 : index
      %get3A_492 = tpu.vector_load %arg13[%get3A_490, %get3A_491] {strides = array<i32>} : memref<512x64xf32, #tpu.memory_space<vmem>>, vector<16xf32>,
      %get3A_493 = arith.index_cast %add3A_483 : i32 to index
      %get3A_494 = arith.constant 48 : index
      %get3A_495 = tpu.vector_load %arg13[%get3A_493, %get3A_494] {strides = array<i32>} : memref<512x64xf32, #tpu.memory_space<vmem>>, vector<16xf32>,
      %get3A_496 = arith.index_cast %add3A_483 : i32 to index
      %get3A_497 = arith.constant 0 : index
      %get3A_498 = tpu.vector_load %arg14[%get3A_496, %get3A_497] {strides = array<i32>} : memref<512x64xf32, #tpu.memory_space<vmem>>, vector<16xf32>,
      %get3A_499 = arith.index_cast %add3A_483 : i32 to index
      %get3A_500 = arith.constant 16 : index
      %get3A_501 = tpu.vector_load %arg14[%get3A_499, %get3A_500] {strides = array<i32>} : memref<512x64xf32, #tpu.memory_space<vmem>>, vector<16xf32>,
      %get3A_502 = arith.index_cast %add3A_483 : i32 to index
      %get3A_503 = arith.constant 32 : index
      %get3A_504 = tpu.vector_load %arg14[%get3A_502, %get3A_503] {strides = array<i32>} : memref<512x64xf32, #tpu.memory_space<vmem>>, vector<16xf32>,
      %get3A_505 = arith.index_cast %add3A_483 : i32 to index
      %get3A_506 = arith.constant 48 : index
      %get3A_507 = tpu.vector_load %arg14[%get3A_505, %get3A_506] {strides = array<i32>} : memref<512x64xf32, #tpu.memory_space<vmem>>, vector<16xf32>,
      %get3A_508 = arith.index_cast %add3A_483 : i32 to index
      %get3A_509 = arith.constant 0 : index
      %get3A_510 = tpu.vector_load %arg15[%get3A_508, %get3A_509] {strides = array<i32>} : memref<512x64xf32, #tpu.memory_space<vmem>>, vector<16xf32>,
      %get3A_511 = arith.index_cast %add3A_483 : i32 to index
      %get3A_512 = arith.constant 16 : index
      %get3A_513 = tpu.vector_load %arg15[%get3A_511, %get3A_512] {strides = array<i32>} : memref<512x64xf32, #tpu.memory_space<vmem>>, vector<16xf32>,
      %get3A_514 = arith.index_cast %add3A_483 : i32 to index
      %get3A_515 = arith.constant 32 : index
      %get3A_516 = tpu.vector_load %arg15[%get3A_514, %get3A_515] {strides = array<i32>} : memref<512x64xf32, #tpu.memory_space<vmem>>, vector<16xf32>,
      %get3A_517 = arith.index_cast %add3A_483 : i32 to index
      %get3A_518 = arith.constant 48 : index
      %get3A_519 = tpu.vector_load %arg15[%get3A_517, %get3A_518] {strides = array<i32>} : memref<512x64xf32, #tpu.memory_space<vmem>>, vector<16xf32>,
      %mul3A_520 = arith.mulf %get3A_486, %get3A_498 : vector<16xf32>
      %add3A_521 = arith.addf %broadcast_in_dim3A_373, %mul3A_520 : vector<16xf32>
      %mul3A_522 = arith.mulf %get3A_486, %get3A_510 : vector<16xf32>
      %add3A_523 = arith.addf %broadcast_in_dim3A_373, %mul3A_522 : vector<16xf32>
      %mul3A_524 = arith.mulf %get3A_486, %get3A_486 : vector<16xf32>
      %add3A_525 = arith.addf %add3A_475, %mul3A_524 : vector<16xf32>
      %mul3A_526 = arith.mulf %get3A_498, %get3A_498 : vector<16xf32>
      %add3A_527 = arith.addf %add3A_525, %mul3A_526 : vector<16xf32>
      %mul3A_528 = arith.mulf %get3A_510, %get3A_510 : vector<16xf32>
      %add3A_529 = arith.addf %add3A_527, %mul3A_528 : vector<16xf32>
      %mul3A_530 = arith.mulf %get3A_489, %get3A_501 : vector<16xf32>
      %add3A_531 = arith.addf %add3A_521, %mul3A_530 : vector<16xf32>
      %mul3A_532 = arith.mulf %get3A_489, %get3A_513 : vector<16xf32>
      %add3A_533 = arith.addf %add3A_523, %mul3A_532 : vector<16xf32>
      %mul3A_534 = arith.mulf %get3A_489, %get3A_489 : vector<16xf32>
      %add3A_535 = arith.addf %add3A_529, %mul3A_534 : vector<16xf32>
      %mul3A_536 = arith.mulf %get3A_501, %get3A_501 : vector<16xf32>
      %add3A_537 = arith.addf %add3A_535, %mul3A_536 : vector<16xf32>
      %mul3A_538 = arith.mulf %get3A_513, %get3A_513 : vector<16xf32>
      %add3A_539 = arith.addf %add3A_537, %mul3A_538 : vector<16xf32>
      %mul3A_540 = arith.mulf %get3A_492, %get3A_504 : vector<16xf32>
      %add3A_541 = arith.addf %add3A_531, %mul3A_540 : vector<16xf32>
      %mul3A_542 = arith.mulf %get3A_492, %get3A_516 : vector<16xf32>
      %add3A_543 = arith.addf %add3A_533, %mul3A_542 : vector<16xf32>
      %mul3A_544 = arith.mulf %get3A_492, %get3A_492 : vector<16xf32>
      %add3A_545 = arith.addf %add3A_539, %mul3A_544 : vector<16xf32>
      %mul3A_546 = arith.mulf %get3A_504, %get3A_504 : vector<16xf32>
      %add3A_547 = arith.addf %add3A_545, %mul3A_546 : vector<16xf32>
      %mul3A_548 = arith.mulf %get3A_516, %get3A_516 : vector<16xf32>
      %add3A_549 = arith.addf %add3A_547, %mul3A_548 : vector<16xf32>
      %mul3A_550 = arith.mulf %get3A_495, %get3A_507 : vector<16xf32>
      %add3A_551 = arith.addf %add3A_541, %mul3A_550 : vector<16xf32>
      %mul3A_552 = arith.mulf %get3A_495, %get3A_519 : vector<16xf32>
      %add3A_553 = arith.addf %add3A_543, %mul3A_552 : vector<16xf32>
      %mul3A_554 = arith.mulf %get3A_495, %get3A_495 : vector<16xf32>
      %add3A_555 = arith.addf %add3A_549, %mul3A_554 : vector<16xf32>
      %mul3A_556 = arith.mulf %get3A_507, %get3A_507 : vector<16xf32>
      %add3A_557 = arith.addf %add3A_555, %mul3A_556 : vector<16xf32>
      %mul3A_558 = arith.mulf %get3A_519, %get3A_519 : vector<16xf32>
      %add3A_559 = arith.addf %add3A_557, %mul3A_558 : vector<16xf32>
      %sub3A_560 = arith.subf %add3A_551, %add3A_553 : vector<16xf32>
      %reduce_sum3A_561 = arith.constant true
      %reduce_sum3A_562 = vector.broadcast %reduce_sum3A_561 : i1 to vector<16xi1>
      %reduce_sum3A_563 = tpu.scan <sum>, %sub3A_560 masked %reduce_sum3A_562 : vector<16xf32>, vector<16xi1> -> vector<16xf32>
      %reduce_sum3A_564 = vector.extract %reduce_sum3A_563[15] : f32 from vector<16xf32>
      %eq3A_565 = arith.constant 1 : i32
      %eq3A_566 = vector.broadcast %eq3A_565 : i32 to vector<16xi32>
      %eq3A_567 = arith.cmpi eq, %iota3A, %eq3A_566 : vector<16xi32>
      %broadcast_in_dim3A_568 = vector.broadcast %reduce_sum3A_564 : f32 to vector<16xf32>
      %select_n3A_569 = arith.select %eq3A_567, %broadcast_in_dim3A_568, %select_n3A : vector<16xi1>, vector<16xf32>
      %add3A_570 = arith.constant 2 : i32
      %add3A_571 = arith.addi %mul3A_398, %add3A_570 : i32
      %get3A_572 = arith.index_cast %add3A_571 : i32 to index
      %get3A_573 = arith.constant 0 : index
      %get3A_574 = tpu.vector_load %arg13[%get3A_572, %get3A_573] {strides = array<i32>} : memref<512x64xf32, #tpu.memory_space<vmem>>, vector<16xf32>,
      %get3A_575 = arith.index_cast %add3A_571 : i32 to index
      %get3A_576 = arith.constant 16 : index
      %get3A_577 = tpu.vector_load %arg13[%get3A_575, %get3A_576] {strides = array<i32>} : memref<512x64xf32, #tpu.memory_space<vmem>>, vector<16xf32>,
      %get3A_578 = arith.index_cast %add3A_571 : i32 to index
      %get3A_579 = arith.constant 32 : index
      %get3A_580 = tpu.vector_load %arg13[%get3A_578, %get3A_579] {strides = array<i32>} : memref<512x64xf32, #tpu.memory_space<vmem>>, vector<16xf32>,
      %get3A_581 = arith.index_cast %add3A_571 : i32 to index
      %get3A_582 = arith.constant 48 : index
      %get3A_583 = tpu.vector_load %arg13[%get3A_581, %get3A_582] {strides = array<i32>} : memref<512x64xf32, #tpu.memory_space<vmem>>, vector<16xf32>,
      %get3A_584 = arith.index_cast %add3A_571 : i32 to index
      %get3A_585 = arith.constant 0 : index
      %get3A_586 = tpu.vector_load %arg14[%get3A_584, %get3A_585] {strides = array<i32>} : memref<512x64xf32, #tpu.memory_space<vmem>>, vector<16xf32>,
      %get3A_587 = arith.index_cast %add3A_571 : i32 to index
      %get3A_588 = arith.constant 16 : index
      %get3A_589 = tpu.vector_load %arg14[%get3A_587, %get3A_588] {strides = array<i32>} : memref<512x64xf32, #tpu.memory_space<vmem>>, vector<16xf32>,
      %get3A_590 = arith.index_cast %add3A_571 : i32 to index
      %get3A_591 = arith.constant 32 : index
      %get3A_592 = tpu.vector_load %arg14[%get3A_590, %get3A_591] {strides = array<i32>} : memref<512x64xf32, #tpu.memory_space<vmem>>, vector<16xf32>,
      %get3A_593 = arith.index_cast %add3A_571 : i32 to index
      %get3A_594 = arith.constant 48 : index
      %get3A_595 = tpu.vector_load %arg14[%get3A_593, %get3A_594] {strides = array<i32>} : memref<512x64xf32, #tpu.memory_space<vmem>>, vector<16xf32>,
      %get3A_596 = arith.index_cast %add3A_571 : i32 to index
      %get3A_597 = arith.constant 0 : index
      %get3A_598 = tpu.vector_load %arg15[%get3A_596, %get3A_597] {strides = array<i32>} : memref<512x64xf32, #tpu.memory_space<vmem>>, vector<16xf32>,
      %get3A_599 = arith.index_cast %add3A_571 : i32 to index
      %get3A_600 = arith.constant 16 : index
      %get3A_601 = tpu.vector_load %arg15[%get3A_599, %get3A_600] {strides = array<i32>} : memref<512x64xf32, #tpu.memory_space<vmem>>, vector<16xf32>,
      %get3A_602 = arith.index_cast %add3A_571 : i32 to index
      %get3A_603 = arith.constant 32 : index
      %get3A_604 = tpu.vector_load %arg15[%get3A_602, %get3A_603] {strides = array<i32>} : memref<512x64xf32, #tpu.memory_space<vmem>>, vector<16xf32>,
      %get3A_605 = arith.index_cast %add3A_571 : i32 to index
      %get3A_606 = arith.constant 48 : index
      %get3A_607 = tpu.vector_load %arg15[%get3A_605, %get3A_606] {strides = array<i32>} : memref<512x64xf32, #tpu.memory_space<vmem>>, vector<16xf32>,
      %mul3A_608 = arith.mulf %get3A_574, %get3A_586 : vector<16xf32>
      %add3A_609 = arith.addf %broadcast_in_dim3A_373, %mul3A_608 : vector<16xf32>
      %mul3A_610 = arith.mulf %get3A_574, %get3A_598 : vector<16xf32>
      %add3A_611 = arith.addf %broadcast_in_dim3A_373, %mul3A_610 : vector<16xf32>
      %mul3A_612 = arith.mulf %get3A_574, %get3A_574 : vector<16xf32>
      %add3A_613 = arith.addf %add3A_559, %mul3A_612 : vector<16xf32>
      %mul3A_614 = arith.mulf %get3A_586, %get3A_586 : vector<16xf32>
      %add3A_615 = arith.addf %add3A_613, %mul3A_614 : vector<16xf32>
      %mul3A_616 = arith.mulf %get3A_598, %get3A_598 : vector<16xf32>
      %add3A_617 = arith.addf %add3A_615, %mul3A_616 : vector<16xf32>
      %mul3A_618 = arith.mulf %get3A_577, %get3A_589 : vector<16xf32>
      %add3A_619 = arith.addf %add3A_609, %mul3A_618 : vector<16xf32>
      %mul3A_620 = arith.mulf %get3A_577, %get3A_601 : vector<16xf32>
      %add3A_621 = arith.addf %add3A_611, %mul3A_620 : vector<16xf32>
      %mul3A_622 = arith.mulf %get3A_577, %get3A_577 : vector<16xf32>
      %add3A_623 = arith.addf %add3A_617, %mul3A_622 : vector<16xf32>
      %mul3A_624 = arith.mulf %get3A_589, %get3A_589 : vector<16xf32>
      %add3A_625 = arith.addf %add3A_623, %mul3A_624 : vector<16xf32>
      %mul3A_626 = arith.mulf %get3A_601, %get3A_601 : vector<16xf32>
      %add3A_627 = arith.addf %add3A_625, %mul3A_626 : vector<16xf32>
      %mul3A_628 = arith.mulf %get3A_580, %get3A_592 : vector<16xf32>
      %add3A_629 = arith.addf %add3A_619, %mul3A_628 : vector<16xf32>
      %mul3A_630 = arith.mulf %get3A_580, %get3A_604 : vector<16xf32>
      %add3A_631 = arith.addf %add3A_621, %mul3A_630 : vector<16xf32>
      %mul3A_632 = arith.mulf %get3A_580, %get3A_580 : vector<16xf32>
      %add3A_633 = arith.addf %add3A_627, %mul3A_632 : vector<16xf32>
      %mul3A_634 = arith.mulf %get3A_592, %get3A_592 : vector<16xf32>
      %add3A_635 = arith.addf %add3A_633, %mul3A_634 : vector<16xf32>
      %mul3A_636 = arith.mulf %get3A_604, %get3A_604 : vector<16xf32>
      %add3A_637 = arith.addf %add3A_635, %mul3A_636 : vector<16xf32>
      %mul3A_638 = arith.mulf %get3A_583, %get3A_595 : vector<16xf32>
      %add3A_639 = arith.addf %add3A_629, %mul3A_638 : vector<16xf32>
      %mul3A_640 = arith.mulf %get3A_583, %get3A_607 : vector<16xf32>
      %add3A_641 = arith.addf %add3A_631, %mul3A_640 : vector<16xf32>
      %mul3A_642 = arith.mulf %get3A_583, %get3A_583 : vector<16xf32>
      %add3A_643 = arith.addf %add3A_637, %mul3A_642 : vector<16xf32>
      %mul3A_644 = arith.mulf %get3A_595, %get3A_595 : vector<16xf32>
      %add3A_645 = arith.addf %add3A_643, %mul3A_644 : vector<16xf32>
      %mul3A_646 = arith.mulf %get3A_607, %get3A_607 : vector<16xf32>
      %add3A_647 = arith.addf %add3A_645, %mul3A_646 : vector<16xf32>
      %sub3A_648 = arith.subf %add3A_639, %add3A_641 : vector<16xf32>
      %reduce_sum3A_649 = arith.constant true
      %reduce_sum3A_650 = vector.broadcast %reduce_sum3A_649 : i1 to vector<16xi1>
      %reduce_sum3A_651 = tpu.scan <sum>, %sub3A_648 masked %reduce_sum3A_650 : vector<16xf32>, vector<16xi1> -> vector<16xf32>
      %reduce_sum3A_652 = vector.extract %reduce_sum3A_651[15] : f32 from vector<16xf32>
      %eq3A_653 = arith.constant 2 : i32
      %eq3A_654 = vector.broadcast %eq3A_653 : i32 to vector<16xi32>
      %eq3A_655 = arith.cmpi eq, %iota3A, %eq3A_654 : vector<16xi32>
      %broadcast_in_dim3A_656 = vector.broadcast %reduce_sum3A_652 : f32 to vector<16xf32>
      %select_n3A_657 = arith.select %eq3A_655, %broadcast_in_dim3A_656, %select_n3A_569 : vector<16xi1>, vector<16xf32>
      %add3A_658 = arith.constant 3 : i32
      %add3A_659 = arith.addi %mul3A_398, %add3A_658 : i32
      %get3A_660 = arith.index_cast %add3A_659 : i32 to index
      %get3A_661 = arith.constant 0 : index
      %get3A_662 = tpu.vector_load %arg13[%get3A_660, %get3A_661] {strides = array<i32>} : memref<512x64xf32, #tpu.memory_space<vmem>>, vector<16xf32>,
      %get3A_663 = arith.index_cast %add3A_659 : i32 to index
      %get3A_664 = arith.constant 16 : index
      %get3A_665 = tpu.vector_load %arg13[%get3A_663, %get3A_664] {strides = array<i32>} : memref<512x64xf32, #tpu.memory_space<vmem>>, vector<16xf32>,
      %get3A_666 = arith.index_cast %add3A_659 : i32 to index
      %get3A_667 = arith.constant 32 : index
      %get3A_668 = tpu.vector_load %arg13[%get3A_666, %get3A_667] {strides = array<i32>} : memref<512x64xf32, #tpu.memory_space<vmem>>, vector<16xf32>,
      %get3A_669 = arith.index_cast %add3A_659 : i32 to index
      %get3A_670 = arith.constant 48 : index
      %get3A_671 = tpu.vector_load %arg13[%get3A_669, %get3A_670] {strides = array<i32>} : memref<512x64xf32, #tpu.memory_space<vmem>>, vector<16xf32>,
      %get3A_672 = arith.index_cast %add3A_659 : i32 to index
      %get3A_673 = arith.constant 0 : index
      %get3A_674 = tpu.vector_load %arg14[%get3A_672, %get3A_673] {strides = array<i32>} : memref<512x64xf32, #tpu.memory_space<vmem>>, vector<16xf32>,
      %get3A_675 = arith.index_cast %add3A_659 : i32 to index
      %get3A_676 = arith.constant 16 : index
      %get3A_677 = tpu.vector_load %arg14[%get3A_675, %get3A_676] {strides = array<i32>} : memref<512x64xf32, #tpu.memory_space<vmem>>, vector<16xf32>,
      %get3A_678 = arith.index_cast %add3A_659 : i32 to index
      %get3A_679 = arith.constant 32 : index
      %get3A_680 = tpu.vector_load %arg14[%get3A_678, %get3A_679] {strides = array<i32>} : memref<512x64xf32, #tpu.memory_space<vmem>>, vector<16xf32>,
      %get3A_681 = arith.index_cast %add3A_659 : i32 to index
      %get3A_682 = arith.constant 48 : index
      %get3A_683 = tpu.vector_load %arg14[%get3A_681, %get3A_682] {strides = array<i32>} : memref<512x64xf32, #tpu.memory_space<vmem>>, vector<16xf32>,
      %get3A_684 = arith.index_cast %add3A_659 : i32 to index
      %get3A_685 = arith.constant 0 : index
      %get3A_686 = tpu.vector_load %arg15[%get3A_684, %get3A_685] {strides = array<i32>} : memref<512x64xf32, #tpu.memory_space<vmem>>, vector<16xf32>,
      %get3A_687 = arith.index_cast %add3A_659 : i32 to index
      %get3A_688 = arith.constant 16 : index
      %get3A_689 = tpu.vector_load %arg15[%get3A_687, %get3A_688] {strides = array<i32>} : memref<512x64xf32, #tpu.memory_space<vmem>>, vector<16xf32>,
      %get3A_690 = arith.index_cast %add3A_659 : i32 to index
      %get3A_691 = arith.constant 32 : index
      %get3A_692 = tpu.vector_load %arg15[%get3A_690, %get3A_691] {strides = array<i32>} : memref<512x64xf32, #tpu.memory_space<vmem>>, vector<16xf32>,
      %get3A_693 = arith.index_cast %add3A_659 : i32 to index
      %get3A_694 = arith.constant 48 : index
      %get3A_695 = tpu.vector_load %arg15[%get3A_693, %get3A_694] {strides = array<i32>} : memref<512x64xf32, #tpu.memory_space<vmem>>, vector<16xf32>,
      %mul3A_696 = arith.mulf %get3A_662, %get3A_674 : vector<16xf32>
      %add3A_697 = arith.addf %broadcast_in_dim3A_373, %mul3A_696 : vector<16xf32>
      %mul3A_698 = arith.mulf %get3A_662, %get3A_686 : vector<16xf32>
      %add3A_699 = arith.addf %broadcast_in_dim3A_373, %mul3A_698 : vector<16xf32>
      %mul3A_700 = arith.mulf %get3A_662, %get3A_662 : vector<16xf32>
      %add3A_701 = arith.addf %add3A_647, %mul3A_700 : vector<16xf32>
      %mul3A_702 = arith.mulf %get3A_674, %get3A_674 : vector<16xf32>
      %add3A_703 = arith.addf %add3A_701, %mul3A_702 : vector<16xf32>
      %mul3A_704 = arith.mulf %get3A_686, %get3A_686 : vector<16xf32>
      %add3A_705 = arith.addf %add3A_703, %mul3A_704 : vector<16xf32>
      %mul3A_706 = arith.mulf %get3A_665, %get3A_677 : vector<16xf32>
      %add3A_707 = arith.addf %add3A_697, %mul3A_706 : vector<16xf32>
      %mul3A_708 = arith.mulf %get3A_665, %get3A_689 : vector<16xf32>
      %add3A_709 = arith.addf %add3A_699, %mul3A_708 : vector<16xf32>
      %mul3A_710 = arith.mulf %get3A_665, %get3A_665 : vector<16xf32>
      %add3A_711 = arith.addf %add3A_705, %mul3A_710 : vector<16xf32>
      %mul3A_712 = arith.mulf %get3A_677, %get3A_677 : vector<16xf32>
      %add3A_713 = arith.addf %add3A_711, %mul3A_712 : vector<16xf32>
      %mul3A_714 = arith.mulf %get3A_689, %get3A_689 : vector<16xf32>
      %add3A_715 = arith.addf %add3A_713, %mul3A_714 : vector<16xf32>
      %mul3A_716 = arith.mulf %get3A_668, %get3A_680 : vector<16xf32>
      %add3A_717 = arith.addf %add3A_707, %mul3A_716 : vector<16xf32>
      %mul3A_718 = arith.mulf %get3A_668, %get3A_692 : vector<16xf32>
      %add3A_719 = arith.addf %add3A_709, %mul3A_718 : vector<16xf32>
      %mul3A_720 = arith.mulf %get3A_668, %get3A_668 : vector<16xf32>
      %add3A_721 = arith.addf %add3A_715, %mul3A_720 : vector<16xf32>
      %mul3A_722 = arith.mulf %get3A_680, %get3A_680 : vector<16xf32>
      %add3A_723 = arith.addf %add3A_721, %mul3A_722 : vector<16xf32>
      %mul3A_724 = arith.mulf %get3A_692, %get3A_692 : vector<16xf32>
      %add3A_725 = arith.addf %add3A_723, %mul3A_724 : vector<16xf32>
      %mul3A_726 = arith.mulf %get3A_671, %get3A_683 : vector<16xf32>
      %add3A_727 = arith.addf %add3A_717, %mul3A_726 : vector<16xf32>
      %mul3A_728 = arith.mulf %get3A_671, %get3A_695 : vector<16xf32>
      %add3A_729 = arith.addf %add3A_719, %mul3A_728 : vector<16xf32>
      %mul3A_730 = arith.mulf %get3A_671, %get3A_671 : vector<16xf32>
      %add3A_731 = arith.addf %add3A_725, %mul3A_730 : vector<16xf32>
      %mul3A_732 = arith.mulf %get3A_683, %get3A_683 : vector<16xf32>
      %add3A_733 = arith.addf %add3A_731, %mul3A_732 : vector<16xf32>
      %mul3A_734 = arith.mulf %get3A_695, %get3A_695 : vector<16xf32>
      %add3A_735 = arith.addf %add3A_733, %mul3A_734 : vector<16xf32>
      %sub3A_736 = arith.subf %add3A_727, %add3A_729 : vector<16xf32>
      %reduce_sum3A_737 = arith.constant true
      %reduce_sum3A_738 = vector.broadcast %reduce_sum3A_737 : i1 to vector<16xi1>
      %reduce_sum3A_739 = tpu.scan <sum>, %sub3A_736 masked %reduce_sum3A_738 : vector<16xf32>, vector<16xi1> -> vector<16xf32>
      %reduce_sum3A_740 = vector.extract %reduce_sum3A_739[15] : f32 from vector<16xf32>
      %eq3A_741 = arith.constant 3 : i32
      %eq3A_742 = vector.broadcast %eq3A_741 : i32 to vector<16xi32>
      %eq3A_743 = arith.cmpi eq, %iota3A, %eq3A_742 : vector<16xi32>
      %broadcast_in_dim3A_744 = vector.broadcast %reduce_sum3A_740 : f32 to vector<16xf32>
      %select_n3A_745 = arith.select %eq3A_743, %broadcast_in_dim3A_744, %select_n3A_657 : vector<16xi1>, vector<16xf32>
      %add3A_746 = arith.constant 4 : i32
      %add3A_747 = arith.addi %mul3A_398, %add3A_746 : i32
      %get3A_748 = arith.index_cast %add3A_747 : i32 to index
      %get3A_749 = arith.constant 0 : index
      %get3A_750 = tpu.vector_load %arg13[%get3A_748, %get3A_749] {strides = array<i32>} : memref<512x64xf32, #tpu.memory_space<vmem>>, vector<16xf32>,
      %get3A_751 = arith.index_cast %add3A_747 : i32 to index
      %get3A_752 = arith.constant 16 : index
      %get3A_753 = tpu.vector_load %arg13[%get3A_751, %get3A_752] {strides = array<i32>} : memref<512x64xf32, #tpu.memory_space<vmem>>, vector<16xf32>,
      %get3A_754 = arith.index_cast %add3A_747 : i32 to index
      %get3A_755 = arith.constant 32 : index
      %get3A_756 = tpu.vector_load %arg13[%get3A_754, %get3A_755] {strides = array<i32>} : memref<512x64xf32, #tpu.memory_space<vmem>>, vector<16xf32>,
      %get3A_757 = arith.index_cast %add3A_747 : i32 to index
      %get3A_758 = arith.constant 48 : index
      %get3A_759 = tpu.vector_load %arg13[%get3A_757, %get3A_758] {strides = array<i32>} : memref<512x64xf32, #tpu.memory_space<vmem>>, vector<16xf32>,
      %get3A_760 = arith.index_cast %add3A_747 : i32 to index
      %get3A_761 = arith.constant 0 : index
      %get3A_762 = tpu.vector_load %arg14[%get3A_760, %get3A_761] {strides = array<i32>} : memref<512x64xf32, #tpu.memory_space<vmem>>, vector<16xf32>,
      %get3A_763 = arith.index_cast %add3A_747 : i32 to index
      %get3A_764 = arith.constant 16 : index
      %get3A_765 = tpu.vector_load %arg14[%get3A_763, %get3A_764] {strides = array<i32>} : memref<512x64xf32, #tpu.memory_space<vmem>>, vector<16xf32>,
      %get3A_766 = arith.index_cast %add3A_747 : i32 to index
      %get3A_767 = arith.constant 32 : index
      %get3A_768 = tpu.vector_load %arg14[%get3A_766, %get3A_767] {strides = array<i32>} : memref<512x64xf32, #tpu.memory_space<vmem>>, vector<16xf32>,
      %get3A_769 = arith.index_cast %add3A_747 : i32 to index
      %get3A_770 = arith.constant 48 : index
      %get3A_771 = tpu.vector_load %arg14[%get3A_769, %get3A_770] {strides = array<i32>} : memref<512x64xf32, #tpu.memory_space<vmem>>, vector<16xf32>,
      %get3A_772 = arith.index_cast %add3A_747 : i32 to index
      %get3A_773 = arith.constant 0 : index
      %get3A_774 = tpu.vector_load %arg15[%get3A_772, %get3A_773] {strides = array<i32>} : memref<512x64xf32, #tpu.memory_space<vmem>>, vector<16xf32>,
      %get3A_775 = arith.index_cast %add3A_747 : i32 to index
      %get3A_776 = arith.constant 16 : index
      %get3A_777 = tpu.vector_load %arg15[%get3A_775, %get3A_776] {strides = array<i32>} : memref<512x64xf32, #tpu.memory_space<vmem>>, vector<16xf32>,
      %get3A_778 = arith.index_cast %add3A_747 : i32 to index
      %get3A_779 = arith.constant 32 : index
      %get3A_780 = tpu.vector_load %arg15[%get3A_778, %get3A_779] {strides = array<i32>} : memref<512x64xf32, #tpu.memory_space<vmem>>, vector<16xf32>,
      %get3A_781 = arith.index_cast %add3A_747 : i32 to index
      %get3A_782 = arith.constant 48 : index
      %get3A_783 = tpu.vector_load %arg15[%get3A_781, %get3A_782] {strides = array<i32>} : memref<512x64xf32, #tpu.memory_space<vmem>>, vector<16xf32>,
      %mul3A_784 = arith.mulf %get3A_750, %get3A_762 : vector<16xf32>
      %add3A_785 = arith.addf %broadcast_in_dim3A_373, %mul3A_784 : vector<16xf32>
      %mul3A_786 = arith.mulf %get3A_750, %get3A_774 : vector<16xf32>
      %add3A_787 = arith.addf %broadcast_in_dim3A_373, %mul3A_786 : vector<16xf32>
      %mul3A_788 = arith.mulf %get3A_750, %get3A_750 : vector<16xf32>
      %add3A_789 = arith.addf %add3A_735, %mul3A_788 : vector<16xf32>
      %mul3A_790 = arith.mulf %get3A_762, %get3A_762 : vector<16xf32>
      %add3A_791 = arith.addf %add3A_789, %mul3A_790 : vector<16xf32>
      %mul3A_792 = arith.mulf %get3A_774, %get3A_774 : vector<16xf32>
      %add3A_793 = arith.addf %add3A_791, %mul3A_792 : vector<16xf32>
      %mul3A_794 = arith.mulf %get3A_753, %get3A_765 : vector<16xf32>
      %add3A_795 = arith.addf %add3A_785, %mul3A_794 : vector<16xf32>
      %mul3A_796 = arith.mulf %get3A_753, %get3A_777 : vector<16xf32>
      %add3A_797 = arith.addf %add3A_787, %mul3A_796 : vector<16xf32>
      %mul3A_798 = arith.mulf %get3A_753, %get3A_753 : vector<16xf32>
      %add3A_799 = arith.addf %add3A_793, %mul3A_798 : vector<16xf32>
      %mul3A_800 = arith.mulf %get3A_765, %get3A_765 : vector<16xf32>
      %add3A_801 = arith.addf %add3A_799, %mul3A_800 : vector<16xf32>
      %mul3A_802 = arith.mulf %get3A_777, %get3A_777 : vector<16xf32>
      %add3A_803 = arith.addf %add3A_801, %mul3A_802 : vector<16xf32>
      %mul3A_804 = arith.mulf %get3A_756, %get3A_768 : vector<16xf32>
      %add3A_805 = arith.addf %add3A_795, %mul3A_804 : vector<16xf32>
      %mul3A_806 = arith.mulf %get3A_756, %get3A_780 : vector<16xf32>
      %add3A_807 = arith.addf %add3A_797, %mul3A_806 : vector<16xf32>
      %mul3A_808 = arith.mulf %get3A_756, %get3A_756 : vector<16xf32>
      %add3A_809 = arith.addf %add3A_803, %mul3A_808 : vector<16xf32>
      %mul3A_810 = arith.mulf %get3A_768, %get3A_768 : vector<16xf32>
      %add3A_811 = arith.addf %add3A_809, %mul3A_810 : vector<16xf32>
      %mul3A_812 = arith.mulf %get3A_780, %get3A_780 : vector<16xf32>
      %add3A_813 = arith.addf %add3A_811, %mul3A_812 : vector<16xf32>
      %mul3A_814 = arith.mulf %get3A_759, %get3A_771 : vector<16xf32>
      %add3A_815 = arith.addf %add3A_805, %mul3A_814 : vector<16xf32>
      %mul3A_816 = arith.mulf %get3A_759, %get3A_783 : vector<16xf32>
      %add3A_817 = arith.addf %add3A_807, %mul3A_816 : vector<16xf32>
      %mul3A_818 = arith.mulf %get3A_759, %get3A_759 : vector<16xf32>
      %add3A_819 = arith.addf %add3A_813, %mul3A_818 : vector<16xf32>
      %mul3A_820 = arith.mulf %get3A_771, %get3A_771 : vector<16xf32>
      %add3A_821 = arith.addf %add3A_819, %mul3A_820 : vector<16xf32>
      %mul3A_822 = arith.mulf %get3A_783, %get3A_783 : vector<16xf32>
      %add3A_823 = arith.addf %add3A_821, %mul3A_822 : vector<16xf32>
      %sub3A_824 = arith.subf %add3A_815, %add3A_817 : vector<16xf32>
      %reduce_sum3A_825 = arith.constant true
      %reduce_sum3A_826 = vector.broadcast %reduce_sum3A_825 : i1 to vector<16xi1>
      %reduce_sum3A_827 = tpu.scan <sum>, %sub3A_824 masked %reduce_sum3A_826 : vector<16xf32>, vector<16xi1> -> vector<16xf32>
      %reduce_sum3A_828 = vector.extract %reduce_sum3A_827[15] : f32 from vector<16xf32>
      %eq3A_829 = arith.constant 4 : i32
      %eq3A_830 = vector.broadcast %eq3A_829 : i32 to vector<16xi32>
      %eq3A_831 = arith.cmpi eq, %iota3A, %eq3A_830 : vector<16xi32>
      %broadcast_in_dim3A_832 = vector.broadcast %reduce_sum3A_828 : f32 to vector<16xf32>
      %select_n3A_833 = arith.select %eq3A_831, %broadcast_in_dim3A_832, %select_n3A_745 : vector<16xi1>, vector<16xf32>
      %add3A_834 = arith.constant 5 : i32
      %add3A_835 = arith.addi %mul3A_398, %add3A_834 : i32
      %get3A_836 = arith.index_cast %add3A_835 : i32 to index
      %get3A_837 = arith.constant 0 : index
      %get3A_838 = tpu.vector_load %arg13[%get3A_836, %get3A_837] {strides = array<i32>} : memref<512x64xf32, #tpu.memory_space<vmem>>, vector<16xf32>,
      %get3A_839 = arith.index_cast %add3A_835 : i32 to index
      %get3A_840 = arith.constant 16 : index
      %get3A_841 = tpu.vector_load %arg13[%get3A_839, %get3A_840] {strides = array<i32>} : memref<512x64xf32, #tpu.memory_space<vmem>>, vector<16xf32>,
      %get3A_842 = arith.index_cast %add3A_835 : i32 to index
      %get3A_843 = arith.constant 32 : index
      %get3A_844 = tpu.vector_load %arg13[%get3A_842, %get3A_843] {strides = array<i32>} : memref<512x64xf32, #tpu.memory_space<vmem>>, vector<16xf32>,
      %get3A_845 = arith.index_cast %add3A_835 : i32 to index
      %get3A_846 = arith.constant 48 : index
      %get3A_847 = tpu.vector_load %arg13[%get3A_845, %get3A_846] {strides = array<i32>} : memref<512x64xf32, #tpu.memory_space<vmem>>, vector<16xf32>,
      %get3A_848 = arith.index_cast %add3A_835 : i32 to index
      %get3A_849 = arith.constant 0 : index
      %get3A_850 = tpu.vector_load %arg14[%get3A_848, %get3A_849] {strides = array<i32>} : memref<512x64xf32, #tpu.memory_space<vmem>>, vector<16xf32>,
      %get3A_851 = arith.index_cast %add3A_835 : i32 to index
      %get3A_852 = arith.constant 16 : index
      %get3A_853 = tpu.vector_load %arg14[%get3A_851, %get3A_852] {strides = array<i32>} : memref<512x64xf32, #tpu.memory_space<vmem>>, vector<16xf32>,
      %get3A_854 = arith.index_cast %add3A_835 : i32 to index
      %get3A_855 = arith.constant 32 : index
      %get3A_856 = tpu.vector_load %arg14[%get3A_854, %get3A_855] {strides = array<i32>} : memref<512x64xf32, #tpu.memory_space<vmem>>, vector<16xf32>,
      %get3A_857 = arith.index_cast %add3A_835 : i32 to index
      %get3A_858 = arith.constant 48 : index
      %get3A_859 = tpu.vector_load %arg14[%get3A_857, %get3A_858] {strides = array<i32>} : memref<512x64xf32, #tpu.memory_space<vmem>>, vector<16xf32>,
      %get3A_860 = arith.index_cast %add3A_835 : i32 to index
      %get3A_861 = arith.constant 0 : index
      %get3A_862 = tpu.vector_load %arg15[%get3A_860, %get3A_861] {strides = array<i32>} : memref<512x64xf32, #tpu.memory_space<vmem>>, vector<16xf32>,
      %get3A_863 = arith.index_cast %add3A_835 : i32 to index
      %get3A_864 = arith.constant 16 : index
      %get3A_865 = tpu.vector_load %arg15[%get3A_863, %get3A_864] {strides = array<i32>} : memref<512x64xf32, #tpu.memory_space<vmem>>, vector<16xf32>,
      %get3A_866 = arith.index_cast %add3A_835 : i32 to index
      %get3A_867 = arith.constant 32 : index
      %get3A_868 = tpu.vector_load %arg15[%get3A_866, %get3A_867] {strides = array<i32>} : memref<512x64xf32, #tpu.memory_space<vmem>>, vector<16xf32>,
      %get3A_869 = arith.index_cast %add3A_835 : i32 to index
      %get3A_870 = arith.constant 48 : index
      %get3A_871 = tpu.vector_load %arg15[%get3A_869, %get3A_870] {strides = array<i32>} : memref<512x64xf32, #tpu.memory_space<vmem>>, vector<16xf32>,
      %mul3A_872 = arith.mulf %get3A_838, %get3A_850 : vector<16xf32>
      %add3A_873 = arith.addf %broadcast_in_dim3A_373, %mul3A_872 : vector<16xf32>
      %mul3A_874 = arith.mulf %get3A_838, %get3A_862 : vector<16xf32>
      %add3A_875 = arith.addf %broadcast_in_dim3A_373, %mul3A_874 : vector<16xf32>
      %mul3A_876 = arith.mulf %get3A_838, %get3A_838 : vector<16xf32>
      %add3A_877 = arith.addf %add3A_823, %mul3A_876 : vector<16xf32>
      %mul3A_878 = arith.mulf %get3A_850, %get3A_850 : vector<16xf32>
      %add3A_879 = arith.addf %add3A_877, %mul3A_878 : vector<16xf32>
      %mul3A_880 = arith.mulf %get3A_862, %get3A_862 : vector<16xf32>
      %add3A_881 = arith.addf %add3A_879, %mul3A_880 : vector<16xf32>
      %mul3A_882 = arith.mulf %get3A_841, %get3A_853 : vector<16xf32>
      %add3A_883 = arith.addf %add3A_873, %mul3A_882 : vector<16xf32>
      %mul3A_884 = arith.mulf %get3A_841, %get3A_865 : vector<16xf32>
      %add3A_885 = arith.addf %add3A_875, %mul3A_884 : vector<16xf32>
      %mul3A_886 = arith.mulf %get3A_841, %get3A_841 : vector<16xf32>
      %add3A_887 = arith.addf %add3A_881, %mul3A_886 : vector<16xf32>
      %mul3A_888 = arith.mulf %get3A_853, %get3A_853 : vector<16xf32>
      %add3A_889 = arith.addf %add3A_887, %mul3A_888 : vector<16xf32>
      %mul3A_890 = arith.mulf %get3A_865, %get3A_865 : vector<16xf32>
      %add3A_891 = arith.addf %add3A_889, %mul3A_890 : vector<16xf32>
      %mul3A_892 = arith.mulf %get3A_844, %get3A_856 : vector<16xf32>
      %add3A_893 = arith.addf %add3A_883, %mul3A_892 : vector<16xf32>
      %mul3A_894 = arith.mulf %get3A_844, %get3A_868 : vector<16xf32>
      %add3A_895 = arith.addf %add3A_885, %mul3A_894 : vector<16xf32>
      %mul3A_896 = arith.mulf %get3A_844, %get3A_844 : vector<16xf32>
      %add3A_897 = arith.addf %add3A_891, %mul3A_896 : vector<16xf32>
      %mul3A_898 = arith.mulf %get3A_856, %get3A_856 : vector<16xf32>
      %add3A_899 = arith.addf %add3A_897, %mul3A_898 : vector<16xf32>
      %mul3A_900 = arith.mulf %get3A_868, %get3A_868 : vector<16xf32>
      %add3A_901 = arith.addf %add3A_899, %mul3A_900 : vector<16xf32>
      %mul3A_902 = arith.mulf %get3A_847, %get3A_859 : vector<16xf32>
      %add3A_903 = arith.addf %add3A_893, %mul3A_902 : vector<16xf32>
      %mul3A_904 = arith.mulf %get3A_847, %get3A_871 : vector<16xf32>
      %add3A_905 = arith.addf %add3A_895, %mul3A_904 : vector<16xf32>
      %mul3A_906 = arith.mulf %get3A_847, %get3A_847 : vector<16xf32>
      %add3A_907 = arith.addf %add3A_901, %mul3A_906 : vector<16xf32>
      %mul3A_908 = arith.mulf %get3A_859, %get3A_859 : vector<16xf32>
      %add3A_909 = arith.addf %add3A_907, %mul3A_908 : vector<16xf32>
      %mul3A_910 = arith.mulf %get3A_871, %get3A_871 : vector<16xf32>
      %add3A_911 = arith.addf %add3A_909, %mul3A_910 : vector<16xf32>
      %sub3A_912 = arith.subf %add3A_903, %add3A_905 : vector<16xf32>
      %reduce_sum3A_913 = arith.constant true
      %reduce_sum3A_914 = vector.broadcast %reduce_sum3A_913 : i1 to vector<16xi1>
      %reduce_sum3A_915 = tpu.scan <sum>, %sub3A_912 masked %reduce_sum3A_914 : vector<16xf32>, vector<16xi1> -> vector<16xf32>
      %reduce_sum3A_916 = vector.extract %reduce_sum3A_915[15] : f32 from vector<16xf32>
      %eq3A_917 = arith.constant 5 : i32
      %eq3A_918 = vector.broadcast %eq3A_917 : i32 to vector<16xi32>
      %eq3A_919 = arith.cmpi eq, %iota3A, %eq3A_918 : vector<16xi32>
      %broadcast_in_dim3A_920 = vector.broadcast %reduce_sum3A_916 : f32 to vector<16xf32>
      %select_n3A_921 = arith.select %eq3A_919, %broadcast_in_dim3A_920, %select_n3A_833 : vector<16xi1>, vector<16xf32>
      %add3A_922 = arith.constant 6 : i32
      %add3A_923 = arith.addi %mul3A_398, %add3A_922 : i32
      %get3A_924 = arith.index_cast %add3A_923 : i32 to index
      %get3A_925 = arith.constant 0 : index
      %get3A_926 = tpu.vector_load %arg13[%get3A_924, %get3A_925] {strides = array<i32>} : memref<512x64xf32, #tpu.memory_space<vmem>>, vector<16xf32>,
      %get3A_927 = arith.index_cast %add3A_923 : i32 to index
      %get3A_928 = arith.constant 16 : index
      %get3A_929 = tpu.vector_load %arg13[%get3A_927, %get3A_928] {strides = array<i32>} : memref<512x64xf32, #tpu.memory_space<vmem>>, vector<16xf32>,
      %get3A_930 = arith.index_cast %add3A_923 : i32 to index
      %get3A_931 = arith.constant 32 : index
      %get3A_932 = tpu.vector_load %arg13[%get3A_930, %get3A_931] {strides = array<i32>} : memref<512x64xf32, #tpu.memory_space<vmem>>, vector<16xf32>,
      %get3A_933 = arith.index_cast %add3A_923 : i32 to index
      %get3A_934 = arith.constant 48 : index
      %get3A_935 = tpu.vector_load %arg13[%get3A_933, %get3A_934] {strides = array<i32>} : memref<512x64xf32, #tpu.memory_space<vmem>>, vector<16xf32>,
      %get3A_936 = arith.index_cast %add3A_923 : i32 to index
      %get3A_937 = arith.constant 0 : index
      %get3A_938 = tpu.vector_load %arg14[%get3A_936, %get3A_937] {strides = array<i32>} : memref<512x64xf32, #tpu.memory_space<vmem>>, vector<16xf32>,
      %get3A_939 = arith.index_cast %add3A_923 : i32 to index
      %get3A_940 = arith.constant 16 : index
      %get3A_941 = tpu.vector_load %arg14[%get3A_939, %get3A_940] {strides = array<i32>} : memref<512x64xf32, #tpu.memory_space<vmem>>, vector<16xf32>,
      %get3A_942 = arith.index_cast %add3A_923 : i32 to index
      %get3A_943 = arith.constant 32 : index
      %get3A_944 = tpu.vector_load %arg14[%get3A_942, %get3A_943] {strides = array<i32>} : memref<512x64xf32, #tpu.memory_space<vmem>>, vector<16xf32>,
      %get3A_945 = arith.index_cast %add3A_923 : i32 to index
      %get3A_946 = arith.constant 48 : index
      %get3A_947 = tpu.vector_load %arg14[%get3A_945, %get3A_946] {strides = array<i32>} : memref<512x64xf32, #tpu.memory_space<vmem>>, vector<16xf32>,
      %get3A_948 = arith.index_cast %add3A_923 : i32 to index
      %get3A_949 = arith.constant 0 : index
      %get3A_950 = tpu.vector_load %arg15[%get3A_948, %get3A_949] {strides = array<i32>} : memref<512x64xf32, #tpu.memory_space<vmem>>, vector<16xf32>,
      %get3A_951 = arith.index_cast %add3A_923 : i32 to index
      %get3A_952 = arith.constant 16 : index
      %get3A_953 = tpu.vector_load %arg15[%get3A_951, %get3A_952] {strides = array<i32>} : memref<512x64xf32, #tpu.memory_space<vmem>>, vector<16xf32>,
      %get3A_954 = arith.index_cast %add3A_923 : i32 to index
      %get3A_955 = arith.constant 32 : index
      %get3A_956 = tpu.vector_load %arg15[%get3A_954, %get3A_955] {strides = array<i32>} : memref<512x64xf32, #tpu.memory_space<vmem>>, vector<16xf32>,
      %get3A_957 = arith.index_cast %add3A_923 : i32 to index
      %get3A_958 = arith.constant 48 : index
      %get3A_959 = tpu.vector_load %arg15[%get3A_957, %get3A_958] {strides = array<i32>} : memref<512x64xf32, #tpu.memory_space<vmem>>, vector<16xf32>,
      %mul3A_960 = arith.mulf %get3A_926, %get3A_938 : vector<16xf32>
      %add3A_961 = arith.addf %broadcast_in_dim3A_373, %mul3A_960 : vector<16xf32>
      %mul3A_962 = arith.mulf %get3A_926, %get3A_950 : vector<16xf32>
      %add3A_963 = arith.addf %broadcast_in_dim3A_373, %mul3A_962 : vector<16xf32>
      %mul3A_964 = arith.mulf %get3A_926, %get3A_926 : vector<16xf32>
      %add3A_965 = arith.addf %add3A_911, %mul3A_964 : vector<16xf32>
      %mul3A_966 = arith.mulf %get3A_938, %get3A_938 : vector<16xf32>
      %add3A_967 = arith.addf %add3A_965, %mul3A_966 : vector<16xf32>
      %mul3A_968 = arith.mulf %get3A_950, %get3A_950 : vector<16xf32>
      %add3A_969 = arith.addf %add3A_967, %mul3A_968 : vector<16xf32>
      %mul3A_970 = arith.mulf %get3A_929, %get3A_941 : vector<16xf32>
      %add3A_971 = arith.addf %add3A_961, %mul3A_970 : vector<16xf32>
      %mul3A_972 = arith.mulf %get3A_929, %get3A_953 : vector<16xf32>
      %add3A_973 = arith.addf %add3A_963, %mul3A_972 : vector<16xf32>
      %mul3A_974 = arith.mulf %get3A_929, %get3A_929 : vector<16xf32>
      %add3A_975 = arith.addf %add3A_969, %mul3A_974 : vector<16xf32>
      %mul3A_976 = arith.mulf %get3A_941, %get3A_941 : vector<16xf32>
      %add3A_977 = arith.addf %add3A_975, %mul3A_976 : vector<16xf32>
      %mul3A_978 = arith.mulf %get3A_953, %get3A_953 : vector<16xf32>
      %add3A_979 = arith.addf %add3A_977, %mul3A_978 : vector<16xf32>
      %mul3A_980 = arith.mulf %get3A_932, %get3A_944 : vector<16xf32>
      %add3A_981 = arith.addf %add3A_971, %mul3A_980 : vector<16xf32>
      %mul3A_982 = arith.mulf %get3A_932, %get3A_956 : vector<16xf32>
      %add3A_983 = arith.addf %add3A_973, %mul3A_982 : vector<16xf32>
      %mul3A_984 = arith.mulf %get3A_932, %get3A_932 : vector<16xf32>
      %add3A_985 = arith.addf %add3A_979, %mul3A_984 : vector<16xf32>
      %mul3A_986 = arith.mulf %get3A_944, %get3A_944 : vector<16xf32>
      %add3A_987 = arith.addf %add3A_985, %mul3A_986 : vector<16xf32>
      %mul3A_988 = arith.mulf %get3A_956, %get3A_956 : vector<16xf32>
      %add3A_989 = arith.addf %add3A_987, %mul3A_988 : vector<16xf32>
      %mul3A_990 = arith.mulf %get3A_935, %get3A_947 : vector<16xf32>
      %add3A_991 = arith.addf %add3A_981, %mul3A_990 : vector<16xf32>
      %mul3A_992 = arith.mulf %get3A_935, %get3A_959 : vector<16xf32>
      %add3A_993 = arith.addf %add3A_983, %mul3A_992 : vector<16xf32>
      %mul3A_994 = arith.mulf %get3A_935, %get3A_935 : vector<16xf32>
      %add3A_995 = arith.addf %add3A_989, %mul3A_994 : vector<16xf32>
      %mul3A_996 = arith.mulf %get3A_947, %get3A_947 : vector<16xf32>
      %add3A_997 = arith.addf %add3A_995, %mul3A_996 : vector<16xf32>
      %mul3A_998 = arith.mulf %get3A_959, %get3A_959 : vector<16xf32>
      %add3A_999 = arith.addf %add3A_997, %mul3A_998 : vector<16xf32>
      %sub3A_1000 = arith.subf %add3A_991, %add3A_993 : vector<16xf32>
      %reduce_sum3A_1001 = arith.constant true
      %reduce_sum3A_1002 = vector.broadcast %reduce_sum3A_1001 : i1 to vector<16xi1>
      %reduce_sum3A_1003 = tpu.scan <sum>, %sub3A_1000 masked %reduce_sum3A_1002 : vector<16xf32>, vector<16xi1> -> vector<16xf32>
      %reduce_sum3A_1004 = vector.extract %reduce_sum3A_1003[15] : f32 from vector<16xf32>
      %eq3A_1005 = arith.constant 6 : i32
      %eq3A_1006 = vector.broadcast %eq3A_1005 : i32 to vector<16xi32>
      %eq3A_1007 = arith.cmpi eq, %iota3A, %eq3A_1006 : vector<16xi32>
      %broadcast_in_dim3A_1008 = vector.broadcast %reduce_sum3A_1004 : f32 to vector<16xf32>
      %select_n3A_1009 = arith.select %eq3A_1007, %broadcast_in_dim3A_1008, %select_n3A_921 : vector<16xi1>, vector<16xf32>
      %add3A_1010 = arith.constant 7 : i32
      %add3A_1011 = arith.addi %mul3A_398, %add3A_1010 : i32
      %get3A_1012 = arith.index_cast %add3A_1011 : i32 to index
      %get3A_1013 = arith.constant 0 : index
      %get3A_1014 = tpu.vector_load %arg13[%get3A_1012, %get3A_1013] {strides = array<i32>} : memref<512x64xf32, #tpu.memory_space<vmem>>, vector<16xf32>,
      %get3A_1015 = arith.index_cast %add3A_1011 : i32 to index
      %get3A_1016 = arith.constant 16 : index
      %get3A_1017 = tpu.vector_load %arg13[%get3A_1015, %get3A_1016] {strides = array<i32>} : memref<512x64xf32, #tpu.memory_space<vmem>>, vector<16xf32>,
      %get3A_1018 = arith.index_cast %add3A_1011 : i32 to index
      %get3A_1019 = arith.constant 32 : index
      %get3A_1020 = tpu.vector_load %arg13[%get3A_1018, %get3A_1019] {strides = array<i32>} : memref<512x64xf32, #tpu.memory_space<vmem>>, vector<16xf32>,
      %get3A_1021 = arith.index_cast %add3A_1011 : i32 to index
      %get3A_1022 = arith.constant 48 : index
      %get3A_1023 = tpu.vector_load %arg13[%get3A_1021, %get3A_1022] {strides = array<i32>} : memref<512x64xf32, #tpu.memory_space<vmem>>, vector<16xf32>,
      %get3A_1024 = arith.index_cast %add3A_1011 : i32 to index
      %get3A_1025 = arith.constant 0 : index
      %get3A_1026 = tpu.vector_load %arg14[%get3A_1024, %get3A_1025] {strides = array<i32>} : memref<512x64xf32, #tpu.memory_space<vmem>>, vector<16xf32>,
      %get3A_1027 = arith.index_cast %add3A_1011 : i32 to index
      %get3A_1028 = arith.constant 16 : index
      %get3A_1029 = tpu.vector_load %arg14[%get3A_1027, %get3A_1028] {strides = array<i32>} : memref<512x64xf32, #tpu.memory_space<vmem>>, vector<16xf32>,
      %get3A_1030 = arith.index_cast %add3A_1011 : i32 to index
      %get3A_1031 = arith.constant 32 : index
      %get3A_1032 = tpu.vector_load %arg14[%get3A_1030, %get3A_1031] {strides = array<i32>} : memref<512x64xf32, #tpu.memory_space<vmem>>, vector<16xf32>,
      %get3A_1033 = arith.index_cast %add3A_1011 : i32 to index
      %get3A_1034 = arith.constant 48 : index
      %get3A_1035 = tpu.vector_load %arg14[%get3A_1033, %get3A_1034] {strides = array<i32>} : memref<512x64xf32, #tpu.memory_space<vmem>>, vector<16xf32>,
      %get3A_1036 = arith.index_cast %add3A_1011 : i32 to index
      %get3A_1037 = arith.constant 0 : index
      %get3A_1038 = tpu.vector_load %arg15[%get3A_1036, %get3A_1037] {strides = array<i32>} : memref<512x64xf32, #tpu.memory_space<vmem>>, vector<16xf32>,
      %get3A_1039 = arith.index_cast %add3A_1011 : i32 to index
      %get3A_1040 = arith.constant 16 : index
      %get3A_1041 = tpu.vector_load %arg15[%get3A_1039, %get3A_1040] {strides = array<i32>} : memref<512x64xf32, #tpu.memory_space<vmem>>, vector<16xf32>,
      %get3A_1042 = arith.index_cast %add3A_1011 : i32 to index
      %get3A_1043 = arith.constant 32 : index
      %get3A_1044 = tpu.vector_load %arg15[%get3A_1042, %get3A_1043] {strides = array<i32>} : memref<512x64xf32, #tpu.memory_space<vmem>>, vector<16xf32>,
      %get3A_1045 = arith.index_cast %add3A_1011 : i32 to index
      %get3A_1046 = arith.constant 48 : index
      %get3A_1047 = tpu.vector_load %arg15[%get3A_1045, %get3A_1046] {strides = array<i32>} : memref<512x64xf32, #tpu.memory_space<vmem>>, vector<16xf32>,
      %mul3A_1048 = arith.mulf %get3A_1014, %get3A_1026 : vector<16xf32>
      %add3A_1049 = arith.addf %broadcast_in_dim3A_373, %mul3A_1048 : vector<16xf32>
      %mul3A_1050 = arith.mulf %get3A_1014, %get3A_1038 : vector<16xf32>
      %add3A_1051 = arith.addf %broadcast_in_dim3A_373, %mul3A_1050 : vector<16xf32>
      %mul3A_1052 = arith.mulf %get3A_1014, %get3A_1014 : vector<16xf32>
      %add3A_1053 = arith.addf %add3A_999, %mul3A_1052 : vector<16xf32>
      %mul3A_1054 = arith.mulf %get3A_1026, %get3A_1026 : vector<16xf32>
      %add3A_1055 = arith.addf %add3A_1053, %mul3A_1054 : vector<16xf32>
      %mul3A_1056 = arith.mulf %get3A_1038, %get3A_1038 : vector<16xf32>
      %add3A_1057 = arith.addf %add3A_1055, %mul3A_1056 : vector<16xf32>
      %mul3A_1058 = arith.mulf %get3A_1017, %get3A_1029 : vector<16xf32>
      %add3A_1059 = arith.addf %add3A_1049, %mul3A_1058 : vector<16xf32>
      %mul3A_1060 = arith.mulf %get3A_1017, %get3A_1041 : vector<16xf32>
      %add3A_1061 = arith.addf %add3A_1051, %mul3A_1060 : vector<16xf32>
      %mul3A_1062 = arith.mulf %get3A_1017, %get3A_1017 : vector<16xf32>
      %add3A_1063 = arith.addf %add3A_1057, %mul3A_1062 : vector<16xf32>
      %mul3A_1064 = arith.mulf %get3A_1029, %get3A_1029 : vector<16xf32>
      %add3A_1065 = arith.addf %add3A_1063, %mul3A_1064 : vector<16xf32>
      %mul3A_1066 = arith.mulf %get3A_1041, %get3A_1041 : vector<16xf32>
      %add3A_1067 = arith.addf %add3A_1065, %mul3A_1066 : vector<16xf32>
      %mul3A_1068 = arith.mulf %get3A_1020, %get3A_1032 : vector<16xf32>
      %add3A_1069 = arith.addf %add3A_1059, %mul3A_1068 : vector<16xf32>
      %mul3A_1070 = arith.mulf %get3A_1020, %get3A_1044 : vector<16xf32>
      %add3A_1071 = arith.addf %add3A_1061, %mul3A_1070 : vector<16xf32>
      %mul3A_1072 = arith.mulf %get3A_1020, %get3A_1020 : vector<16xf32>
      %add3A_1073 = arith.addf %add3A_1067, %mul3A_1072 : vector<16xf32>
      %mul3A_1074 = arith.mulf %get3A_1032, %get3A_1032 : vector<16xf32>
      %add3A_1075 = arith.addf %add3A_1073, %mul3A_1074 : vector<16xf32>
      %mul3A_1076 = arith.mulf %get3A_1044, %get3A_1044 : vector<16xf32>
      %add3A_1077 = arith.addf %add3A_1075, %mul3A_1076 : vector<16xf32>
      %mul3A_1078 = arith.mulf %get3A_1023, %get3A_1035 : vector<16xf32>
      %add3A_1079 = arith.addf %add3A_1069, %mul3A_1078 : vector<16xf32>
      %mul3A_1080 = arith.mulf %get3A_1023, %get3A_1047 : vector<16xf32>
      %add3A_1081 = arith.addf %add3A_1071, %mul3A_1080 : vector<16xf32>
      %mul3A_1082 = arith.mulf %get3A_1023, %get3A_1023 : vector<16xf32>
      %add3A_1083 = arith.addf %add3A_1077, %mul3A_1082 : vector<16xf32>
      %mul3A_1084 = arith.mulf %get3A_1035, %get3A_1035 : vector<16xf32>
      %add3A_1085 = arith.addf %add3A_1083, %mul3A_1084 : vector<16xf32>
      %mul3A_1086 = arith.mulf %get3A_1047, %get3A_1047 : vector<16xf32>
      %add3A_1087 = arith.addf %add3A_1085, %mul3A_1086 : vector<16xf32>
      %sub3A_1088 = arith.subf %add3A_1079, %add3A_1081 : vector<16xf32>
      %reduce_sum3A_1089 = arith.constant true
      %reduce_sum3A_1090 = vector.broadcast %reduce_sum3A_1089 : i1 to vector<16xi1>
      %reduce_sum3A_1091 = tpu.scan <sum>, %sub3A_1088 masked %reduce_sum3A_1090 : vector<16xf32>, vector<16xi1> -> vector<16xf32>
      %reduce_sum3A_1092 = vector.extract %reduce_sum3A_1091[15] : f32 from vector<16xf32>
      %eq3A_1093 = arith.constant 7 : i32
      %eq3A_1094 = vector.broadcast %eq3A_1093 : i32 to vector<16xi32>
      %eq3A_1095 = arith.cmpi eq, %iota3A, %eq3A_1094 : vector<16xi32>
      %broadcast_in_dim3A_1096 = vector.broadcast %reduce_sum3A_1092 : f32 to vector<16xf32>
      %select_n3A_1097 = arith.select %eq3A_1095, %broadcast_in_dim3A_1096, %select_n3A_1009 : vector<16xi1>, vector<16xf32>
      %add3A_1098 = arith.constant 8 : i32
      %add3A_1099 = arith.addi %mul3A_398, %add3A_1098 : i32
      %get3A_1100 = arith.index_cast %add3A_1099 : i32 to index
      %get3A_1101 = arith.constant 0 : index
      %get3A_1102 = tpu.vector_load %arg13[%get3A_1100, %get3A_1101] {strides = array<i32>} : memref<512x64xf32, #tpu.memory_space<vmem>>, vector<16xf32>,
      %get3A_1103 = arith.index_cast %add3A_1099 : i32 to index
      %get3A_1104 = arith.constant 16 : index
      %get3A_1105 = tpu.vector_load %arg13[%get3A_1103, %get3A_1104] {strides = array<i32>} : memref<512x64xf32, #tpu.memory_space<vmem>>, vector<16xf32>,
      %get3A_1106 = arith.index_cast %add3A_1099 : i32 to index
      %get3A_1107 = arith.constant 32 : index
      %get3A_1108 = tpu.vector_load %arg13[%get3A_1106, %get3A_1107] {strides = array<i32>} : memref<512x64xf32, #tpu.memory_space<vmem>>, vector<16xf32>,
      %get3A_1109 = arith.index_cast %add3A_1099 : i32 to index
      %get3A_1110 = arith.constant 48 : index
      %get3A_1111 = tpu.vector_load %arg13[%get3A_1109, %get3A_1110] {strides = array<i32>} : memref<512x64xf32, #tpu.memory_space<vmem>>, vector<16xf32>,
      %get3A_1112 = arith.index_cast %add3A_1099 : i32 to index
      %get3A_1113 = arith.constant 0 : index
      %get3A_1114 = tpu.vector_load %arg14[%get3A_1112, %get3A_1113] {strides = array<i32>} : memref<512x64xf32, #tpu.memory_space<vmem>>, vector<16xf32>,
      %get3A_1115 = arith.index_cast %add3A_1099 : i32 to index
      %get3A_1116 = arith.constant 16 : index
      %get3A_1117 = tpu.vector_load %arg14[%get3A_1115, %get3A_1116] {strides = array<i32>} : memref<512x64xf32, #tpu.memory_space<vmem>>, vector<16xf32>,
      %get3A_1118 = arith.index_cast %add3A_1099 : i32 to index
      %get3A_1119 = arith.constant 32 : index
      %get3A_1120 = tpu.vector_load %arg14[%get3A_1118, %get3A_1119] {strides = array<i32>} : memref<512x64xf32, #tpu.memory_space<vmem>>, vector<16xf32>,
      %get3A_1121 = arith.index_cast %add3A_1099 : i32 to index
      %get3A_1122 = arith.constant 48 : index
      %get3A_1123 = tpu.vector_load %arg14[%get3A_1121, %get3A_1122] {strides = array<i32>} : memref<512x64xf32, #tpu.memory_space<vmem>>, vector<16xf32>,
      %get3A_1124 = arith.index_cast %add3A_1099 : i32 to index
      %get3A_1125 = arith.constant 0 : index
      %get3A_1126 = tpu.vector_load %arg15[%get3A_1124, %get3A_1125] {strides = array<i32>} : memref<512x64xf32, #tpu.memory_space<vmem>>, vector<16xf32>,
      %get3A_1127 = arith.index_cast %add3A_1099 : i32 to index
      %get3A_1128 = arith.constant 16 : index
      %get3A_1129 = tpu.vector_load %arg15[%get3A_1127, %get3A_1128] {strides = array<i32>} : memref<512x64xf32, #tpu.memory_space<vmem>>, vector<16xf32>,
      %get3A_1130 = arith.index_cast %add3A_1099 : i32 to index
      %get3A_1131 = arith.constant 32 : index
      %get3A_1132 = tpu.vector_load %arg15[%get3A_1130, %get3A_1131] {strides = array<i32>} : memref<512x64xf32, #tpu.memory_space<vmem>>, vector<16xf32>,
      %get3A_1133 = arith.index_cast %add3A_1099 : i32 to index
      %get3A_1134 = arith.constant 48 : index
      %get3A_1135 = tpu.vector_load %arg15[%get3A_1133, %get3A_1134] {strides = array<i32>} : memref<512x64xf32, #tpu.memory_space<vmem>>, vector<16xf32>,
      %mul3A_1136 = arith.mulf %get3A_1102, %get3A_1114 : vector<16xf32>
      %add3A_1137 = arith.addf %broadcast_in_dim3A_373, %mul3A_1136 : vector<16xf32>
      %mul3A_1138 = arith.mulf %get3A_1102, %get3A_1126 : vector<16xf32>
      %add3A_1139 = arith.addf %broadcast_in_dim3A_373, %mul3A_1138 : vector<16xf32>
      %mul3A_1140 = arith.mulf %get3A_1102, %get3A_1102 : vector<16xf32>
      %add3A_1141 = arith.addf %add3A_1087, %mul3A_1140 : vector<16xf32>
      %mul3A_1142 = arith.mulf %get3A_1114, %get3A_1114 : vector<16xf32>
      %add3A_1143 = arith.addf %add3A_1141, %mul3A_1142 : vector<16xf32>
      %mul3A_1144 = arith.mulf %get3A_1126, %get3A_1126 : vector<16xf32>
      %add3A_1145 = arith.addf %add3A_1143, %mul3A_1144 : vector<16xf32>
      %mul3A_1146 = arith.mulf %get3A_1105, %get3A_1117 : vector<16xf32>
      %add3A_1147 = arith.addf %add3A_1137, %mul3A_1146 : vector<16xf32>
      %mul3A_1148 = arith.mulf %get3A_1105, %get3A_1129 : vector<16xf32>
      %add3A_1149 = arith.addf %add3A_1139, %mul3A_1148 : vector<16xf32>
      %mul3A_1150 = arith.mulf %get3A_1105, %get3A_1105 : vector<16xf32>
      %add3A_1151 = arith.addf %add3A_1145, %mul3A_1150 : vector<16xf32>
      %mul3A_1152 = arith.mulf %get3A_1117, %get3A_1117 : vector<16xf32>
      %add3A_1153 = arith.addf %add3A_1151, %mul3A_1152 : vector<16xf32>
      %mul3A_1154 = arith.mulf %get3A_1129, %get3A_1129 : vector<16xf32>
      %add3A_1155 = arith.addf %add3A_1153, %mul3A_1154 : vector<16xf32>
      %mul3A_1156 = arith.mulf %get3A_1108, %get3A_1120 : vector<16xf32>
      %add3A_1157 = arith.addf %add3A_1147, %mul3A_1156 : vector<16xf32>
      %mul3A_1158 = arith.mulf %get3A_1108, %get3A_1132 : vector<16xf32>
      %add3A_1159 = arith.addf %add3A_1149, %mul3A_1158 : vector<16xf32>
      %mul3A_1160 = arith.mulf %get3A_1108, %get3A_1108 : vector<16xf32>
      %add3A_1161 = arith.addf %add3A_1155, %mul3A_1160 : vector<16xf32>
      %mul3A_1162 = arith.mulf %get3A_1120, %get3A_1120 : vector<16xf32>
      %add3A_1163 = arith.addf %add3A_1161, %mul3A_1162 : vector<16xf32>
      %mul3A_1164 = arith.mulf %get3A_1132, %get3A_1132 : vector<16xf32>
      %add3A_1165 = arith.addf %add3A_1163, %mul3A_1164 : vector<16xf32>
      %mul3A_1166 = arith.mulf %get3A_1111, %get3A_1123 : vector<16xf32>
      %add3A_1167 = arith.addf %add3A_1157, %mul3A_1166 : vector<16xf32>
      %mul3A_1168 = arith.mulf %get3A_1111, %get3A_1135 : vector<16xf32>
      %add3A_1169 = arith.addf %add3A_1159, %mul3A_1168 : vector<16xf32>
      %mul3A_1170 = arith.mulf %get3A_1111, %get3A_1111 : vector<16xf32>
      %add3A_1171 = arith.addf %add3A_1165, %mul3A_1170 : vector<16xf32>
      %mul3A_1172 = arith.mulf %get3A_1123, %get3A_1123 : vector<16xf32>
      %add3A_1173 = arith.addf %add3A_1171, %mul3A_1172 : vector<16xf32>
      %mul3A_1174 = arith.mulf %get3A_1135, %get3A_1135 : vector<16xf32>
      %add3A_1175 = arith.addf %add3A_1173, %mul3A_1174 : vector<16xf32>
      %sub3A_1176 = arith.subf %add3A_1167, %add3A_1169 : vector<16xf32>
      %reduce_sum3A_1177 = arith.constant true
      %reduce_sum3A_1178 = vector.broadcast %reduce_sum3A_1177 : i1 to vector<16xi1>
      %reduce_sum3A_1179 = tpu.scan <sum>, %sub3A_1176 masked %reduce_sum3A_1178 : vector<16xf32>, vector<16xi1> -> vector<16xf32>
      %reduce_sum3A_1180 = vector.extract %reduce_sum3A_1179[15] : f32 from vector<16xf32>
      %eq3A_1181 = arith.constant 8 : i32
      %eq3A_1182 = vector.broadcast %eq3A_1181 : i32 to vector<16xi32>
      %eq3A_1183 = arith.cmpi eq, %iota3A, %eq3A_1182 : vector<16xi32>
      %broadcast_in_dim3A_1184 = vector.broadcast %reduce_sum3A_1180 : f32 to vector<16xf32>
      %select_n3A_1185 = arith.select %eq3A_1183, %broadcast_in_dim3A_1184, %select_n3A_1097 : vector<16xi1>, vector<16xf32>
      %add3A_1186 = arith.constant 9 : i32
      %add3A_1187 = arith.addi %mul3A_398, %add3A_1186 : i32
      %get3A_1188 = arith.index_cast %add3A_1187 : i32 to index
      %get3A_1189 = arith.constant 0 : index
      %get3A_1190 = tpu.vector_load %arg13[%get3A_1188, %get3A_1189] {strides = array<i32>} : memref<512x64xf32, #tpu.memory_space<vmem>>, vector<16xf32>,
      %get3A_1191 = arith.index_cast %add3A_1187 : i32 to index
      %get3A_1192 = arith.constant 16 : index
      %get3A_1193 = tpu.vector_load %arg13[%get3A_1191, %get3A_1192] {strides = array<i32>} : memref<512x64xf32, #tpu.memory_space<vmem>>, vector<16xf32>,
      %get3A_1194 = arith.index_cast %add3A_1187 : i32 to index
      %get3A_1195 = arith.constant 32 : index
      %get3A_1196 = tpu.vector_load %arg13[%get3A_1194, %get3A_1195] {strides = array<i32>} : memref<512x64xf32, #tpu.memory_space<vmem>>, vector<16xf32>,
      %get3A_1197 = arith.index_cast %add3A_1187 : i32 to index
      %get3A_1198 = arith.constant 48 : index
      %get3A_1199 = tpu.vector_load %arg13[%get3A_1197, %get3A_1198] {strides = array<i32>} : memref<512x64xf32, #tpu.memory_space<vmem>>, vector<16xf32>,
      %get3A_1200 = arith.index_cast %add3A_1187 : i32 to index
      %get3A_1201 = arith.constant 0 : index
      %get3A_1202 = tpu.vector_load %arg14[%get3A_1200, %get3A_1201] {strides = array<i32>} : memref<512x64xf32, #tpu.memory_space<vmem>>, vector<16xf32>,
      %get3A_1203 = arith.index_cast %add3A_1187 : i32 to index
      %get3A_1204 = arith.constant 16 : index
      %get3A_1205 = tpu.vector_load %arg14[%get3A_1203, %get3A_1204] {strides = array<i32>} : memref<512x64xf32, #tpu.memory_space<vmem>>, vector<16xf32>,
      %get3A_1206 = arith.index_cast %add3A_1187 : i32 to index
      %get3A_1207 = arith.constant 32 : index
      %get3A_1208 = tpu.vector_load %arg14[%get3A_1206, %get3A_1207] {strides = array<i32>} : memref<512x64xf32, #tpu.memory_space<vmem>>, vector<16xf32>,
      %get3A_1209 = arith.index_cast %add3A_1187 : i32 to index
      %get3A_1210 = arith.constant 48 : index
      %get3A_1211 = tpu.vector_load %arg14[%get3A_1209, %get3A_1210] {strides = array<i32>} : memref<512x64xf32, #tpu.memory_space<vmem>>, vector<16xf32>,
      %get3A_1212 = arith.index_cast %add3A_1187 : i32 to index
      %get3A_1213 = arith.constant 0 : index
      %get3A_1214 = tpu.vector_load %arg15[%get3A_1212, %get3A_1213] {strides = array<i32>} : memref<512x64xf32, #tpu.memory_space<vmem>>, vector<16xf32>,
      %get3A_1215 = arith.index_cast %add3A_1187 : i32 to index
      %get3A_1216 = arith.constant 16 : index
      %get3A_1217 = tpu.vector_load %arg15[%get3A_1215, %get3A_1216] {strides = array<i32>} : memref<512x64xf32, #tpu.memory_space<vmem>>, vector<16xf32>,
      %get3A_1218 = arith.index_cast %add3A_1187 : i32 to index
      %get3A_1219 = arith.constant 32 : index
      %get3A_1220 = tpu.vector_load %arg15[%get3A_1218, %get3A_1219] {strides = array<i32>} : memref<512x64xf32, #tpu.memory_space<vmem>>, vector<16xf32>,
      %get3A_1221 = arith.index_cast %add3A_1187 : i32 to index
      %get3A_1222 = arith.constant 48 : index
      %get3A_1223 = tpu.vector_load %arg15[%get3A_1221, %get3A_1222] {strides = array<i32>} : memref<512x64xf32, #tpu.memory_space<vmem>>, vector<16xf32>,
      %mul3A_1224 = arith.mulf %get3A_1190, %get3A_1202 : vector<16xf32>
      %add3A_1225 = arith.addf %broadcast_in_dim3A_373, %mul3A_1224 : vector<16xf32>
      %mul3A_1226 = arith.mulf %get3A_1190, %get3A_1214 : vector<16xf32>
      %add3A_1227 = arith.addf %broadcast_in_dim3A_373, %mul3A_1226 : vector<16xf32>
      %mul3A_1228 = arith.mulf %get3A_1190, %get3A_1190 : vector<16xf32>
      %add3A_1229 = arith.addf %add3A_1175, %mul3A_1228 : vector<16xf32>
      %mul3A_1230 = arith.mulf %get3A_1202, %get3A_1202 : vector<16xf32>
      %add3A_1231 = arith.addf %add3A_1229, %mul3A_1230 : vector<16xf32>
      %mul3A_1232 = arith.mulf %get3A_1214, %get3A_1214 : vector<16xf32>
      %add3A_1233 = arith.addf %add3A_1231, %mul3A_1232 : vector<16xf32>
      %mul3A_1234 = arith.mulf %get3A_1193, %get3A_1205 : vector<16xf32>
      %add3A_1235 = arith.addf %add3A_1225, %mul3A_1234 : vector<16xf32>
      %mul3A_1236 = arith.mulf %get3A_1193, %get3A_1217 : vector<16xf32>
      %add3A_1237 = arith.addf %add3A_1227, %mul3A_1236 : vector<16xf32>
      %mul3A_1238 = arith.mulf %get3A_1193, %get3A_1193 : vector<16xf32>
      %add3A_1239 = arith.addf %add3A_1233, %mul3A_1238 : vector<16xf32>
      %mul3A_1240 = arith.mulf %get3A_1205, %get3A_1205 : vector<16xf32>
      %add3A_1241 = arith.addf %add3A_1239, %mul3A_1240 : vector<16xf32>
      %mul3A_1242 = arith.mulf %get3A_1217, %get3A_1217 : vector<16xf32>
      %add3A_1243 = arith.addf %add3A_1241, %mul3A_1242 : vector<16xf32>
      %mul3A_1244 = arith.mulf %get3A_1196, %get3A_1208 : vector<16xf32>
      %add3A_1245 = arith.addf %add3A_1235, %mul3A_1244 : vector<16xf32>
      %mul3A_1246 = arith.mulf %get3A_1196, %get3A_1220 : vector<16xf32>
      %add3A_1247 = arith.addf %add3A_1237, %mul3A_1246 : vector<16xf32>
      %mul3A_1248 = arith.mulf %get3A_1196, %get3A_1196 : vector<16xf32>
      %add3A_1249 = arith.addf %add3A_1243, %mul3A_1248 : vector<16xf32>
      %mul3A_1250 = arith.mulf %get3A_1208, %get3A_1208 : vector<16xf32>
      %add3A_1251 = arith.addf %add3A_1249, %mul3A_1250 : vector<16xf32>
      %mul3A_1252 = arith.mulf %get3A_1220, %get3A_1220 : vector<16xf32>
      %add3A_1253 = arith.addf %add3A_1251, %mul3A_1252 : vector<16xf32>
      %mul3A_1254 = arith.mulf %get3A_1199, %get3A_1211 : vector<16xf32>
      %add3A_1255 = arith.addf %add3A_1245, %mul3A_1254 : vector<16xf32>
      %mul3A_1256 = arith.mulf %get3A_1199, %get3A_1223 : vector<16xf32>
      %add3A_1257 = arith.addf %add3A_1247, %mul3A_1256 : vector<16xf32>
      %mul3A_1258 = arith.mulf %get3A_1199, %get3A_1199 : vector<16xf32>
      %add3A_1259 = arith.addf %add3A_1253, %mul3A_1258 : vector<16xf32>
      %mul3A_1260 = arith.mulf %get3A_1211, %get3A_1211 : vector<16xf32>
      %add3A_1261 = arith.addf %add3A_1259, %mul3A_1260 : vector<16xf32>
      %mul3A_1262 = arith.mulf %get3A_1223, %get3A_1223 : vector<16xf32>
      %add3A_1263 = arith.addf %add3A_1261, %mul3A_1262 : vector<16xf32>
      %sub3A_1264 = arith.subf %add3A_1255, %add3A_1257 : vector<16xf32>
      %reduce_sum3A_1265 = arith.constant true
      %reduce_sum3A_1266 = vector.broadcast %reduce_sum3A_1265 : i1 to vector<16xi1>
      %reduce_sum3A_1267 = tpu.scan <sum>, %sub3A_1264 masked %reduce_sum3A_1266 : vector<16xf32>, vector<16xi1> -> vector<16xf32>
      %reduce_sum3A_1268 = vector.extract %reduce_sum3A_1267[15] : f32 from vector<16xf32>
      %eq3A_1269 = arith.constant 9 : i32
      %eq3A_1270 = vector.broadcast %eq3A_1269 : i32 to vector<16xi32>
      %eq3A_1271 = arith.cmpi eq, %iota3A, %eq3A_1270 : vector<16xi32>
      %broadcast_in_dim3A_1272 = vector.broadcast %reduce_sum3A_1268 : f32 to vector<16xf32>
      %select_n3A_1273 = arith.select %eq3A_1271, %broadcast_in_dim3A_1272, %select_n3A_1185 : vector<16xi1>, vector<16xf32>
      %add3A_1274 = arith.constant 10 : i32
      %add3A_1275 = arith.addi %mul3A_398, %add3A_1274 : i32
      %get3A_1276 = arith.index_cast %add3A_1275 : i32 to index
      %get3A_1277 = arith.constant 0 : index
      %get3A_1278 = tpu.vector_load %arg13[%get3A_1276, %get3A_1277] {strides = array<i32>} : memref<512x64xf32, #tpu.memory_space<vmem>>, vector<16xf32>,
      %get3A_1279 = arith.index_cast %add3A_1275 : i32 to index
      %get3A_1280 = arith.constant 16 : index
      %get3A_1281 = tpu.vector_load %arg13[%get3A_1279, %get3A_1280] {strides = array<i32>} : memref<512x64xf32, #tpu.memory_space<vmem>>, vector<16xf32>,
      %get3A_1282 = arith.index_cast %add3A_1275 : i32 to index
      %get3A_1283 = arith.constant 32 : index
      %get3A_1284 = tpu.vector_load %arg13[%get3A_1282, %get3A_1283] {strides = array<i32>} : memref<512x64xf32, #tpu.memory_space<vmem>>, vector<16xf32>,
      %get3A_1285 = arith.index_cast %add3A_1275 : i32 to index
      %get3A_1286 = arith.constant 48 : index
      %get3A_1287 = tpu.vector_load %arg13[%get3A_1285, %get3A_1286] {strides = array<i32>} : memref<512x64xf32, #tpu.memory_space<vmem>>, vector<16xf32>,
      %get3A_1288 = arith.index_cast %add3A_1275 : i32 to index
      %get3A_1289 = arith.constant 0 : index
      %get3A_1290 = tpu.vector_load %arg14[%get3A_1288, %get3A_1289] {strides = array<i32>} : memref<512x64xf32, #tpu.memory_space<vmem>>, vector<16xf32>,
      %get3A_1291 = arith.index_cast %add3A_1275 : i32 to index
      %get3A_1292 = arith.constant 16 : index
      %get3A_1293 = tpu.vector_load %arg14[%get3A_1291, %get3A_1292] {strides = array<i32>} : memref<512x64xf32, #tpu.memory_space<vmem>>, vector<16xf32>,
      %get3A_1294 = arith.index_cast %add3A_1275 : i32 to index
      %get3A_1295 = arith.constant 32 : index
      %get3A_1296 = tpu.vector_load %arg14[%get3A_1294, %get3A_1295] {strides = array<i32>} : memref<512x64xf32, #tpu.memory_space<vmem>>, vector<16xf32>,
      %get3A_1297 = arith.index_cast %add3A_1275 : i32 to index
      %get3A_1298 = arith.constant 48 : index
      %get3A_1299 = tpu.vector_load %arg14[%get3A_1297, %get3A_1298] {strides = array<i32>} : memref<512x64xf32, #tpu.memory_space<vmem>>, vector<16xf32>,
      %get3A_1300 = arith.index_cast %add3A_1275 : i32 to index
      %get3A_1301 = arith.constant 0 : index
      %get3A_1302 = tpu.vector_load %arg15[%get3A_1300, %get3A_1301] {strides = array<i32>} : memref<512x64xf32, #tpu.memory_space<vmem>>, vector<16xf32>,
      %get3A_1303 = arith.index_cast %add3A_1275 : i32 to index
      %get3A_1304 = arith.constant 16 : index
      %get3A_1305 = tpu.vector_load %arg15[%get3A_1303, %get3A_1304] {strides = array<i32>} : memref<512x64xf32, #tpu.memory_space<vmem>>, vector<16xf32>,
      %get3A_1306 = arith.index_cast %add3A_1275 : i32 to index
      %get3A_1307 = arith.constant 32 : index
      %get3A_1308 = tpu.vector_load %arg15[%get3A_1306, %get3A_1307] {strides = array<i32>} : memref<512x64xf32, #tpu.memory_space<vmem>>, vector<16xf32>,
      %get3A_1309 = arith.index_cast %add3A_1275 : i32 to index
      %get3A_1310 = arith.constant 48 : index
      %get3A_1311 = tpu.vector_load %arg15[%get3A_1309, %get3A_1310] {strides = array<i32>} : memref<512x64xf32, #tpu.memory_space<vmem>>, vector<16xf32>,
      %mul3A_1312 = arith.mulf %get3A_1278, %get3A_1290 : vector<16xf32>
      %add3A_1313 = arith.addf %broadcast_in_dim3A_373, %mul3A_1312 : vector<16xf32>
      %mul3A_1314 = arith.mulf %get3A_1278, %get3A_1302 : vector<16xf32>
      %add3A_1315 = arith.addf %broadcast_in_dim3A_373, %mul3A_1314 : vector<16xf32>
      %mul3A_1316 = arith.mulf %get3A_1278, %get3A_1278 : vector<16xf32>
      %add3A_1317 = arith.addf %add3A_1263, %mul3A_1316 : vector<16xf32>
      %mul3A_1318 = arith.mulf %get3A_1290, %get3A_1290 : vector<16xf32>
      %add3A_1319 = arith.addf %add3A_1317, %mul3A_1318 : vector<16xf32>
      %mul3A_1320 = arith.mulf %get3A_1302, %get3A_1302 : vector<16xf32>
      %add3A_1321 = arith.addf %add3A_1319, %mul3A_1320 : vector<16xf32>
      %mul3A_1322 = arith.mulf %get3A_1281, %get3A_1293 : vector<16xf32>
      %add3A_1323 = arith.addf %add3A_1313, %mul3A_1322 : vector<16xf32>
      %mul3A_1324 = arith.mulf %get3A_1281, %get3A_1305 : vector<16xf32>
      %add3A_1325 = arith.addf %add3A_1315, %mul3A_1324 : vector<16xf32>
      %mul3A_1326 = arith.mulf %get3A_1281, %get3A_1281 : vector<16xf32>
      %add3A_1327 = arith.addf %add3A_1321, %mul3A_1326 : vector<16xf32>
      %mul3A_1328 = arith.mulf %get3A_1293, %get3A_1293 : vector<16xf32>
      %add3A_1329 = arith.addf %add3A_1327, %mul3A_1328 : vector<16xf32>
      %mul3A_1330 = arith.mulf %get3A_1305, %get3A_1305 : vector<16xf32>
      %add3A_1331 = arith.addf %add3A_1329, %mul3A_1330 : vector<16xf32>
      %mul3A_1332 = arith.mulf %get3A_1284, %get3A_1296 : vector<16xf32>
      %add3A_1333 = arith.addf %add3A_1323, %mul3A_1332 : vector<16xf32>
      %mul3A_1334 = arith.mulf %get3A_1284, %get3A_1308 : vector<16xf32>
      %add3A_1335 = arith.addf %add3A_1325, %mul3A_1334 : vector<16xf32>
      %mul3A_1336 = arith.mulf %get3A_1284, %get3A_1284 : vector<16xf32>
      %add3A_1337 = arith.addf %add3A_1331, %mul3A_1336 : vector<16xf32>
      %mul3A_1338 = arith.mulf %get3A_1296, %get3A_1296 : vector<16xf32>
      %add3A_1339 = arith.addf %add3A_1337, %mul3A_1338 : vector<16xf32>
      %mul3A_1340 = arith.mulf %get3A_1308, %get3A_1308 : vector<16xf32>
      %add3A_1341 = arith.addf %add3A_1339, %mul3A_1340 : vector<16xf32>
      %mul3A_1342 = arith.mulf %get3A_1287, %get3A_1299 : vector<16xf32>
      %add3A_1343 = arith.addf %add3A_1333, %mul3A_1342 : vector<16xf32>
      %mul3A_1344 = arith.mulf %get3A_1287, %get3A_1311 : vector<16xf32>
      %add3A_1345 = arith.addf %add3A_1335, %mul3A_1344 : vector<16xf32>
      %mul3A_1346 = arith.mulf %get3A_1287, %get3A_1287 : vector<16xf32>
      %add3A_1347 = arith.addf %add3A_1341, %mul3A_1346 : vector<16xf32>
      %mul3A_1348 = arith.mulf %get3A_1299, %get3A_1299 : vector<16xf32>
      %add3A_1349 = arith.addf %add3A_1347, %mul3A_1348 : vector<16xf32>
      %mul3A_1350 = arith.mulf %get3A_1311, %get3A_1311 : vector<16xf32>
      %add3A_1351 = arith.addf %add3A_1349, %mul3A_1350 : vector<16xf32>
      %sub3A_1352 = arith.subf %add3A_1343, %add3A_1345 : vector<16xf32>
      %reduce_sum3A_1353 = arith.constant true
      %reduce_sum3A_1354 = vector.broadcast %reduce_sum3A_1353 : i1 to vector<16xi1>
      %reduce_sum3A_1355 = tpu.scan <sum>, %sub3A_1352 masked %reduce_sum3A_1354 : vector<16xf32>, vector<16xi1> -> vector<16xf32>
      %reduce_sum3A_1356 = vector.extract %reduce_sum3A_1355[15] : f32 from vector<16xf32>
      %eq3A_1357 = arith.constant 10 : i32
      %eq3A_1358 = vector.broadcast %eq3A_1357 : i32 to vector<16xi32>
      %eq3A_1359 = arith.cmpi eq, %iota3A, %eq3A_1358 : vector<16xi32>
      %broadcast_in_dim3A_1360 = vector.broadcast %reduce_sum3A_1356 : f32 to vector<16xf32>
      %select_n3A_1361 = arith.select %eq3A_1359, %broadcast_in_dim3A_1360, %select_n3A_1273 : vector<16xi1>, vector<16xf32>
      %add3A_1362 = arith.constant 11 : i32
      %add3A_1363 = arith.addi %mul3A_398, %add3A_1362 : i32
      %get3A_1364 = arith.index_cast %add3A_1363 : i32 to index
      %get3A_1365 = arith.constant 0 : index
      %get3A_1366 = tpu.vector_load %arg13[%get3A_1364, %get3A_1365] {strides = array<i32>} : memref<512x64xf32, #tpu.memory_space<vmem>>, vector<16xf32>,
      %get3A_1367 = arith.index_cast %add3A_1363 : i32 to index
      %get3A_1368 = arith.constant 16 : index
      %get3A_1369 = tpu.vector_load %arg13[%get3A_1367, %get3A_1368] {strides = array<i32>} : memref<512x64xf32, #tpu.memory_space<vmem>>, vector<16xf32>,
      %get3A_1370 = arith.index_cast %add3A_1363 : i32 to index
      %get3A_1371 = arith.constant 32 : index
      %get3A_1372 = tpu.vector_load %arg13[%get3A_1370, %get3A_1371] {strides = array<i32>} : memref<512x64xf32, #tpu.memory_space<vmem>>, vector<16xf32>,
      %get3A_1373 = arith.index_cast %add3A_1363 : i32 to index
      %get3A_1374 = arith.constant 48 : index
      %get3A_1375 = tpu.vector_load %arg13[%get3A_1373, %get3A_1374] {strides = array<i32>} : memref<512x64xf32, #tpu.memory_space<vmem>>, vector<16xf32>,
      %get3A_1376 = arith.index_cast %add3A_1363 : i32 to index
      %get3A_1377 = arith.constant 0 : index
      %get3A_1378 = tpu.vector_load %arg14[%get3A_1376, %get3A_1377] {strides = array<i32>} : memref<512x64xf32, #tpu.memory_space<vmem>>, vector<16xf32>,
      %get3A_1379 = arith.index_cast %add3A_1363 : i32 to index
      %get3A_1380 = arith.constant 16 : index
      %get3A_1381 = tpu.vector_load %arg14[%get3A_1379, %get3A_1380] {strides = array<i32>} : memref<512x64xf32, #tpu.memory_space<vmem>>, vector<16xf32>,
      %get3A_1382 = arith.index_cast %add3A_1363 : i32 to index
      %get3A_1383 = arith.constant 32 : index
      %get3A_1384 = tpu.vector_load %arg14[%get3A_1382, %get3A_1383] {strides = array<i32>} : memref<512x64xf32, #tpu.memory_space<vmem>>, vector<16xf32>,
      %get3A_1385 = arith.index_cast %add3A_1363 : i32 to index
      %get3A_1386 = arith.constant 48 : index
      %get3A_1387 = tpu.vector_load %arg14[%get3A_1385, %get3A_1386] {strides = array<i32>} : memref<512x64xf32, #tpu.memory_space<vmem>>, vector<16xf32>,
      %get3A_1388 = arith.index_cast %add3A_1363 : i32 to index
      %get3A_1389 = arith.constant 0 : index
      %get3A_1390 = tpu.vector_load %arg15[%get3A_1388, %get3A_1389] {strides = array<i32>} : memref<512x64xf32, #tpu.memory_space<vmem>>, vector<16xf32>,
      %get3A_1391 = arith.index_cast %add3A_1363 : i32 to index
      %get3A_1392 = arith.constant 16 : index
      %get3A_1393 = tpu.vector_load %arg15[%get3A_1391, %get3A_1392] {strides = array<i32>} : memref<512x64xf32, #tpu.memory_space<vmem>>, vector<16xf32>,
      %get3A_1394 = arith.index_cast %add3A_1363 : i32 to index
      %get3A_1395 = arith.constant 32 : index
      %get3A_1396 = tpu.vector_load %arg15[%get3A_1394, %get3A_1395] {strides = array<i32>} : memref<512x64xf32, #tpu.memory_space<vmem>>, vector<16xf32>,
      %get3A_1397 = arith.index_cast %add3A_1363 : i32 to index
      %get3A_1398 = arith.constant 48 : index
      %get3A_1399 = tpu.vector_load %arg15[%get3A_1397, %get3A_1398] {strides = array<i32>} : memref<512x64xf32, #tpu.memory_space<vmem>>, vector<16xf32>,
      %mul3A_1400 = arith.mulf %get3A_1366, %get3A_1378 : vector<16xf32>
      %add3A_1401 = arith.addf %broadcast_in_dim3A_373, %mul3A_1400 : vector<16xf32>
      %mul3A_1402 = arith.mulf %get3A_1366, %get3A_1390 : vector<16xf32>
      %add3A_1403 = arith.addf %broadcast_in_dim3A_373, %mul3A_1402 : vector<16xf32>
      %mul3A_1404 = arith.mulf %get3A_1366, %get3A_1366 : vector<16xf32>
      %add3A_1405 = arith.addf %add3A_1351, %mul3A_1404 : vector<16xf32>
      %mul3A_1406 = arith.mulf %get3A_1378, %get3A_1378 : vector<16xf32>
      %add3A_1407 = arith.addf %add3A_1405, %mul3A_1406 : vector<16xf32>
      %mul3A_1408 = arith.mulf %get3A_1390, %get3A_1390 : vector<16xf32>
      %add3A_1409 = arith.addf %add3A_1407, %mul3A_1408 : vector<16xf32>
      %mul3A_1410 = arith.mulf %get3A_1369, %get3A_1381 : vector<16xf32>
      %add3A_1411 = arith.addf %add3A_1401, %mul3A_1410 : vector<16xf32>
      %mul3A_1412 = arith.mulf %get3A_1369, %get3A_1393 : vector<16xf32>
      %add3A_1413 = arith.addf %add3A_1403, %mul3A_1412 : vector<16xf32>
      %mul3A_1414 = arith.mulf %get3A_1369, %get3A_1369 : vector<16xf32>
      %add3A_1415 = arith.addf %add3A_1409, %mul3A_1414 : vector<16xf32>
      %mul3A_1416 = arith.mulf %get3A_1381, %get3A_1381 : vector<16xf32>
      %add3A_1417 = arith.addf %add3A_1415, %mul3A_1416 : vector<16xf32>
      %mul3A_1418 = arith.mulf %get3A_1393, %get3A_1393 : vector<16xf32>
      %add3A_1419 = arith.addf %add3A_1417, %mul3A_1418 : vector<16xf32>
      %mul3A_1420 = arith.mulf %get3A_1372, %get3A_1384 : vector<16xf32>
      %add3A_1421 = arith.addf %add3A_1411, %mul3A_1420 : vector<16xf32>
      %mul3A_1422 = arith.mulf %get3A_1372, %get3A_1396 : vector<16xf32>
      %add3A_1423 = arith.addf %add3A_1413, %mul3A_1422 : vector<16xf32>
      %mul3A_1424 = arith.mulf %get3A_1372, %get3A_1372 : vector<16xf32>
      %add3A_1425 = arith.addf %add3A_1419, %mul3A_1424 : vector<16xf32>
      %mul3A_1426 = arith.mulf %get3A_1384, %get3A_1384 : vector<16xf32>
      %add3A_1427 = arith.addf %add3A_1425, %mul3A_1426 : vector<16xf32>
      %mul3A_1428 = arith.mulf %get3A_1396, %get3A_1396 : vector<16xf32>
      %add3A_1429 = arith.addf %add3A_1427, %mul3A_1428 : vector<16xf32>
      %mul3A_1430 = arith.mulf %get3A_1375, %get3A_1387 : vector<16xf32>
      %add3A_1431 = arith.addf %add3A_1421, %mul3A_1430 : vector<16xf32>
      %mul3A_1432 = arith.mulf %get3A_1375, %get3A_1399 : vector<16xf32>
      %add3A_1433 = arith.addf %add3A_1423, %mul3A_1432 : vector<16xf32>
      %mul3A_1434 = arith.mulf %get3A_1375, %get3A_1375 : vector<16xf32>
      %add3A_1435 = arith.addf %add3A_1429, %mul3A_1434 : vector<16xf32>
      %mul3A_1436 = arith.mulf %get3A_1387, %get3A_1387 : vector<16xf32>
      %add3A_1437 = arith.addf %add3A_1435, %mul3A_1436 : vector<16xf32>
      %mul3A_1438 = arith.mulf %get3A_1399, %get3A_1399 : vector<16xf32>
      %add3A_1439 = arith.addf %add3A_1437, %mul3A_1438 : vector<16xf32>
      %sub3A_1440 = arith.subf %add3A_1431, %add3A_1433 : vector<16xf32>
      %reduce_sum3A_1441 = arith.constant true
      %reduce_sum3A_1442 = vector.broadcast %reduce_sum3A_1441 : i1 to vector<16xi1>
      %reduce_sum3A_1443 = tpu.scan <sum>, %sub3A_1440 masked %reduce_sum3A_1442 : vector<16xf32>, vector<16xi1> -> vector<16xf32>
      %reduce_sum3A_1444 = vector.extract %reduce_sum3A_1443[15] : f32 from vector<16xf32>
      %eq3A_1445 = arith.constant 11 : i32
      %eq3A_1446 = vector.broadcast %eq3A_1445 : i32 to vector<16xi32>
      %eq3A_1447 = arith.cmpi eq, %iota3A, %eq3A_1446 : vector<16xi32>
      %broadcast_in_dim3A_1448 = vector.broadcast %reduce_sum3A_1444 : f32 to vector<16xf32>
      %select_n3A_1449 = arith.select %eq3A_1447, %broadcast_in_dim3A_1448, %select_n3A_1361 : vector<16xi1>, vector<16xf32>
      %add3A_1450 = arith.constant 12 : i32
      %add3A_1451 = arith.addi %mul3A_398, %add3A_1450 : i32
      %get3A_1452 = arith.index_cast %add3A_1451 : i32 to index
      %get3A_1453 = arith.constant 0 : index
      %get3A_1454 = tpu.vector_load %arg13[%get3A_1452, %get3A_1453] {strides = array<i32>} : memref<512x64xf32, #tpu.memory_space<vmem>>, vector<16xf32>,
      %get3A_1455 = arith.index_cast %add3A_1451 : i32 to index
      %get3A_1456 = arith.constant 16 : index
      %get3A_1457 = tpu.vector_load %arg13[%get3A_1455, %get3A_1456] {strides = array<i32>} : memref<512x64xf32, #tpu.memory_space<vmem>>, vector<16xf32>,
      %get3A_1458 = arith.index_cast %add3A_1451 : i32 to index
      %get3A_1459 = arith.constant 32 : index
      %get3A_1460 = tpu.vector_load %arg13[%get3A_1458, %get3A_1459] {strides = array<i32>} : memref<512x64xf32, #tpu.memory_space<vmem>>, vector<16xf32>,
      %get3A_1461 = arith.index_cast %add3A_1451 : i32 to index
      %get3A_1462 = arith.constant 48 : index
      %get3A_1463 = tpu.vector_load %arg13[%get3A_1461, %get3A_1462] {strides = array<i32>} : memref<512x64xf32, #tpu.memory_space<vmem>>, vector<16xf32>,
      %get3A_1464 = arith.index_cast %add3A_1451 : i32 to index
      %get3A_1465 = arith.constant 0 : index
      %get3A_1466 = tpu.vector_load %arg14[%get3A_1464, %get3A_1465] {strides = array<i32>} : memref<512x64xf32, #tpu.memory_space<vmem>>, vector<16xf32>,
      %get3A_1467 = arith.index_cast %add3A_1451 : i32 to index
      %get3A_1468 = arith.constant 16 : index
      %get3A_1469 = tpu.vector_load %arg14[%get3A_1467, %get3A_1468] {strides = array<i32>} : memref<512x64xf32, #tpu.memory_space<vmem>>, vector<16xf32>,
      %get3A_1470 = arith.index_cast %add3A_1451 : i32 to index
      %get3A_1471 = arith.constant 32 : index
      %get3A_1472 = tpu.vector_load %arg14[%get3A_1470, %get3A_1471] {strides = array<i32>} : memref<512x64xf32, #tpu.memory_space<vmem>>, vector<16xf32>,
      %get3A_1473 = arith.index_cast %add3A_1451 : i32 to index
      %get3A_1474 = arith.constant 48 : index
      %get3A_1475 = tpu.vector_load %arg14[%get3A_1473, %get3A_1474] {strides = array<i32>} : memref<512x64xf32, #tpu.memory_space<vmem>>, vector<16xf32>,
      %get3A_1476 = arith.index_cast %add3A_1451 : i32 to index
      %get3A_1477 = arith.constant 0 : index
      %get3A_1478 = tpu.vector_load %arg15[%get3A_1476, %get3A_1477] {strides = array<i32>} : memref<512x64xf32, #tpu.memory_space<vmem>>, vector<16xf32>,
      %get3A_1479 = arith.index_cast %add3A_1451 : i32 to index
      %get3A_1480 = arith.constant 16 : index
      %get3A_1481 = tpu.vector_load %arg15[%get3A_1479, %get3A_1480] {strides = array<i32>} : memref<512x64xf32, #tpu.memory_space<vmem>>, vector<16xf32>,
      %get3A_1482 = arith.index_cast %add3A_1451 : i32 to index
      %get3A_1483 = arith.constant 32 : index
      %get3A_1484 = tpu.vector_load %arg15[%get3A_1482, %get3A_1483] {strides = array<i32>} : memref<512x64xf32, #tpu.memory_space<vmem>>, vector<16xf32>,
      %get3A_1485 = arith.index_cast %add3A_1451 : i32 to index
      %get3A_1486 = arith.constant 48 : index
      %get3A_1487 = tpu.vector_load %arg15[%get3A_1485, %get3A_1486] {strides = array<i32>} : memref<512x64xf32, #tpu.memory_space<vmem>>, vector<16xf32>,
      %mul3A_1488 = arith.mulf %get3A_1454, %get3A_1466 : vector<16xf32>
      %add3A_1489 = arith.addf %broadcast_in_dim3A_373, %mul3A_1488 : vector<16xf32>
      %mul3A_1490 = arith.mulf %get3A_1454, %get3A_1478 : vector<16xf32>
      %add3A_1491 = arith.addf %broadcast_in_dim3A_373, %mul3A_1490 : vector<16xf32>
      %mul3A_1492 = arith.mulf %get3A_1454, %get3A_1454 : vector<16xf32>
      %add3A_1493 = arith.addf %add3A_1439, %mul3A_1492 : vector<16xf32>
      %mul3A_1494 = arith.mulf %get3A_1466, %get3A_1466 : vector<16xf32>
      %add3A_1495 = arith.addf %add3A_1493, %mul3A_1494 : vector<16xf32>
      %mul3A_1496 = arith.mulf %get3A_1478, %get3A_1478 : vector<16xf32>
      %add3A_1497 = arith.addf %add3A_1495, %mul3A_1496 : vector<16xf32>
      %mul3A_1498 = arith.mulf %get3A_1457, %get3A_1469 : vector<16xf32>
      %add3A_1499 = arith.addf %add3A_1489, %mul3A_1498 : vector<16xf32>
      %mul3A_1500 = arith.mulf %get3A_1457, %get3A_1481 : vector<16xf32>
      %add3A_1501 = arith.addf %add3A_1491, %mul3A_1500 : vector<16xf32>
      %mul3A_1502 = arith.mulf %get3A_1457, %get3A_1457 : vector<16xf32>
      %add3A_1503 = arith.addf %add3A_1497, %mul3A_1502 : vector<16xf32>
      %mul3A_1504 = arith.mulf %get3A_1469, %get3A_1469 : vector<16xf32>
      %add3A_1505 = arith.addf %add3A_1503, %mul3A_1504 : vector<16xf32>
      %mul3A_1506 = arith.mulf %get3A_1481, %get3A_1481 : vector<16xf32>
      %add3A_1507 = arith.addf %add3A_1505, %mul3A_1506 : vector<16xf32>
      %mul3A_1508 = arith.mulf %get3A_1460, %get3A_1472 : vector<16xf32>
      %add3A_1509 = arith.addf %add3A_1499, %mul3A_1508 : vector<16xf32>
      %mul3A_1510 = arith.mulf %get3A_1460, %get3A_1484 : vector<16xf32>
      %add3A_1511 = arith.addf %add3A_1501, %mul3A_1510 : vector<16xf32>
      %mul3A_1512 = arith.mulf %get3A_1460, %get3A_1460 : vector<16xf32>
      %add3A_1513 = arith.addf %add3A_1507, %mul3A_1512 : vector<16xf32>
      %mul3A_1514 = arith.mulf %get3A_1472, %get3A_1472 : vector<16xf32>
      %add3A_1515 = arith.addf %add3A_1513, %mul3A_1514 : vector<16xf32>
      %mul3A_1516 = arith.mulf %get3A_1484, %get3A_1484 : vector<16xf32>
      %add3A_1517 = arith.addf %add3A_1515, %mul3A_1516 : vector<16xf32>
      %mul3A_1518 = arith.mulf %get3A_1463, %get3A_1475 : vector<16xf32>
      %add3A_1519 = arith.addf %add3A_1509, %mul3A_1518 : vector<16xf32>
      %mul3A_1520 = arith.mulf %get3A_1463, %get3A_1487 : vector<16xf32>
      %add3A_1521 = arith.addf %add3A_1511, %mul3A_1520 : vector<16xf32>
      %mul3A_1522 = arith.mulf %get3A_1463, %get3A_1463 : vector<16xf32>
      %add3A_1523 = arith.addf %add3A_1517, %mul3A_1522 : vector<16xf32>
      %mul3A_1524 = arith.mulf %get3A_1475, %get3A_1475 : vector<16xf32>
      %add3A_1525 = arith.addf %add3A_1523, %mul3A_1524 : vector<16xf32>
      %mul3A_1526 = arith.mulf %get3A_1487, %get3A_1487 : vector<16xf32>
      %add3A_1527 = arith.addf %add3A_1525, %mul3A_1526 : vector<16xf32>
      %sub3A_1528 = arith.subf %add3A_1519, %add3A_1521 : vector<16xf32>
      %reduce_sum3A_1529 = arith.constant true
      %reduce_sum3A_1530 = vector.broadcast %reduce_sum3A_1529 : i1 to vector<16xi1>
      %reduce_sum3A_1531 = tpu.scan <sum>, %sub3A_1528 masked %reduce_sum3A_1530 : vector<16xf32>, vector<16xi1> -> vector<16xf32>
      %reduce_sum3A_1532 = vector.extract %reduce_sum3A_1531[15] : f32 from vector<16xf32>
      %eq3A_1533 = arith.constant 12 : i32
      %eq3A_1534 = vector.broadcast %eq3A_1533 : i32 to vector<16xi32>
      %eq3A_1535 = arith.cmpi eq, %iota3A, %eq3A_1534 : vector<16xi32>
      %broadcast_in_dim3A_1536 = vector.broadcast %reduce_sum3A_1532 : f32 to vector<16xf32>
      %select_n3A_1537 = arith.select %eq3A_1535, %broadcast_in_dim3A_1536, %select_n3A_1449 : vector<16xi1>, vector<16xf32>
      %add3A_1538 = arith.constant 13 : i32
      %add3A_1539 = arith.addi %mul3A_398, %add3A_1538 : i32
      %get3A_1540 = arith.index_cast %add3A_1539 : i32 to index
      %get3A_1541 = arith.constant 0 : index
      %get3A_1542 = tpu.vector_load %arg13[%get3A_1540, %get3A_1541] {strides = array<i32>} : memref<512x64xf32, #tpu.memory_space<vmem>>, vector<16xf32>,
      %get3A_1543 = arith.index_cast %add3A_1539 : i32 to index
      %get3A_1544 = arith.constant 16 : index
      %get3A_1545 = tpu.vector_load %arg13[%get3A_1543, %get3A_1544] {strides = array<i32>} : memref<512x64xf32, #tpu.memory_space<vmem>>, vector<16xf32>,
      %get3A_1546 = arith.index_cast %add3A_1539 : i32 to index
      %get3A_1547 = arith.constant 32 : index
      %get3A_1548 = tpu.vector_load %arg13[%get3A_1546, %get3A_1547] {strides = array<i32>} : memref<512x64xf32, #tpu.memory_space<vmem>>, vector<16xf32>,
      %get3A_1549 = arith.index_cast %add3A_1539 : i32 to index
      %get3A_1550 = arith.constant 48 : index
      %get3A_1551 = tpu.vector_load %arg13[%get3A_1549, %get3A_1550] {strides = array<i32>} : memref<512x64xf32, #tpu.memory_space<vmem>>, vector<16xf32>,
      %get3A_1552 = arith.index_cast %add3A_1539 : i32 to index
      %get3A_1553 = arith.constant 0 : index
      %get3A_1554 = tpu.vector_load %arg14[%get3A_1552, %get3A_1553] {strides = array<i32>} : memref<512x64xf32, #tpu.memory_space<vmem>>, vector<16xf32>,
      %get3A_1555 = arith.index_cast %add3A_1539 : i32 to index
      %get3A_1556 = arith.constant 16 : index
      %get3A_1557 = tpu.vector_load %arg14[%get3A_1555, %get3A_1556] {strides = array<i32>} : memref<512x64xf32, #tpu.memory_space<vmem>>, vector<16xf32>,
      %get3A_1558 = arith.index_cast %add3A_1539 : i32 to index
      %get3A_1559 = arith.constant 32 : index
      %get3A_1560 = tpu.vector_load %arg14[%get3A_1558, %get3A_1559] {strides = array<i32>} : memref<512x64xf32, #tpu.memory_space<vmem>>, vector<16xf32>,
      %get3A_1561 = arith.index_cast %add3A_1539 : i32 to index
      %get3A_1562 = arith.constant 48 : index
      %get3A_1563 = tpu.vector_load %arg14[%get3A_1561, %get3A_1562] {strides = array<i32>} : memref<512x64xf32, #tpu.memory_space<vmem>>, vector<16xf32>,
      %get3A_1564 = arith.index_cast %add3A_1539 : i32 to index
      %get3A_1565 = arith.constant 0 : index
      %get3A_1566 = tpu.vector_load %arg15[%get3A_1564, %get3A_1565] {strides = array<i32>} : memref<512x64xf32, #tpu.memory_space<vmem>>, vector<16xf32>,
      %get3A_1567 = arith.index_cast %add3A_1539 : i32 to index
      %get3A_1568 = arith.constant 16 : index
      %get3A_1569 = tpu.vector_load %arg15[%get3A_1567, %get3A_1568] {strides = array<i32>} : memref<512x64xf32, #tpu.memory_space<vmem>>, vector<16xf32>,
      %get3A_1570 = arith.index_cast %add3A_1539 : i32 to index
      %get3A_1571 = arith.constant 32 : index
      %get3A_1572 = tpu.vector_load %arg15[%get3A_1570, %get3A_1571] {strides = array<i32>} : memref<512x64xf32, #tpu.memory_space<vmem>>, vector<16xf32>,
      %get3A_1573 = arith.index_cast %add3A_1539 : i32 to index
      %get3A_1574 = arith.constant 48 : index
      %get3A_1575 = tpu.vector_load %arg15[%get3A_1573, %get3A_1574] {strides = array<i32>} : memref<512x64xf32, #tpu.memory_space<vmem>>, vector<16xf32>,
      %mul3A_1576 = arith.mulf %get3A_1542, %get3A_1554 : vector<16xf32>
      %add3A_1577 = arith.addf %broadcast_in_dim3A_373, %mul3A_1576 : vector<16xf32>
      %mul3A_1578 = arith.mulf %get3A_1542, %get3A_1566 : vector<16xf32>
      %add3A_1579 = arith.addf %broadcast_in_dim3A_373, %mul3A_1578 : vector<16xf32>
      %mul3A_1580 = arith.mulf %get3A_1542, %get3A_1542 : vector<16xf32>
      %add3A_1581 = arith.addf %add3A_1527, %mul3A_1580 : vector<16xf32>
      %mul3A_1582 = arith.mulf %get3A_1554, %get3A_1554 : vector<16xf32>
      %add3A_1583 = arith.addf %add3A_1581, %mul3A_1582 : vector<16xf32>
      %mul3A_1584 = arith.mulf %get3A_1566, %get3A_1566 : vector<16xf32>
      %add3A_1585 = arith.addf %add3A_1583, %mul3A_1584 : vector<16xf32>
      %mul3A_1586 = arith.mulf %get3A_1545, %get3A_1557 : vector<16xf32>
      %add3A_1587 = arith.addf %add3A_1577, %mul3A_1586 : vector<16xf32>
      %mul3A_1588 = arith.mulf %get3A_1545, %get3A_1569 : vector<16xf32>
      %add3A_1589 = arith.addf %add3A_1579, %mul3A_1588 : vector<16xf32>
      %mul3A_1590 = arith.mulf %get3A_1545, %get3A_1545 : vector<16xf32>
      %add3A_1591 = arith.addf %add3A_1585, %mul3A_1590 : vector<16xf32>
      %mul3A_1592 = arith.mulf %get3A_1557, %get3A_1557 : vector<16xf32>
      %add3A_1593 = arith.addf %add3A_1591, %mul3A_1592 : vector<16xf32>
      %mul3A_1594 = arith.mulf %get3A_1569, %get3A_1569 : vector<16xf32>
      %add3A_1595 = arith.addf %add3A_1593, %mul3A_1594 : vector<16xf32>
      %mul3A_1596 = arith.mulf %get3A_1548, %get3A_1560 : vector<16xf32>
      %add3A_1597 = arith.addf %add3A_1587, %mul3A_1596 : vector<16xf32>
      %mul3A_1598 = arith.mulf %get3A_1548, %get3A_1572 : vector<16xf32>
      %add3A_1599 = arith.addf %add3A_1589, %mul3A_1598 : vector<16xf32>
      %mul3A_1600 = arith.mulf %get3A_1548, %get3A_1548 : vector<16xf32>
      %add3A_1601 = arith.addf %add3A_1595, %mul3A_1600 : vector<16xf32>
      %mul3A_1602 = arith.mulf %get3A_1560, %get3A_1560 : vector<16xf32>
      %add3A_1603 = arith.addf %add3A_1601, %mul3A_1602 : vector<16xf32>
      %mul3A_1604 = arith.mulf %get3A_1572, %get3A_1572 : vector<16xf32>
      %add3A_1605 = arith.addf %add3A_1603, %mul3A_1604 : vector<16xf32>
      %mul3A_1606 = arith.mulf %get3A_1551, %get3A_1563 : vector<16xf32>
      %add3A_1607 = arith.addf %add3A_1597, %mul3A_1606 : vector<16xf32>
      %mul3A_1608 = arith.mulf %get3A_1551, %get3A_1575 : vector<16xf32>
      %add3A_1609 = arith.addf %add3A_1599, %mul3A_1608 : vector<16xf32>
      %mul3A_1610 = arith.mulf %get3A_1551, %get3A_1551 : vector<16xf32>
      %add3A_1611 = arith.addf %add3A_1605, %mul3A_1610 : vector<16xf32>
      %mul3A_1612 = arith.mulf %get3A_1563, %get3A_1563 : vector<16xf32>
      %add3A_1613 = arith.addf %add3A_1611, %mul3A_1612 : vector<16xf32>
      %mul3A_1614 = arith.mulf %get3A_1575, %get3A_1575 : vector<16xf32>
      %add3A_1615 = arith.addf %add3A_1613, %mul3A_1614 : vector<16xf32>
      %sub3A_1616 = arith.subf %add3A_1607, %add3A_1609 : vector<16xf32>
      %reduce_sum3A_1617 = arith.constant true
      %reduce_sum3A_1618 = vector.broadcast %reduce_sum3A_1617 : i1 to vector<16xi1>
      %reduce_sum3A_1619 = tpu.scan <sum>, %sub3A_1616 masked %reduce_sum3A_1618 : vector<16xf32>, vector<16xi1> -> vector<16xf32>
      %reduce_sum3A_1620 = vector.extract %reduce_sum3A_1619[15] : f32 from vector<16xf32>
      %eq3A_1621 = arith.constant 13 : i32
      %eq3A_1622 = vector.broadcast %eq3A_1621 : i32 to vector<16xi32>
      %eq3A_1623 = arith.cmpi eq, %iota3A, %eq3A_1622 : vector<16xi32>
      %broadcast_in_dim3A_1624 = vector.broadcast %reduce_sum3A_1620 : f32 to vector<16xf32>
      %select_n3A_1625 = arith.select %eq3A_1623, %broadcast_in_dim3A_1624, %select_n3A_1537 : vector<16xi1>, vector<16xf32>
      %add3A_1626 = arith.constant 14 : i32
      %add3A_1627 = arith.addi %mul3A_398, %add3A_1626 : i32
      %get3A_1628 = arith.index_cast %add3A_1627 : i32 to index
      %get3A_1629 = arith.constant 0 : index
      %get3A_1630 = tpu.vector_load %arg13[%get3A_1628, %get3A_1629] {strides = array<i32>} : memref<512x64xf32, #tpu.memory_space<vmem>>, vector<16xf32>,
      %get3A_1631 = arith.index_cast %add3A_1627 : i32 to index
      %get3A_1632 = arith.constant 16 : index
      %get3A_1633 = tpu.vector_load %arg13[%get3A_1631, %get3A_1632] {strides = array<i32>} : memref<512x64xf32, #tpu.memory_space<vmem>>, vector<16xf32>,
      %get3A_1634 = arith.index_cast %add3A_1627 : i32 to index
      %get3A_1635 = arith.constant 32 : index
      %get3A_1636 = tpu.vector_load %arg13[%get3A_1634, %get3A_1635] {strides = array<i32>} : memref<512x64xf32, #tpu.memory_space<vmem>>, vector<16xf32>,
      %get3A_1637 = arith.index_cast %add3A_1627 : i32 to index
      %get3A_1638 = arith.constant 48 : index
      %get3A_1639 = tpu.vector_load %arg13[%get3A_1637, %get3A_1638] {strides = array<i32>} : memref<512x64xf32, #tpu.memory_space<vmem>>, vector<16xf32>,
      %get3A_1640 = arith.index_cast %add3A_1627 : i32 to index
      %get3A_1641 = arith.constant 0 : index
      %get3A_1642 = tpu.vector_load %arg14[%get3A_1640, %get3A_1641] {strides = array<i32>} : memref<512x64xf32, #tpu.memory_space<vmem>>, vector<16xf32>,
      %get3A_1643 = arith.index_cast %add3A_1627 : i32 to index
      %get3A_1644 = arith.constant 16 : index
      %get3A_1645 = tpu.vector_load %arg14[%get3A_1643, %get3A_1644] {strides = array<i32>} : memref<512x64xf32, #tpu.memory_space<vmem>>, vector<16xf32>,
      %get3A_1646 = arith.index_cast %add3A_1627 : i32 to index
      %get3A_1647 = arith.constant 32 : index
      %get3A_1648 = tpu.vector_load %arg14[%get3A_1646, %get3A_1647] {strides = array<i32>} : memref<512x64xf32, #tpu.memory_space<vmem>>, vector<16xf32>,
      %get3A_1649 = arith.index_cast %add3A_1627 : i32 to index
      %get3A_1650 = arith.constant 48 : index
      %get3A_1651 = tpu.vector_load %arg14[%get3A_1649, %get3A_1650] {strides = array<i32>} : memref<512x64xf32, #tpu.memory_space<vmem>>, vector<16xf32>,
      %get3A_1652 = arith.index_cast %add3A_1627 : i32 to index
      %get3A_1653 = arith.constant 0 : index
      %get3A_1654 = tpu.vector_load %arg15[%get3A_1652, %get3A_1653] {strides = array<i32>} : memref<512x64xf32, #tpu.memory_space<vmem>>, vector<16xf32>,
      %get3A_1655 = arith.index_cast %add3A_1627 : i32 to index
      %get3A_1656 = arith.constant 16 : index
      %get3A_1657 = tpu.vector_load %arg15[%get3A_1655, %get3A_1656] {strides = array<i32>} : memref<512x64xf32, #tpu.memory_space<vmem>>, vector<16xf32>,
      %get3A_1658 = arith.index_cast %add3A_1627 : i32 to index
      %get3A_1659 = arith.constant 32 : index
      %get3A_1660 = tpu.vector_load %arg15[%get3A_1658, %get3A_1659] {strides = array<i32>} : memref<512x64xf32, #tpu.memory_space<vmem>>, vector<16xf32>,
      %get3A_1661 = arith.index_cast %add3A_1627 : i32 to index
      %get3A_1662 = arith.constant 48 : index
      %get3A_1663 = tpu.vector_load %arg15[%get3A_1661, %get3A_1662] {strides = array<i32>} : memref<512x64xf32, #tpu.memory_space<vmem>>, vector<16xf32>,
      %mul3A_1664 = arith.mulf %get3A_1630, %get3A_1642 : vector<16xf32>
      %add3A_1665 = arith.addf %broadcast_in_dim3A_373, %mul3A_1664 : vector<16xf32>
      %mul3A_1666 = arith.mulf %get3A_1630, %get3A_1654 : vector<16xf32>
      %add3A_1667 = arith.addf %broadcast_in_dim3A_373, %mul3A_1666 : vector<16xf32>
      %mul3A_1668 = arith.mulf %get3A_1630, %get3A_1630 : vector<16xf32>
      %add3A_1669 = arith.addf %add3A_1615, %mul3A_1668 : vector<16xf32>
      %mul3A_1670 = arith.mulf %get3A_1642, %get3A_1642 : vector<16xf32>
      %add3A_1671 = arith.addf %add3A_1669, %mul3A_1670 : vector<16xf32>
      %mul3A_1672 = arith.mulf %get3A_1654, %get3A_1654 : vector<16xf32>
      %add3A_1673 = arith.addf %add3A_1671, %mul3A_1672 : vector<16xf32>
      %mul3A_1674 = arith.mulf %get3A_1633, %get3A_1645 : vector<16xf32>
      %add3A_1675 = arith.addf %add3A_1665, %mul3A_1674 : vector<16xf32>
      %mul3A_1676 = arith.mulf %get3A_1633, %get3A_1657 : vector<16xf32>
      %add3A_1677 = arith.addf %add3A_1667, %mul3A_1676 : vector<16xf32>
      %mul3A_1678 = arith.mulf %get3A_1633, %get3A_1633 : vector<16xf32>
      %add3A_1679 = arith.addf %add3A_1673, %mul3A_1678 : vector<16xf32>
      %mul3A_1680 = arith.mulf %get3A_1645, %get3A_1645 : vector<16xf32>
      %add3A_1681 = arith.addf %add3A_1679, %mul3A_1680 : vector<16xf32>
      %mul3A_1682 = arith.mulf %get3A_1657, %get3A_1657 : vector<16xf32>
      %add3A_1683 = arith.addf %add3A_1681, %mul3A_1682 : vector<16xf32>
      %mul3A_1684 = arith.mulf %get3A_1636, %get3A_1648 : vector<16xf32>
      %add3A_1685 = arith.addf %add3A_1675, %mul3A_1684 : vector<16xf32>
      %mul3A_1686 = arith.mulf %get3A_1636, %get3A_1660 : vector<16xf32>
      %add3A_1687 = arith.addf %add3A_1677, %mul3A_1686 : vector<16xf32>
      %mul3A_1688 = arith.mulf %get3A_1636, %get3A_1636 : vector<16xf32>
      %add3A_1689 = arith.addf %add3A_1683, %mul3A_1688 : vector<16xf32>
      %mul3A_1690 = arith.mulf %get3A_1648, %get3A_1648 : vector<16xf32>
      %add3A_1691 = arith.addf %add3A_1689, %mul3A_1690 : vector<16xf32>
      %mul3A_1692 = arith.mulf %get3A_1660, %get3A_1660 : vector<16xf32>
      %add3A_1693 = arith.addf %add3A_1691, %mul3A_1692 : vector<16xf32>
      %mul3A_1694 = arith.mulf %get3A_1639, %get3A_1651 : vector<16xf32>
      %add3A_1695 = arith.addf %add3A_1685, %mul3A_1694 : vector<16xf32>
      %mul3A_1696 = arith.mulf %get3A_1639, %get3A_1663 : vector<16xf32>
      %add3A_1697 = arith.addf %add3A_1687, %mul3A_1696 : vector<16xf32>
      %mul3A_1698 = arith.mulf %get3A_1639, %get3A_1639 : vector<16xf32>
      %add3A_1699 = arith.addf %add3A_1693, %mul3A_1698 : vector<16xf32>
      %mul3A_1700 = arith.mulf %get3A_1651, %get3A_1651 : vector<16xf32>
      %add3A_1701 = arith.addf %add3A_1699, %mul3A_1700 : vector<16xf32>
      %mul3A_1702 = arith.mulf %get3A_1663, %get3A_1663 : vector<16xf32>
      %add3A_1703 = arith.addf %add3A_1701, %mul3A_1702 : vector<16xf32>
      %sub3A_1704 = arith.subf %add3A_1695, %add3A_1697 : vector<16xf32>
      %reduce_sum3A_1705 = arith.constant true
      %reduce_sum3A_1706 = vector.broadcast %reduce_sum3A_1705 : i1 to vector<16xi1>
      %reduce_sum3A_1707 = tpu.scan <sum>, %sub3A_1704 masked %reduce_sum3A_1706 : vector<16xf32>, vector<16xi1> -> vector<16xf32>
      %reduce_sum3A_1708 = vector.extract %reduce_sum3A_1707[15] : f32 from vector<16xf32>
      %eq3A_1709 = arith.constant 14 : i32
      %eq3A_1710 = vector.broadcast %eq3A_1709 : i32 to vector<16xi32>
      %eq3A_1711 = arith.cmpi eq, %iota3A, %eq3A_1710 : vector<16xi32>
      %broadcast_in_dim3A_1712 = vector.broadcast %reduce_sum3A_1708 : f32 to vector<16xf32>
      %select_n3A_1713 = arith.select %eq3A_1711, %broadcast_in_dim3A_1712, %select_n3A_1625 : vector<16xi1>, vector<16xf32>
      %add3A_1714 = arith.constant 15 : i32
      %add3A_1715 = arith.addi %mul3A_398, %add3A_1714 : i32
      %get3A_1716 = arith.index_cast %add3A_1715 : i32 to index
      %get3A_1717 = arith.constant 0 : index
      %get3A_1718 = tpu.vector_load %arg13[%get3A_1716, %get3A_1717] {strides = array<i32>} : memref<512x64xf32, #tpu.memory_space<vmem>>, vector<16xf32>,
      %get3A_1719 = arith.index_cast %add3A_1715 : i32 to index
      %get3A_1720 = arith.constant 16 : index
      %get3A_1721 = tpu.vector_load %arg13[%get3A_1719, %get3A_1720] {strides = array<i32>} : memref<512x64xf32, #tpu.memory_space<vmem>>, vector<16xf32>,
      %get3A_1722 = arith.index_cast %add3A_1715 : i32 to index
      %get3A_1723 = arith.constant 32 : index
      %get3A_1724 = tpu.vector_load %arg13[%get3A_1722, %get3A_1723] {strides = array<i32>} : memref<512x64xf32, #tpu.memory_space<vmem>>, vector<16xf32>,
      %get3A_1725 = arith.index_cast %add3A_1715 : i32 to index
      %get3A_1726 = arith.constant 48 : index
      %get3A_1727 = tpu.vector_load %arg13[%get3A_1725, %get3A_1726] {strides = array<i32>} : memref<512x64xf32, #tpu.memory_space<vmem>>, vector<16xf32>,
      %get3A_1728 = arith.index_cast %add3A_1715 : i32 to index
      %get3A_1729 = arith.constant 0 : index
      %get3A_1730 = tpu.vector_load %arg14[%get3A_1728, %get3A_1729] {strides = array<i32>} : memref<512x64xf32, #tpu.memory_space<vmem>>, vector<16xf32>,
      %get3A_1731 = arith.index_cast %add3A_1715 : i32 to index
      %get3A_1732 = arith.constant 16 : index
      %get3A_1733 = tpu.vector_load %arg14[%get3A_1731, %get3A_1732] {strides = array<i32>} : memref<512x64xf32, #tpu.memory_space<vmem>>, vector<16xf32>,
      %get3A_1734 = arith.index_cast %add3A_1715 : i32 to index
      %get3A_1735 = arith.constant 32 : index
      %get3A_1736 = tpu.vector_load %arg14[%get3A_1734, %get3A_1735] {strides = array<i32>} : memref<512x64xf32, #tpu.memory_space<vmem>>, vector<16xf32>,
      %get3A_1737 = arith.index_cast %add3A_1715 : i32 to index
      %get3A_1738 = arith.constant 48 : index
      %get3A_1739 = tpu.vector_load %arg14[%get3A_1737, %get3A_1738] {strides = array<i32>} : memref<512x64xf32, #tpu.memory_space<vmem>>, vector<16xf32>,
      %get3A_1740 = arith.index_cast %add3A_1715 : i32 to index
      %get3A_1741 = arith.constant 0 : index
      %get3A_1742 = tpu.vector_load %arg15[%get3A_1740, %get3A_1741] {strides = array<i32>} : memref<512x64xf32, #tpu.memory_space<vmem>>, vector<16xf32>,
      %get3A_1743 = arith.index_cast %add3A_1715 : i32 to index
      %get3A_1744 = arith.constant 16 : index
      %get3A_1745 = tpu.vector_load %arg15[%get3A_1743, %get3A_1744] {strides = array<i32>} : memref<512x64xf32, #tpu.memory_space<vmem>>, vector<16xf32>,
      %get3A_1746 = arith.index_cast %add3A_1715 : i32 to index
      %get3A_1747 = arith.constant 32 : index
      %get3A_1748 = tpu.vector_load %arg15[%get3A_1746, %get3A_1747] {strides = array<i32>} : memref<512x64xf32, #tpu.memory_space<vmem>>, vector<16xf32>,
      %get3A_1749 = arith.index_cast %add3A_1715 : i32 to index
      %get3A_1750 = arith.constant 48 : index
      %get3A_1751 = tpu.vector_load %arg15[%get3A_1749, %get3A_1750] {strides = array<i32>} : memref<512x64xf32, #tpu.memory_space<vmem>>, vector<16xf32>,
      %mul3A_1752 = arith.mulf %get3A_1718, %get3A_1730 : vector<16xf32>
      %add3A_1753 = arith.addf %broadcast_in_dim3A_373, %mul3A_1752 : vector<16xf32>
      %mul3A_1754 = arith.mulf %get3A_1718, %get3A_1742 : vector<16xf32>
      %add3A_1755 = arith.addf %broadcast_in_dim3A_373, %mul3A_1754 : vector<16xf32>
      %mul3A_1756 = arith.mulf %get3A_1718, %get3A_1718 : vector<16xf32>
      %add3A_1757 = arith.addf %add3A_1703, %mul3A_1756 : vector<16xf32>
      %mul3A_1758 = arith.mulf %get3A_1730, %get3A_1730 : vector<16xf32>
      %add3A_1759 = arith.addf %add3A_1757, %mul3A_1758 : vector<16xf32>
      %mul3A_1760 = arith.mulf %get3A_1742, %get3A_1742 : vector<16xf32>
      %add3A_1761 = arith.addf %add3A_1759, %mul3A_1760 : vector<16xf32>
      %mul3A_1762 = arith.mulf %get3A_1721, %get3A_1733 : vector<16xf32>
      %add3A_1763 = arith.addf %add3A_1753, %mul3A_1762 : vector<16xf32>
      %mul3A_1764 = arith.mulf %get3A_1721, %get3A_1745 : vector<16xf32>
      %add3A_1765 = arith.addf %add3A_1755, %mul3A_1764 : vector<16xf32>
      %mul3A_1766 = arith.mulf %get3A_1721, %get3A_1721 : vector<16xf32>
      %add3A_1767 = arith.addf %add3A_1761, %mul3A_1766 : vector<16xf32>
      %mul3A_1768 = arith.mulf %get3A_1733, %get3A_1733 : vector<16xf32>
      %add3A_1769 = arith.addf %add3A_1767, %mul3A_1768 : vector<16xf32>
      %mul3A_1770 = arith.mulf %get3A_1745, %get3A_1745 : vector<16xf32>
      %add3A_1771 = arith.addf %add3A_1769, %mul3A_1770 : vector<16xf32>
      %mul3A_1772 = arith.mulf %get3A_1724, %get3A_1736 : vector<16xf32>
      %add3A_1773 = arith.addf %add3A_1763, %mul3A_1772 : vector<16xf32>
      %mul3A_1774 = arith.mulf %get3A_1724, %get3A_1748 : vector<16xf32>
      %add3A_1775 = arith.addf %add3A_1765, %mul3A_1774 : vector<16xf32>
      %mul3A_1776 = arith.mulf %get3A_1724, %get3A_1724 : vector<16xf32>
      %add3A_1777 = arith.addf %add3A_1771, %mul3A_1776 : vector<16xf32>
      %mul3A_1778 = arith.mulf %get3A_1736, %get3A_1736 : vector<16xf32>
      %add3A_1779 = arith.addf %add3A_1777, %mul3A_1778 : vector<16xf32>
      %mul3A_1780 = arith.mulf %get3A_1748, %get3A_1748 : vector<16xf32>
      %add3A_1781 = arith.addf %add3A_1779, %mul3A_1780 : vector<16xf32>
      %mul3A_1782 = arith.mulf %get3A_1727, %get3A_1739 : vector<16xf32>
      %add3A_1783 = arith.addf %add3A_1773, %mul3A_1782 : vector<16xf32>
      %mul3A_1784 = arith.mulf %get3A_1727, %get3A_1751 : vector<16xf32>
      %add3A_1785 = arith.addf %add3A_1775, %mul3A_1784 : vector<16xf32>
      %mul3A_1786 = arith.mulf %get3A_1727, %get3A_1727 : vector<16xf32>
      %add3A_1787 = arith.addf %add3A_1781, %mul3A_1786 : vector<16xf32>
      %mul3A_1788 = arith.mulf %get3A_1739, %get3A_1739 : vector<16xf32>
      %add3A_1789 = arith.addf %add3A_1787, %mul3A_1788 : vector<16xf32>
      %mul3A_1790 = arith.mulf %get3A_1751, %get3A_1751 : vector<16xf32>
      %add3A_1791 = arith.addf %add3A_1789, %mul3A_1790 : vector<16xf32>
      %sub3A_1792 = arith.subf %add3A_1783, %add3A_1785 : vector<16xf32>
      %reduce_sum3A_1793 = arith.constant true
      %reduce_sum3A_1794 = vector.broadcast %reduce_sum3A_1793 : i1 to vector<16xi1>
      %reduce_sum3A_1795 = tpu.scan <sum>, %sub3A_1792 masked %reduce_sum3A_1794 : vector<16xf32>, vector<16xi1> -> vector<16xf32>
      %reduce_sum3A_1796 = vector.extract %reduce_sum3A_1795[15] : f32 from vector<16xf32>
      %eq3A_1797 = arith.constant 15 : i32
      %eq3A_1798 = vector.broadcast %eq3A_1797 : i32 to vector<16xi32>
      %eq3A_1799 = arith.cmpi eq, %iota3A, %eq3A_1798 : vector<16xi32>
      %broadcast_in_dim3A_1800 = vector.broadcast %reduce_sum3A_1796 : f32 to vector<16xf32>
      %select_n3A_1801 = arith.select %eq3A_1799, %broadcast_in_dim3A_1800, %select_n3A_1713 : vector<16xi1>, vector<16xf32>
      %get3A_1802 = arith.index_cast %mul3A_398 : i32 to index
      %get3A_1803 = tpu.vector_load %arg16[%get3A_1802] {strides = array<i32>} : memref<512xf32, #tpu.memory_space<vmem>>, vector<16xf32>,
      %get3A_1804 = arith.index_cast %mul3A_398 : i32 to index
      %get3A_1805 = tpu.vector_load %arg17[%get3A_1804] {strides = array<i32>} : memref<512xf32, #tpu.memory_space<vmem>>, vector<16xf32>,
      %sub3A_1806 = arith.subf %get3A_1803, %get3A_1805 : vector<16xf32>
      %add3A_1807 = arith.addf %select_n3A_1801, %sub3A_1806 : vector<16xf32>
      %swap3A_1808 = arith.index_cast %mul3A_398 : i32 to index
      %swap3A_1809 = tpu.vector_load %arg18[%swap3A_1808] {strides = array<i32>} : memref<512xf32, #tpu.memory_space<vmem>>, vector<16xf32>,
      tpu.vector_store %arg18[%swap3A_1808], %add3A_1807 {strides = array<i32>} : memref<512xf32, #tpu.memory_space<vmem>>, vector<16xf32>,
      %mul3A_1810 = arith.mulf %get3A_1803, %get3A_1803 : vector<16xf32>
      %add3A_1811 = arith.addf %scan3A_395, %mul3A_1810 : vector<16xf32>
      %mul3A_1812 = arith.mulf %get3A_1805, %get3A_1805 : vector<16xf32>
      %add3A_1813 = arith.addf %scan3A_396, %mul3A_1812 : vector<16xf32>
      scf.yield %add3A_1791, %add3A_1811, %add3A_1813 : vector<16xf32>, vector<16xf32>, vector<16xf32>
    }
    %scan3A_378 = arith.constant 32 : i32
    %mul3A_379 = arith.constant 5.000000e-04 : f32
    %mul3A_380 = vector.broadcast %mul3A_379 : f32 to vector<16xf32>
    %mul3A_381 = arith.mulf %mul3A_380, %scan3A_377#0 : vector<16xf32>
    %mul3A_382 = arith.constant 0.00999999977 : f32
    %mul3A_383 = vector.broadcast %mul3A_382 : f32 to vector<16xf32>
    %mul3A_384 = arith.mulf %mul3A_383, %scan3A_377#1 : vector<16xf32>
    %add3A_385 = arith.addf %mul3A_381, %mul3A_384 : vector<16xf32>
    %mul3A_386 = arith.constant 1.000000e-03 : f32
    %mul3A_387 = vector.broadcast %mul3A_386 : f32 to vector<16xf32>
    %mul3A_388 = arith.mulf %mul3A_387, %scan3A_377#2 : vector<16xf32>
    %add3A_389 = arith.addf %add3A_385, %mul3A_388 : vector<16xf32>
    %swap3A = arith.constant 0 : index
    %swap3A_390 = tpu.vector_load %arg19[%swap3A] {strides = array<i32>} : memref<16xf32, #tpu.memory_space<vmem>>, vector<16xf32>,
    tpu.vector_store %arg19[%swap3A], %add3A_389 {strides = array<i32>} : memref<16xf32, #tpu.memory_space<vmem>>, vector<16xf32>,
    %mul3A_391 = arith.constant 512 : i32
    %mul3A_392 = arith.muli %add3A, %mul3A_391 : i32
    "tpu.region"() ({
      %run_scoped3A = tpu.sem_alloc : memref<!tpu.dma_semaphore, #tpu.memory_space<semaphore_mem>>
      %dma_start3A_393 = tpu.memref_slice %arg8[%mul3A_392] : memref<16384xf32, #tpu.memory_space<hbm>> -> memref<512xf32, #tpu.memory_space<hbm>>
      %dma_start3A_394 = tpu.memref_slice %arg8[%mul3A_392] : memref<16384xf32, #tpu.memory_space<hbm>> -> memref<512xf32, #tpu.memory_space<hbm>>
      tpu.enqueue_dma source(%arg18 : memref<512xf32, #tpu.memory_space<vmem>>) target(%dma_start3A_394 : memref<512xf32, #tpu.memory_space<hbm>>) target_semaphore(%run_scoped3A : memref<!tpu.dma_semaphore, #tpu.memory_space<semaphore_mem>>)
      %dma_wait3A_395 = tpu.memref_slice %arg8[%mul3A_392] : memref<16384xf32, #tpu.memory_space<hbm>> -> memref<512xf32, #tpu.memory_space<hbm>>
      %dma_wait3A_396 = tpu.memref_slice %arg8[%mul3A_392] : memref<16384xf32, #tpu.memory_space<hbm>> -> memref<512xf32, #tpu.memory_space<hbm>>
      tpu.wait_dma2 semaphore(%run_scoped3A : memref<!tpu.dma_semaphore, #tpu.memory_space<semaphore_mem>>) src(%arg18 : memref<512xf32, #tpu.memory_space<vmem>>) dst(%dma_wait3A_396 : memref<512xf32, #tpu.memory_space<hbm>>)
      tpu.yield
    }) : () -> ()
    "tpu.region"() ({
      %run_scoped3A = tpu.sem_alloc : memref<!tpu.dma_semaphore, #tpu.memory_space<semaphore_mem>>
      %dma_start3A_393 = arith.constant 0 : i32
      %dma_start3A_394 = tpu.memref_slice %arg9[%add3A, %dma_start3A_393] : memref<32x16xf32, #tpu.memory_space<hbm>> -> memref<1x16xf32, #tpu.memory_space<hbm>>
      %dma_start3A_395 = tpu.memref_squeeze %dma_start3A_394 : memref<1x16xf32, #tpu.memory_space<hbm>> -> memref<16xf32, #tpu.memory_space<hbm>>
      %dma_start3A_396 = arith.constant 0 : i32
      %dma_start3A_397 = tpu.memref_slice %arg9[%add3A, %dma_start3A_396] : memref<32x16xf32, #tpu.memory_space<hbm>> -> memref<1x16xf32, #tpu.memory_space<hbm>>
      %dma_start3A_398 = tpu.memref_squeeze %dma_start3A_397 : memref<1x16xf32, #tpu.memory_space<hbm>> -> memref<16xf32, #tpu.memory_space<hbm>>
      tpu.enqueue_dma source(%arg19 : memref<16xf32, #tpu.memory_space<vmem>>) target(%dma_start3A_398 : memref<16xf32, #tpu.memory_space<hbm>>) target_semaphore(%run_scoped3A : memref<!tpu.dma_semaphore, #tpu.memory_space<semaphore_mem>>)
      %dma_wait3A_399 = arith.constant 0 : i32
      %dma_wait3A_400 = tpu.memref_slice %arg9[%add3A, %dma_wait3A_399] : memref<32x16xf32, #tpu.memory_space<hbm>> -> memref<1x16xf32, #tpu.memory_space<hbm>>
      %dma_wait3A_401 = tpu.memref_squeeze %dma_wait3A_400 : memref<1x16xf32, #tpu.memory_space<hbm>> -> memref<16xf32, #tpu.memory_space<hbm>>
      %dma_wait3A_402 = arith.constant 0 : i32
      %dma_wait3A_403 = tpu.memref_slice %arg9[%add3A, %dma_wait3A_402] : memref<32x16xf32, #tpu.memory_space<hbm>> -> memref<1x16xf32, #tpu.memory_space<hbm>>
      %dma_wait3A_404 = tpu.memref_squeeze %dma_wait3A_403 : memref<1x16xf32, #tpu.memory_space<hbm>> -> memref<16xf32, #tpu.memory_space<hbm>>
      tpu.wait_dma2 semaphore(%run_scoped3A : memref<!tpu.dma_semaphore, #tpu.memory_space<semaphore_mem>>) src(%arg19 : memref<16xf32, #tpu.memory_space<vmem>>) dst(%dma_wait3A_404 : memref<16xf32, #tpu.memory_space<hbm>>)
      tpu.yield
    }) : () -> ()
    return
  }
}

module attributes {stable_mosaic.version = 14 : i64} {
  func.func @_tc_body(%arg0: memref<128x128xf32, #tpu.memory_space<vmem>>, %arg1: memref<32x16xf32, #tpu.memory_space<vmem>>, %arg2: memref<1x1xf32, #tpu.memory_space<smem>>, %arg3: memref<1x1xf32, #tpu.memory_space<smem>>) attributes {dimension_semantics = [], scalar_prefetch = 0 : i64, scratch_operands = 0 : i64, tpu.core_type = #tpu.core_type<tc>} {
    %get3A = arith.constant 0 : index
    %get3A_0 = arith.constant 0 : index
    %get3A_1 = vector.load %arg0[%get3A, %get3A_0] : memref<128x128xf32, #tpu.memory_space<vmem>>, vector<128x128xf32>
    %get3A_2 = arith.constant 0 : index
    %get3A_3 = arith.constant 0 : index
    %get3A_4 = vector.load %arg1[%get3A_2, %get3A_3] : memref<32x16xf32, #tpu.memory_space<vmem>>, vector<32x16xf32>
    %reduce_sum3A = vector.shape_cast %get3A_4 : vector<32x16xf32> to vector<1x32x16xf32>
    %reduce_sum3A_5 = arith.constant dense<0.000000e+00> : vector<1xf32>
    %reduce_sum3A_6 = vector.multi_reduction <add>, %reduce_sum3A, %reduce_sum3A_5 [1, 2] : vector<1x32x16xf32> to vector<1xf32>
    %reduce_sum3A_7 = vector.shape_cast %reduce_sum3A_6 : vector<1xf32> to vector<1x1x1xf32>
    %reduce_sum3A_8 = vector.extract %reduce_sum3A_7[0, 0, 0] : f32 from vector<1x1x1xf32>
    %logistic3A = arith.negf %get3A_1 : vector<128x128xf32>
    %logistic3A_9 = math.exp %logistic3A : vector<128x128xf32>
    %logistic3A_10 = arith.constant 1.000000e+00 : f32
    %logistic3A_11 = vector.broadcast %logistic3A_10 : f32 to vector<128x128xf32>
    %logistic3A_12 = arith.addf %logistic3A_11, %logistic3A_9 : vector<128x128xf32>
    %logistic3A_13 = arith.divf %logistic3A_11, %logistic3A_12 : vector<128x128xf32>
    %log3A = math.log %logistic3A_13 : vector<128x128xf32>
    %reduce_sum3A_14 = vector.shape_cast %log3A : vector<128x128xf32> to vector<1x128x128xf32>
    %reduce_sum3A_15 = arith.constant dense<0.000000e+00> : vector<1xf32>
    %reduce_sum3A_16 = vector.multi_reduction <add>, %reduce_sum3A_14, %reduce_sum3A_15 [1, 2] : vector<1x128x128xf32> to vector<1xf32>
    %reduce_sum3A_17 = vector.shape_cast %reduce_sum3A_16 : vector<1xf32> to vector<1x1x1xf32>
    %reduce_sum3A_18 = vector.extract %reduce_sum3A_17[0, 0, 0] : f32 from vector<1x1x1xf32>
    %gt3A = arith.constant 0.000000e+00 : f32
    %gt3A_19 = vector.broadcast %gt3A : f32 to vector<128x128xf32>
    %gt3A_20 = arith.cmpf ogt, %get3A_1, %gt3A_19 : vector<128x128xf32>
    %convert_element_type3A = arith.extui %gt3A_20 : vector<128x128xi1> to vector<128x128xi32>
    %convert_element_type3A_21 = arith.sitofp %convert_element_type3A : vector<128x128xi32> to vector<128x128xf32>
    %reduce_sum3A_22 = vector.shape_cast %convert_element_type3A_21 : vector<128x128xf32> to vector<1x128x128xf32>
    %reduce_sum3A_23 = arith.constant dense<0.000000e+00> : vector<1xf32>
    %reduce_sum3A_24 = vector.multi_reduction <add>, %reduce_sum3A_22, %reduce_sum3A_23 [1, 2] : vector<1x128x128xf32> to vector<1xf32>
    %reduce_sum3A_25 = vector.shape_cast %reduce_sum3A_24 : vector<1xf32> to vector<1x1x1xf32>
    %reduce_sum3A_26 = vector.extract %reduce_sum3A_25[0, 0, 0] : f32 from vector<1x1x1xf32>
    %div3A = arith.constant 1.638400e+04 : f32
    %div3A_27 = arith.divf %reduce_sum3A_18, %div3A : f32
    %sub3A = arith.subf %reduce_sum3A_8, %div3A_27 : f32
    %swap3A = arith.constant 0 : index
    %swap3A_28 = arith.constant 0 : index
    %swap3A_29 = memref.load %arg2[%swap3A, %swap3A_28] : memref<1x1xf32, #tpu.memory_space<smem>>
    memref.store %sub3A, %arg2[%swap3A, %swap3A_28] : memref<1x1xf32, #tpu.memory_space<smem>>
    %div3A_30 = arith.constant 1.638400e+04 : f32
    %div3A_31 = arith.divf %reduce_sum3A_26, %div3A_30 : f32
    %swap3A_32 = arith.constant 0 : index
    %swap3A_33 = arith.constant 0 : index
    %swap3A_34 = memref.load %arg3[%swap3A_32, %swap3A_33] : memref<1x1xf32, #tpu.memory_space<smem>>
    memref.store %div3A_31, %arg3[%swap3A_32, %swap3A_33] : memref<1x1xf32, #tpu.memory_space<smem>>
    return
  }
}

</mosaic_0001>

<sc_bundles>
// kernel: kernel.4.cloned.1.call-start
scs
__scs_entry_jumppad:
0x0: {  	(pc) =	sbr.rel $0x88, $3  }
0x1: {  	(tag) =	ssettag $0x0;
	lr =	simm.s32 $0x1  }
0x2: {  	[smem:$0x3F9B] =	sst lr;
	_ =	strace $0xD0000000  }
0x3: {  	_ = 	snop  }
0x4: {  	_ = 	snop  }
0x5: {  	_ = 	snop  }
0x6: {  	_ = 	snop  }
0x7: {  	_ = 	snop  }
__scs_overlays_trampoline_lowered:
0x8: {  	[smem:$0x3FAA] =	sst s0  }
0x9: {  	[smem:$0x3FAB] =	sst s1  }
0xa: {  	[smem:$0x3FAC] =	sst s2  }
0xb: {  	[smem:$0x3FAD] =	sst s3  }
0xc: {  	[smem:$0x3FAE] =	sst s4  }
0xd: {  	[smem:$0x3FAF] =	sst s5  }
0xe: {  	[smem:$0x3FB0] =	sst s6  }
0xf: {  	[smem:$0x3FB1] =	sst s7  }
0x10: {  	[smem:$0x3FB2] =	sst s8  }
0x11: {  	[smem:$0x3FB3] =	sst s9;
	s0 =	simm.s32 @!p0 $0x0  }
0x12: {  	s1 =	sld [smem:$0x3F99];
	s0 =	simm.s32 @p0 $0x1  }
0x13: {  	[smem:$0x3FB4] =	sst s0;
	s0 =	simm.s32 @!p1 $0x0  }
0x14: {  	s2 =	sld [smem:$0x3F98];
	s0 =	simm.s32 @p1 $0x1  }
0x15: {  	[smem:$0x3FB5] =	sst s0;
	s0 =	simm.s32 @!p2 $0x0  }
0x16: {  	s3 =	sld [smem:$0x3FDB];
	s0 =	simm.s32 @p2 $0x1  }
0x17: {  	s4 =	simm.s32 $0x1BF5;
	[smem:$0x3FB7] =	sst s0  }
0x18: {  	s0 =	sld [smem:$0x3F9A];
	_ =	swait.ge [sflag:s4], $0x0  }
0x19: {  	s7 =	sld [smem:$0x3F9B]  }
0x1a: {  	s8 =	sadd.s32 $0xFFFFE003, lr  }
0x1b: {  	s9 =	sadd.s32 $0xFFFFFEF7, lr;
	s5 =	simm.s32 $0xFFFFFFFF;
	p2 =	slt.u32 s8, $0xFFFFF086  }
0x1c: {  	p1 =	slt.u32 s9, $0xF7A;
	s5 =	simm.s32 @!p2 $0x0  }
0x1d: {  	s5 =	simm.s32 @p1 $0x1;
	p0 =	seq.s32 s7, s2  }
0x1e: {  	s7 =	smul.u32 @!p0 $0xF7A, s2;
	p2 =	seq.s32 @!p0 s5, $0x0  }
0x1f: {  	s9 =	smul.u32 $0xF7A, s1;
	s8 =	simm.s32 @!p0 $0x1BF5;
	p2 =	por !p2, p0  }
0x20: {  	[sflag:s8] =	ssyncset.s32 @!p0 $0xFFFFF086;
	s6 =	sadd.s32 @!p0 s3, s7;
	s7 =	simm.s32 @!p0 $0x108  }
0x21: {  	s3 =	sadd.s32 s3, s9;
	s6 =	sadd.s32 @!p0 $0x88, s6;
	s7 =	simm.s32 @p2 $0x1082  }
0x22: {  	[simem:s7], [sflag:s8] =	dma.local @!p0 [hbm:s6], $0xF7A  }
0x23: {  	s9 =	sor.u32 $0xD0000000, s2;
	s6 =	simm.s32 $0x108;
	_ =	swait.ge @!p0 [sflag:s8], $0x0  }
0x24: {  	s3 =	sadd.s32 $0x88, s3;
	s6 =	simm.s32 @!p1 $0x1082;
	[sflag:s4] =	ssyncset.s32 $0xFFFFF086  }
0x25: {  	[simem:s6], [sflag:s4] =	dma.local [hbm:s3], $0xF7A  }
0x26: {  	[smem:$0x3F9B] =	sst s1;
	(tag) =	ssettag s2;
	_ =	strace s9  }
0x27: {  	s1 =	sld [smem:$0x3FAB]  }
0x28: {  	s2 =	sld [smem:$0x3FAC]  }
0x29: {  	s4 =	sld [smem:$0x3FAE]  }
0x2a: {  	p0 =	seq.s32 s5, $0x0;
	s5 =	sld [smem:$0x3FAF]  }
0x2b: {  	s6 =	sld [smem:$0x3FB0]  }
0x2c: {  	s7 =	sld [smem:$0x3FB1]  }
0x2d: {  	s3 =	simm.s32 $0x108;
	s8 =	sld [smem:$0x3FB2]  }
0x2e: {  	s3 =	simm.s32 @!p0 $0x1082;
	s9 =	sld [smem:$0x3FB3]  }
0x2f: {  	lr =	sadd.s32 s0, s3;
	s0 =	sld [smem:$0x3FAA]  }
0x30: {  	s3 =	sld [smem:$0x3FAD]  }
0x31: {  	[smem:$0x3FB6] =	sst s10  }
0x32: {  	s10 =	sld [smem:$0x3FB4];
	_ =	sdelay $0x3  }
0x33: {  	p0 =	seq.s32 s10, $0x1;
	s10 =	sld [smem:$0x3FB6];
	_ =	sdelay $0x3  }
0x34: {  	[smem:$0x3FB6] =	sst s10  }
0x35: {  	s10 =	sld [smem:$0x3FB5];
	_ =	sdelay $0x3  }
0x36: {  	p1 =	seq.s32 s10, $0x1;
	s10 =	sld [smem:$0x3FB6];
	_ =	sdelay $0x3  }
0x37: {  	[smem:$0x3FB6] =	sst s10  }
0x38: {  	s10 =	sld [smem:$0x3FB7]  }
0x39: {  	_ = 	snop;
	(pc) =	sbr.ind lr, $3  }
0x3a: {  	_ = 	snop  }
0x3b: {  	_ = 	snop  }
0x3c: {  	p2 =	seq.s32 s10, $0x1;
	s10 =	sld [smem:$0x3FB6]  }
0x3d: {  	_ =	shalt  }
0x3e: {  	_ =	shalt  }
0x3f: {  	_ =	shalt  }
0x40: {  	_ =	shalt  }
0x41: {  	_ =	shalt  }
0x42: {  	_ =	shalt  }
0x43: {  	_ =	shalt  }
0x44: {  	_ =	shalt  }
0x45: {  	_ =	shalt  }
0x46: {  	_ =	shalt  }
0x47: {  	_ =	shalt  }
0x48: {  	_ =	shalt  }
0x49: {  	_ =	shalt  }
0x4a: {  	_ =	shalt  }
0x4b: {  	_ =	shalt  }
0x4c: {  	_ =	shalt  }
0x4d: {  	_ =	shalt  }
0x4e: {  	_ =	shalt  }
0x4f: {  	_ =	shalt  }
0x50: {  	_ =	shalt  }
0x51: {  	_ =	shalt  }
0x52: {  	_ =	shalt  }
0x53: {  	_ =	shalt  }
0x54: {  	_ =	shalt  }
0x55: {  	_ =	shalt  }
0x56: {  	_ =	shalt  }
0x57: {  	_ =	shalt  }
0x58: {  	_ =	shalt  }
0x59: {  	_ =	shalt  }
0x5a: {  	_ =	shalt  }
0x5b: {  	_ =	shalt  }
0x5c: {  	_ =	shalt  }
0x5d: {  	_ =	shalt  }
0x5e: {  	_ =	shalt  }
0x5f: {  	_ =	shalt  }
0x60: {  	_ =	shalt  }
0x61: {  	_ =	shalt  }
0x62: {  	_ =	shalt  }
0x63: {  	_ =	shalt  }
0x64: {  	_ =	shalt  }
0x65: {  	_ =	shalt  }
0x66: {  	_ =	shalt  }
0x67: {  	_ =	shalt  }
0x68: {  	_ =	shalt  }
0x69: {  	_ =	shalt  }
0x6a: {  	_ =	shalt  }
0x6b: {  	_ =	shalt  }
0x6c: {  	_ =	shalt  }
0x6d: {  	_ =	shalt  }
0x6e: {  	_ =	shalt  }
0x6f: {  	_ =	shalt  }
0x70: {  	_ =	shalt  }
0x71: {  	_ =	shalt  }
0x72: {  	_ =	shalt  }
0x73: {  	_ =	shalt  }
0x74: {  	_ =	shalt  }
0x75: {  	_ =	shalt  }
0x76: {  	_ =	shalt  }
0x77: {  	_ =	shalt  }
0x78: {  	_ =	shalt  }
0x79: {  	_ =	shalt  }
0x7a: {  	_ =	shalt  }
0x7b: {  	_ =	shalt  }
0x7c: {  	_ =	shalt  }
0x7d: {  	_ =	shalt  }
0x7e: {  	_ =	shalt  }
0x7f: {  	_ =	shalt  }
0x80: {  	_ =	shalt  }
0x81: {  	_ =	shalt  }
0x82: {  	_ =	shalt  }
0x83: {  	_ =	shalt  }
0x84: {  	_ =	shalt  }
0x85: {  	_ =	shalt  }
0x86: {  	_ =	shalt  }
0x87: {  	_ =	shalt  }
.Lfunc_end0:
.L_simem_size_0:
called_computation_lowered:
.L_overlay_start_0:
0x88: {  	s2 =	sld [smem:$0x3FD9]  }
0x89: {  	s3 =	sld [smem:$0x3FFE];
	_ =	sdelay $0x1  }
0x8a: {  	s1 =	srdreg.scid  }
0x8b: {  	s0 =	sand.u32 $0x1, s1  }
0x8c: {  	s17 =	sshll.u32 s0, $0xA;
	s2 =	sadd.s32 s3, s2  }
0x8d: {  	s2 =	sadd.s32 s2, s17  }
0x8e: {  	[smem:$0x3FC2] =	sst s2  }
0x8f: {  	_ = 	snop  }
0x90: {  	s2 =	sld [smem:$0x3FC9]  }
0x91: {  	s18 =	sld [smem:$0x3FC8]  }
0x92: {  	s4 =	sld [smem:$0x3FC7];
	(tm) =	ssettm $0x1  }
0x93: {  	s5 =	sld [smem:$0x3FFB];
	_ =	sdelay $0x3  }
0x94: {  	_ =	strace s5  }
0x95: {  	s5 =	sld [smem:$0x3FFC];
	_ =	sdelay $0x3  }
0x96: {  	_ =	strace s5  }
0x97: {  	s5 =	sld [smem:$0x3FFD];
	_ =	sdelay $0x3  }
0x98: {  	_ =	strace s5  }
0x99: {  	_ =	strace $0x8FFFFFFF  }
0x9a: {  	s19 =	sld [smem:$0x3FDB];
	_ =	sdelay $0x1  }
0x9b: {  	s6 =	simm.s32 $_scs_section_size  }
0x9c: {  	s7 =	simm.s32 $_size__tile_overlayer_lowered;
	s8 =	simm.s32 $_tile_overlayer_lowered  }
0x9d: {  	s22 =	simm.s32 $0x1BFF;
	s21 =	sshll.u32 s8, $0x1;
	s5 =	sadd.s32 s6, s19  }
0x9e: {  	s9 =	simm.s32 $0x0;
	s20 =	sshll.u32 s7, $0x1;
	s7 =	sadd.s32 s21, s5  }
0x9f: {  	[timem:s9], [sflag:s22] =	dma.local [hbm:s7], s20  }
0xa0: {  	_ =	swait.ge [sflag:s22], s20  }
0xa1: {  	s6 =	ssub.s32 $0x0, s20;
	[sflag:s22] =	ssyncset.done $0x0  }
0xa2: {  	[sflag:s22] =	ssyncadd.s32 s6;
	_ =	sdelay $0x1  }
0xa3: {  	s23 =	simm.s32 $0x1B8B  }
0xa4: {  	_ =	swait.ge [sflag:s23], $0x1  }
0xa5: {  	[sflag:s23] =	ssyncset.done $0x0  }
0xa6: {  	s25 =	simm.s32 $0x1B8E;
	s24 =	sld [smem:$0x3FFE];
	[sflag:s23] =	ssyncadd.s32 $0xFFFFFFFF  }
0xa7: {  	s26 =	simm.s32 $execute0_lowered;
	[smem:$0x3FD2] =	sst s25  }
0xa8: {  	s7 =	sshll.u32 s26, $0x1;
	_ =	strace $0x80000046;
	[dreg:$0x1] =	wrdreg $0xFFFFFFFF  }
0xa9: {  	s28 =	simm.s32 $_size_execute0_lowered;
	s5 =	sadd.s32 s5, s7;
	[dreg:$0x0] =	wrdreg $0x0  }
0xaa: {  	s7 =	sshll.u32 s28, $0x1;
	[dreg:$0x2] =	wrdreg s5  }
0xab: {  	[dreg:$0x3] =	wrdreg s7  }
0xac: {  	[dreg:$0x4] =	wrdreg $0xC0  }
0xad: {  	_ =	task [dreg:s9], $0x5FFFF  }
0xae: {  	[dreg:$0x1] =	wrdreg $0xFFFFFFFF  }
0xaf: {  	[dreg:$0x0] =	wrdreg $0x60  }
0xb0: {  	[dreg:$0x2] =	wrdreg s2  }
0xb1: {  	[dreg:$0x3] =	wrdreg s18  }
0xb2: {  	[dreg:$0x4] =	wrdreg s4  }
0xb3: {  	[dreg:$0x5] =	wrdreg s24  }
0xb4: {  	[dreg:$0x6] =	wrdreg $0x9  }
0xb5: {  	_ =	task.clear_ibuf [dreg:s9], $0x7FFFF;
	_ =	strace $0x90000046  }
0xb6: {  	s29 =	simm.s32 $0x9;
	_ =	strace $0x80000048  }
0xb7: {  	_ =	swait.ge [sflag:s29], $0x1  }
0xb8: {  	[sflag:s29] =	ssyncadd.s32 $0xFFFFFFFF  }
0xb9: {  	_ =	strace $0x90000048  }
0xba: {  	_ =	sfence  }
0xbb: {  	s30 =	sld [smem:$0x0];
	_ =	sdelay $0x2  }
0xbc: {  	s31 =	sshll.u32 s1, $0xD;
	s1 =	sshrl.u32 s1, $0x2  }
0xbd: {  	s3 =	sand.u32 $0x4000, s31;
	s1 =	sadd.s32 s1, s30  }
0xbe: {  	s0 =	sor.u32 s3, s0;
	s1 =	sshll.u32 s1, $0x11  }
0xbf: {  	s0 =	sor.u32 s1, s0  }
0xc0: {  	s0 =	sadd.s32 $0x8F2B, s0  }
0xc1: {  	[sflag:s0] =	ssyncadd.remote.s32 $0x1  }
0xc2: {  	_ =	sfence.sel $0xFFFF  }
0xc3: {  	[dreg:$0x0] =	wrdreg $0xFFFFFFFF;
	(pc) =	sbr.abs _section_cstart, $3  }
0xc4: {  	[dreg:$0x1] =	wrdreg $0xFFFFFFFF  }
0xc5: {  	_ =	task.clear_ibuf [dreg:s9], $0x2FFFF;
	_ =	strace $0x9FFFFFFF  }
0xc6: {  	(tm) =	ssettm $0x7FFFFFFF  }
0xc7: {  	_ =	shalt  }
tec
execute0_lowered:
.L_overlay_start_1:
0x0: {  	(tag) =	ssettag $0x1  }
0x1: {  	s0 =	rddreg [dreg:$0x0]  }
0x2: {  	s2 =	rddreg [dreg:$0x1]  }
0x3: {  	s8 =	rddreg [dreg:$0x2]  }
0x4: {  	s6 =	rddreg [dreg:$0x3];
	s1 =	simm.s32 $0x0  }
0x5: {  	s4 =	srdreg.scid;
	s10 =	stileid.u32;
	s14 =	simm.s32 $0x400  }
0x6: {  	s15 =	simm.s32 $0x80;
	s22 =	simm.s32 $0x280;
	s24 =	simm.s32 $0x480  }
0x7: {  	s31 =	simm.s32 $0x300;
	s21 =	simm.s32 $0x380;
	s25 =	simm.s32 $0x580  }
0x8: {  	s28 =	simm.s32 $0x18780;
	s29 =	simm.s32 $0x18980;
	s30 =	simm.s32 $0x1  }
0x9: {  	s16 =	simm.s32 $0x18C00;
	s17 =	simm.s32 $0x0;
	[smem:$0x7FF] =	sst s1  }
0xa: {  	s3 =	sadd.s32 $0x16E4400, s6;
	s7 =	sand.u32 $0x1, s4;
	s4 =	sadd.s32 $0xF43000, s6  }
0xb: {  	s5 =	sadd.s32 $0xA00, s6;
	s9 =	sshll.u32 s7, $0x4;
	s7 =	ssub.s32 $0x2, s7  }
0xc: {  	_ =	strace $0x80000047;
	s9 =	sor.u32 s10, s9;
	s11 =	sshrl.u32 s7, $0x1  }
0xd: {  	vm0 =	vmmov $0x1;
	vm1 =	vmmov $0x3;
	vm2 =	vmmov $0x7;
	s10 =	sshll.u32 s9, $0x6;
	s9 =	sshll.u32 s9, $0x1;
	s11 =	ssub.s32 s7, s11  }
0xe: {  	vm3 =	vmmov $0xf;
	vm4 =	vmmov $0x1f;
	vm5 =	vmmov $0x3f;
	s12 =	sadd.s32 s10, s6;
	s13 =	sadd.s32 s9, s6;
	s6 =	sadd.s32 s0, s10  }
0xf: {  	vm6 =	vmmov $0x7f;
	vm7 =	vmmov $0xff;
	vm8 =	vmmov $0x1ff;
	s7 =	sadd.s32 s2, s10;
	s8 =	sadd.s32 s8, s10;
	s11 =	smax.u32 s11, $0x1  }
0x10: {  	vm9 =	vmmov $0x3ff;
	vm10 =	vmmov $0x7ff;
	vm11 =	vmmov $0xfff;
	s2 =	simm.s32 $0x500;
	s0 =	simm.s32 $0x18A00;
	s9 =	sadd.s32 $0x1F600, s12  }
0x11: {  	vm12 =	vmmov $0x1fff;
	vm13 =	vmmov $0x3fff;
	vm14 =	vmmov $0x7fff;
	s10 =	sadd.s32 $0x1F400, s13;
	s12 =	simm.s32 $0x2;
	s13 =	simm.s32 $0x200  }
.LBB2_1:
0x12: {  	[tilespmem:s1], [sflag:$0x2] =	stream.linear.gather [hbm4b:s6+s1], $0x200, $0x38;
	[tilespmem:$0x18C10] =	vst v63  }
0x13: {  	_ =	swait.ge [sflag:s12], $0x200  }
0x14: {  	[sflag:s12] =	ssyncset.done $0x0  }
0x15: {  	[sflag:s12] =	ssyncadd.s32 $0xFFFFFE00  }
0x16: {  	[tilespmem:s13], [sflag:$0x2] =	stream.linear.gather [hbm4b:s7+s1], $0x200, $0x38;
	[tilespmem:$0x18C10] =	vst v63  }
0x17: {  	_ =	swait.ge [sflag:s12], $0x200  }
0x18: {  	[sflag:s12] =	ssyncset.done $0x0  }
0x19: {  	[sflag:s12] =	ssyncadd.s32 $0xFFFFFE00  }
0x1a: {  	[tilespmem:s14], [sflag:$0x2] =	stream.linear.gather [hbm4b:s8+s1], $0x200, $0x38;
	[tilespmem:$0x18C10] =	vst v63  }
0x1b: {  	_ =	swait.ge [sflag:s12], $0x200  }
0x1c: {  	[sflag:s12] =	ssyncset.done $0x0  }
0x1d: {  	s18 =	simm.s32 $0x600;
	[sflag:s12] =	ssyncadd.s32 $0xFFFFFE00  }
0x1e: {  	[tilespmem:s18], [sflag:$0x1] =	stream.indirect.gather [hbm4b:s3+s15], $0x40, s1, s15, $0xb8;
	[tilespmem:$0x18C10] =	vst v63  }
0x1f: {  	s23 =	simm.s32 $0x8600  }
0x20: {  	[tilespmem:s23], [sflag:$0x1] =	stream.indirect.gather [hbm4b:s4+s15], $0x40, s13, s15, $0xb8;
	[tilespmem:$0x18C10] =	vst v63  }
0x21: {  	s26 =	simm.s32 $0x10600  }
0x22: {  	[tilespmem:s26], [sflag:$0x1] =	stream.indirect.gather [hbm4b:s4+s15], $0x40, s14, s15, $0xb8;
	[tilespmem:$0x18C10] =	vst v63  }
0x23: {  	s19 =	simm.s32 $0x18600  }
0x24: {  	[tilespmem:s19], [sflag:$0x1] =	stream.indirect.gather [hbm4b:s5+s15], $0x1, s13, s15, $0xb8;
	[tilespmem:$0x18C10] =	vst v63  }
0x25: {  	s20 =	simm.s32 $0x18800  }
0x26: {  	[tilespmem:s20], [sflag:$0x1] =	stream.indirect.gather [hbm4b:s5+s15], $0x1, s14, s15, $0xb8;
	[tilespmem:$0x18C10] =	vst v63  }
0x27: {  	s23 =	simm.s32 $0x2600  }
0x28: {  	[tilespmem:s23], [sflag:$0x1] =	stream.indirect.gather [hbm4b:s3+s15], $0x40, s15, s15, $0xb8;
	[tilespmem:$0x18C10] =	vst v63  }
0x29: {  	s26 =	simm.s32 $0xA600  }
0x2a: {  	[tilespmem:s26], [sflag:$0x1] =	stream.indirect.gather [hbm4b:s4+s15], $0x40, s22, s15, $0xb8;
	[tilespmem:$0x18C10] =	vst v63  }
0x2b: {  	s19 =	simm.s32 $0x12600  }
0x2c: {  	[tilespmem:s19], [sflag:$0x1] =	stream.indirect.gather [hbm4b:s4+s15], $0x40, s24, s15, $0xb8;
	[tilespmem:$0x18C10] =	vst v63  }
0x2d: {  	s20 =	simm.s32 $0x18680  }
0x2e: {  	[tilespmem:s20], [sflag:$0x1] =	stream.indirect.gather [hbm4b:s5+s15], $0x1, s22, s15, $0xb8;
	[tilespmem:$0x18C10] =	vst v63  }
0x2f: {  	s23 =	simm.s32 $0x18880  }
0x30: {  	[tilespmem:s23], [sflag:$0x1] =	stream.indirect.gather [hbm4b:s5+s15], $0x1, s24, s15, $0xb8;
	[tilespmem:$0x18C10] =	vst v63  }
0x31: {  	s26 =	simm.s32 $0x100;
	s19 =	simm.s32 $0x4600  }
0x32: {  	[tilespmem:s19], [sflag:$0x1] =	stream.indirect.gather [hbm4b:s3+s15], $0x40, s26, s15, $0xb8;
	[tilespmem:$0x18C10] =	vst v63  }
0x33: {  	s19 =	simm.s32 $0xC600  }
0x34: {  	[tilespmem:s19], [sflag:$0x1] =	stream.indirect.gather [hbm4b:s4+s15], $0x40, s31, s15, $0xb8;
	[tilespmem:$0x18C10] =	vst v63  }
0x35: {  	s20 =	simm.s32 $0x14600  }
0x36: {  	[tilespmem:s20], [sflag:$0x1] =	stream.indirect.gather [hbm4b:s4+s15], $0x40, s2, s15, $0xb8;
	[tilespmem:$0x18C10] =	vst v63  }
0x37: {  	s23 =	simm.s32 $0x18700  }
0x38: {  	[tilespmem:s23], [sflag:$0x1] =	stream.indirect.gather [hbm4b:s5+s15], $0x1, s31, s15, $0xb8;
	[tilespmem:$0x18C10] =	vst v63  }
0x39: {  	s26 =	simm.s32 $0x18900  }
0x3a: {  	[tilespmem:s26], [sflag:$0x1] =	stream.indirect.gather [hbm4b:s5+s15], $0x1, s2, s15, $0xb8;
	[tilespmem:$0x18C10] =	vst v63  }
0x3b: {  	s19 =	simm.s32 $0x180;
	s20 =	simm.s32 $0x6600  }
0x3c: {  	[tilespmem:s20], [sflag:$0x1] =	stream.indirect.gather [hbm4b:s3+s15], $0x40, s19, s15, $0xb8;
	[tilespmem:$0x18C10] =	vst v63  }
0x3d: {  	s23 =	simm.s32 $0xE600  }
0x3e: {  	[tilespmem:s23], [sflag:$0x1] =	stream.indirect.gather [hbm4b:s4+s15], $0x40, s21, s15, $0xb8;
	[tilespmem:$0x18C10] =	vst v63  }
0x3f: {  	s26 =	simm.s32 $0x16600  }
0x40: {  	[tilespmem:s26], [sflag:$0x1] =	stream.indirect.gather [hbm4b:s4+s15], $0x40, s25, s15, $0xb8;
	[tilespmem:$0x18C10] =	vst v63  }
0x41: {  	_ = 	snop  }
0x42: {  	[tilespmem:s28], [sflag:$0x1] =	stream.indirect.gather [hbm4b:s5+s15], $0x1, s21, s15, $0xb8;
	[tilespmem:$0x18C10] =	vst v63  }
0x43: {  	_ = 	snop  }
0x44: {  	[tilespmem:s29], [sflag:$0x1] =	stream.indirect.gather [hbm4b:s5+s15], $0x1, s25, s15, $0xb8;
	[tilespmem:$0x18C10] =	vst v63  }
0x45: {  	_ =	swait.ge [sflag:s30], $0x2000  }
0x46: {  	[sflag:s30] =	ssyncset.done $0x0  }
0x47: {  	[sflag:s30] =	ssyncadd.s32 $0xFFFFE000  }
0x48: {  	_ =	swait.ge [sflag:s30], $0x2000  }
0x49: {  	[sflag:s30] =	ssyncset.done $0x0  }
0x4a: {  	[sflag:s30] =	ssyncadd.s32 $0xFFFFE000  }
0x4b: {  	_ =	swait.ge [sflag:s30], $0x2000  }
0x4c: {  	[sflag:s30] =	ssyncset.done $0x0  }
0x4d: {  	[sflag:s30] =	ssyncadd.s32 $0xFFFFE000  }
0x4e: {  	_ =	swait.ge [sflag:s30], $0x80  }
0x4f: {  	[sflag:s30] =	ssyncset.done $0x0  }
0x50: {  	[sflag:s30] =	ssyncadd.s32 $0xFFFFFF80  }
0x51: {  	_ =	swait.ge [sflag:s30], $0x80  }
0x52: {  	[sflag:s30] =	ssyncset.done $0x0  }
0x53: {  	[sflag:s30] =	ssyncadd.s32 $0xFFFFFF80  }
0x54: {  	_ =	swait.ge [sflag:s30], $0x2000  }
0x55: {  	[sflag:s30] =	ssyncset.done $0x0  }
0x56: {  	[sflag:s30] =	ssyncadd.s32 $0xFFFFE000  }
0x57: {  	_ =	swait.ge [sflag:s30], $0x2000  }
0x58: {  	[sflag:s30] =	ssyncset.done $0x0  }
0x59: {  	[sflag:s30] =	ssyncadd.s32 $0xFFFFE000  }
0x5a: {  	_ =	swait.ge [sflag:s30], $0x2000  }
0x5b: {  	[sflag:s30] =	ssyncset.done $0x0  }
0x5c: {  	[sflag:s30] =	ssyncadd.s32 $0xFFFFE000  }
0x5d: {  	_ =	swait.ge [sflag:s30], $0x80  }
0x5e: {  	[sflag:s30] =	ssyncset.done $0x0  }
0x5f: {  	[sflag:s30] =	ssyncadd.s32 $0xFFFFFF80  }
0x60: {  	_ =	swait.ge [sflag:s30], $0x80  }
0x61: {  	[sflag:s30] =	ssyncset.done $0x0  }
0x62: {  	[sflag:s30] =	ssyncadd.s32 $0xFFFFFF80  }
0x63: {  	_ =	swait.ge [sflag:s30], $0x2000  }
0x64: {  	[sflag:s30] =	ssyncset.done $0x0  }
0x65: {  	[sflag:s30] =	ssyncadd.s32 $0xFFFFE000  }
0x66: {  	_ =	swait.ge [sflag:s30], $0x2000  }
0x67: {  	[sflag:s30] =	ssyncset.done $0x0  }
0x68: {  	[sflag:s30] =	ssyncadd.s32 $0xFFFFE000  }
0x69: {  	_ =	swait.ge [sflag:s30], $0x2000  }
0x6a: {  	[sflag:s30] =	ssyncset.done $0x0  }
0x6b: {  	[sflag:s30] =	ssyncadd.s32 $0xFFFFE000  }
0x6c: {  	_ =	swait.ge [sflag:s30], $0x80  }
0x6d: {  	[sflag:s30] =	ssyncset.done $0x0  }
0x6e: {  	[sflag:s30] =	ssyncadd.s32 $0xFFFFFF80  }
0x6f: {  	_ =	swait.ge [sflag:s30], $0x80  }
0x70: {  	[sflag:s30] =	ssyncset.done $0x0  }
0x71: {  	[sflag:s30] =	ssyncadd.s32 $0xFFFFFF80  }
0x72: {  	_ =	swait.ge [sflag:s30], $0x2000  }
0x73: {  	[sflag:s30] =	ssyncset.done $0x0  }
0x74: {  	[sflag:s30] =	ssyncadd.s32 $0xFFFFE000  }
0x75: {  	_ =	swait.ge [sflag:s30], $0x2000  }
0x76: {  	[sflag:s30] =	ssyncset.done $0x0  }
0x77: {  	[sflag:s30] =	ssyncadd.s32 $0xFFFFE000  }
0x78: {  	_ =	swait.ge [sflag:s30], $0x2000  }
0x79: {  	[sflag:s30] =	ssyncset.done $0x0  }
0x7a: {  	[sflag:s30] =	ssyncadd.s32 $0xFFFFE000  }
0x7b: {  	_ =	swait.ge [sflag:s30], $0x80  }
0x7c: {  	[sflag:s30] =	ssyncset.done $0x0  }
0x7d: {  	[sflag:s30] =	ssyncadd.s32 $0xFFFFFF80  }
0x7e: {  	_ =	swait.ge [sflag:s30], $0x80  }
0x7f: {  	s18 =	simm.s32 $0x800;
	s19 =	simm.s32 $0x8800;
	[sflag:s30] =	ssyncset.done $0x0  }
0x80: {  	v2 =	vimm.f32 $0.0e+00;
	v1 =	vimm.f32 $0.0e+00;
	v0 =	vimm.f32 $0.0e+00;
	s20 =	simm.s32 $0x10800;
	s23 =	simm.s32 $0x0;
	[sflag:s30] =	ssyncadd.s32 $0xFFFFFF80  }
.LBB2_2:
0x81: {  	v13 =	vld [tilespmem:s18+$0xFFFFFE00];
	_ =	sdelay $0x1  }
0x82: {  	v4 =	vld [tilespmem:s19+$0xFFFFFE00];
	_ =	sdelay $0x1  }
0x83: {  	v5 =	vld [tilespmem:s20+$0xFFFFFE00]  }
0x84: {  	[tilespmem:$0x1FFE0] =	vst v1;
	v1 =	vmul.f32 v13, v13  }
0x85: {  	v28 =	vld [tilespmem:s18+$0xFFFFFE10]  }
0x86: {  	v0 =	vadd.f32 v1, v0;
	v1 =	vmul.f32 v4, v4  }
0x87: {  	[tilespmem:$0x1FFF0] =	vst v2;
	v2 =	vld [tilespmem:s19+$0xFFFFFE10]  }
0x88: {  	v0 =	vadd.f32 v1, v0;
	v1 =	vmul.f32 v5, v5  }
0x89: {  	v3 =	vld [tilespmem:s20+$0xFFFFFE10]  }
0x8a: {  	v0 =	vadd.f32 v1, v0;
	v1 =	vmul.f32 v28, v28  }
0x8b: {  	v16 =	vld [tilespmem:s18+$0xFFFFFE20]  }
0x8c: {  	v0 =	vadd.f32 v0, v1;
	v1 =	vmul.f32 v2, v2  }
0x8d: {  	[tilespmem:$0x1FC30] =	vst v2;
	v2 =	vld [tilespmem:s19+$0xFFFFFE20]  }
0x8e: {  	v0 =	vadd.f32 v0, v1;
	v1 =	vmul.f32 v3, v3  }
0x8f: {  	[tilespmem:$0x1FC40] =	vst v3;
	v3 =	vld [tilespmem:s20+$0xFFFFFE20]  }
0x90: {  	v0 =	vadd.f32 v0, v1;
	v1 =	vmul.f32 v16, v16  }
0x91: {  	v19 =	vld [tilespmem:s18+$0xFFFFFE30]  }
0x92: {  	v0 =	vadd.f32 v0, v1;
	v1 =	vmul.f32 v2, v2  }
0x93: {  	[tilespmem:$0x1FC50] =	vst v2;
	v2 =	vld [tilespmem:s19+$0xFFFFFE30]  }
0x94: {  	v0 =	vadd.f32 v0, v1;
	v1 =	vmul.f32 v3, v3  }
0x95: {  	[tilespmem:$0x1FC60] =	vst v3;
	v3 =	vld [tilespmem:s20+$0xFFFFFE30]  }
0x96: {  	v0 =	vadd.f32 v0, v1;
	v1 =	vmul.f32 v19, v19  }
0x97: {  	v26 =	vld [tilespmem:s18+$0xFFFFFE40]  }
0x98: {  	v0 =	vadd.f32 v0, v1;
	v1 =	vmul.f32 v2, v2  }
0x99: {  	[tilespmem:$0x1FC70] =	vst v2;
	v2 =	vld [tilespmem:s19+$0xFFFFFE40]  }
0x9a: {  	v0 =	vadd.f32 v0, v1;
	v1 =	vmul.f32 v3, v3  }
0x9b: {  	[tilespmem:$0x1FC80] =	vst v3;
	v3 =	vld [tilespmem:s20+$0xFFFFFE40]  }
0x9c: {  	v0 =	vadd.f32 v0, v1;
	v1 =	vmul.f32 v26, v26  }
0x9d: {  	v41 =	vld [tilespmem:s18+$0xFFFFFE50]  }
0x9e: {  	v0 =	vadd.f32 v0, v1;
	v1 =	vmul.f32 v2, v2  }
0x9f: {  	[tilespmem:$0x1FC90] =	vst v2;
	v2 =	vld [tilespmem:s19+$0xFFFFFE50]  }
0xa0: {  	v0 =	vadd.f32 v0, v1;
	v1 =	vmul.f32 v3, v3  }
0xa1: {  	[tilespmem:$0x1FCA0] =	vst v3;
	v3 =	vld [tilespmem:s20+$0xFFFFFE50]  }
0xa2: {  	v0 =	vadd.f32 v1, v0;
	v1 =	vmul.f32 v41, v41  }
0xa3: {  	v34 =	vld [tilespmem:s18+$0xFFFFFE60]  }
0xa4: {  	v0 =	vadd.f32 v0, v1;
	v1 =	vmul.f32 v2, v2  }
0xa5: {  	[tilespmem:$0x1FCB0] =	vst v2;
	v2 =	vld [tilespmem:s19+$0xFFFFFE60]  }
0xa6: {  	v0 =	vadd.f32 v0, v1;
	v1 =	vmul.f32 v3, v3  }
0xa7: {  	[tilespmem:$0x1FCC0] =	vst v3;
	v3 =	vld [tilespmem:s20+$0xFFFFFE60]  }
0xa8: {  	v0 =	vadd.f32 v0, v1;
	v1 =	vmul.f32 v34, v34  }
0xa9: {  	v27 =	vld [tilespmem:s18+$0xFFFFFE70]  }
0xaa: {  	v0 =	vadd.f32 v0, v1;
	v1 =	vmul.f32 v2, v2  }
0xab: {  	v6 =	vld [tilespmem:s19+$0xFFFFFE70]  }
0xac: {  	v0 =	vadd.f32 v0, v1;
	v1 =	vmul.f32 v3, v3  }
0xad: {  	[tilespmem:$0x1FCD0] =	vst v2;
	v2 =	vld [tilespmem:s20+$0xFFFFFE70]  }
0xae: {  	v0 =	vadd.f32 v0, v1;
	v1 =	vmul.f32 v27, v27  }
0xaf: {  	v49 =	vld [tilespmem:s18+$0xFFFFFE80]  }
0xb0: {  	v0 =	vadd.f32 v0, v1;
	v1 =	vmul.f32 v6, v6  }
0xb1: {  	[tilespmem:$0x1FCE0] =	vst v3;
	v3 =	vld [tilespmem:s19+$0xFFFFFE80]  }
0xb2: {  	v0 =	vadd.f32 v0, v1;
	v1 =	vmul.f32 v2, v2  }
0xb3: {  	[tilespmem:$0x1FD00] =	vst v2;
	v2 =	vld [tilespmem:s20+$0xFFFFFE80]  }
0xb4: {  	v0 =	vadd.f32 v0, v1;
	v1 =	vmul.f32 v49, v49  }
0xb5: {  	v11 =	vld [tilespmem:s18+$0xFFFFFE90]  }
0xb6: {  	v0 =	vadd.f32 v0, v1;
	v1 =	vmul.f32 v3, v3  }
0xb7: {  	[tilespmem:$0x1FD10] =	vst v3;
	v3 =	vld [tilespmem:s19+$0xFFFFFE90]  }
0xb8: {  	v0 =	vadd.f32 v0, v1;
	v1 =	vmul.f32 v2, v2  }
0xb9: {  	v60 =	vld [tilespmem:s20+$0xFFFFFE90]  }
0xba: {  	v0 =	vadd.f32 v1, v0;
	v1 =	vmul.f32 v11, v11  }
0xbb: {  	v50 =	vld [tilespmem:s18+$0xFFFFFEA0]  }
0xbc: {  	v0 =	vadd.f32 v0, v1;
	v1 =	vmul.f32 v3, v3  }
0xbd: {  	[tilespmem:$0x1FD30] =	vst v3;
	v3 =	vld [tilespmem:s19+$0xFFFFFEA0]  }
0xbe: {  	v0 =	vadd.f32 v0, v1;
	v1 =	vmul.f32 v60, v60  }
0xbf: {  	[tilespmem:$0x1FD20] =	vst v2;
	v2 =	vld [tilespmem:s20+$0xFFFFFEA0]  }
0xc0: {  	v0 =	vadd.f32 v0, v1;
	v1 =	vmul.f32 v50, v50  }
0xc1: {  	v46 =	vld [tilespmem:s18+$0xFFFFFEB0]  }
0xc2: {  	v0 =	vadd.f32 v0, v1;
	v1 =	vmul.f32 v3, v3  }
0xc3: {  	[tilespmem:$0x1FD40] =	vst v3;
	v3 =	vld [tilespmem:s19+$0xFFFFFEB0]  }
0xc4: {  	v0 =	vadd.f32 v0, v1;
	v1 =	vmul.f32 v2, v2  }
0xc5: {  	[tilespmem:$0x1FD50] =	vst v2;
	v2 =	vld [tilespmem:s20+$0xFFFFFEB0]  }
0xc6: {  	v0 =	vadd.f32 v0, v1;
	v1 =	vmul.f32 v46, v46  }
0xc7: {  	v20 =	vld [tilespmem:s18+$0xFFFFFEC0]  }
0xc8: {  	v0 =	vadd.f32 v0, v1;
	v1 =	vmul.f32 v3, v3  }
0xc9: {  	v48 =	vld [tilespmem:s19+$0xFFFFFEC0]  }
0xca: {  	v0 =	vadd.f32 v0, v1;
	v1 =	vmul.f32 v2, v2  }
0xcb: {  	v62 =	vld [tilespmem:s20+$0xFFFFFEC0]  }
0xcc: {  	v0 =	vadd.f32 v0, v1;
	v1 =	vmul.f32 v20, v20  }
0xcd: {  	v17 =	vld [tilespmem:s18+$0xFFFFFED0]  }
0xce: {  	v0 =	vadd.f32 v0, v1;
	v1 =	vmul.f32 v48, v48  }
0xcf: {  	v40 =	vld [tilespmem:s19+$0xFFFFFED0]  }
0xd0: {  	v0 =	vadd.f32 v0, v1;
	v1 =	vmul.f32 v62, v62  }
0xd1: {  	v56 =	vld [tilespmem:s20+$0xFFFFFED0]  }
0xd2: {  	v0 =	vadd.f32 v1, v0;
	v1 =	vmul.f32 v17, v17  }
0xd3: {  	v15 =	vld [tilespmem:s18+$0xFFFFFEE0]  }
0xd4: {  	v0 =	vadd.f32 v0, v1;
	v1 =	vmul.f32 v40, v40  }
0xd5: {  	v42 =	vld [tilespmem:s19+$0xFFFFFEE0]  }
0xd6: {  	v0 =	vadd.f32 v0, v1;
	v1 =	vmul.f32 v56, v56  }
0xd7: {  	v55 =	vld [tilespmem:s20+$0xFFFFFEE0]  }
0xd8: {  	v0 =	vadd.f32 v0, v1;
	v1 =	vmul.f32 v15, v15  }
0xd9: {  	v14 =	vld [tilespmem:s18+$0xFFFFFEF0]  }
0xda: {  	v0 =	vadd.f32 v0, v1;
	v1 =	vmul.f32 v42, v42  }
0xdb: {  	v61 =	vld [tilespmem:s19+$0xFFFFFEF0]  }
0xdc: {  	v0 =	vadd.f32 v0, v1;
	v1 =	vmul.f32 v55, v55  }
0xdd: {  	v52 =	vld [tilespmem:s20+$0xFFFFFEF0]  }
0xde: {  	v0 =	vadd.f32 v0, v1;
	v1 =	vmul.f32 v14, v14  }
0xdf: {  	v31 =	vld [tilespmem:s18+$0xFFFFFF00]  }
0xe0: {  	v0 =	vadd.f32 v0, v1;
	v1 =	vmul.f32 v61, v61  }
0xe1: {  	[tilespmem:$0x1FD60] =	vst v3;
	v3 =	vld [tilespmem:s19+$0xFFFFFF00]  }
0xe2: {  	v0 =	vadd.f32 v0, v1;
	v1 =	vmul.f32 v52, v52  }
0xe3: {  	[tilespmem:$0x1FD70] =	vst v2;
	v2 =	vld [tilespmem:s20+$0xFFFFFF00]  }
0xe4: {  	v0 =	vadd.f32 v0, v1;
	v1 =	vmul.f32 v31, v31  }
0xe5: {  	v22 =	vld [tilespmem:s18+$0xFFFFFF10]  }
0xe6: {  	v0 =	vadd.f32 v0, v1;
	v1 =	vmul.f32 v3, v3  }
0xe7: {  	[tilespmem:$0x1FD80] =	vst v3;
	v3 =	vld [tilespmem:s19+$0xFFFFFF10]  }
0xe8: {  	v0 =	vadd.f32 v0, v1;
	v1 =	vmul.f32 v2, v2  }
0xe9: {  	[tilespmem:$0x1FD90] =	vst v2;
	v2 =	vld [tilespmem:s20+$0xFFFFFF10]  }
0xea: {  	v0 =	vadd.f32 v1, v0;
	v1 =	vmul.f32 v22, v22  }
0xeb: {  	v32 =	vld [tilespmem:s18+$0xFFFFFF20]  }
0xec: {  	v0 =	vadd.f32 v0, v1;
	v1 =	vmul.f32 v3, v3  }
0xed: {  	[tilespmem:$0x1FDA0] =	vst v3;
	v3 =	vld [tilespmem:s19+$0xFFFFFF20]  }
0xee: {  	v0 =	vadd.f32 v0, v1;
	v1 =	vmul.f32 v2, v2  }
0xef: {  	[tilespmem:$0x1FDB0] =	vst v2;
	v2 =	vld [tilespmem:s20+$0xFFFFFF20]  }
0xf0: {  	v0 =	vadd.f32 v0, v1;
	v1 =	vmul.f32 v32, v32  }
0xf1: {  	v33 =	vld [tilespmem:s18+$0xFFFFFF30]  }
0xf2: {  	v0 =	vadd.f32 v0, v1;
	v1 =	vmul.f32 v3, v3  }
0xf3: {  	[tilespmem:$0x1FDC0] =	vst v3;
	v3 =	vld [tilespmem:s19+$0xFFFFFF30]  }
0xf4: {  	v0 =	vadd.f32 v0, v1;
	v1 =	vmul.f32 v2, v2  }
0xf5: {  	[tilespmem:$0x1FDD0] =	vst v2;
	v2 =	vld [tilespmem:s20+$0xFFFFFF30]  }
0xf6: {  	v0 =	vadd.f32 v0, v1;
	v1 =	vmul.f32 v33, v33  }
0xf7: {  	v23 =	vld [tilespmem:s18+$0xFFFFFF40]  }
0xf8: {  	v0 =	vadd.f32 v0, v1;
	v1 =	vmul.f32 v3, v3  }
0xf9: {  	[tilespmem:$0x1FDE0] =	vst v3;
	v3 =	vld [tilespmem:s19+$0xFFFFFF40]  }
0xfa: {  	v0 =	vadd.f32 v0, v1;
	v1 =	vmul.f32 v2, v2  }
0xfb: {  	[tilespmem:$0x1FE00] =	vst v2;
	v2 =	vld [tilespmem:s20+$0xFFFFFF40]  }
0xfc: {  	v0 =	vadd.f32 v0, v1;
	v1 =	vmul.f32 v23, v23  }
0xfd: {  	v30 =	vld [tilespmem:s18+$0xFFFFFF50]  }
0xfe: {  	v0 =	vadd.f32 v0, v1;
	v1 =	vmul.f32 v3, v3  }
0xff: {  	[tilespmem:$0x1FDF0] =	vst v3;
	v3 =	vld [tilespmem:s19+$0xFFFFFF50]  }
0x100: {  	v0 =	vadd.f32 v0, v1;
	v1 =	vmul.f32 v2, v2  }
0x101: {  	v53 =	vld [tilespmem:s20+$0xFFFFFF50]  }
0x102: {  	v0 =	vadd.f32 v1, v0;
	v1 =	vmul.f32 v30, v30  }
0x103: {  	v29 =	vld [tilespmem:s18+$0xFFFFFF60]  }
0x104: {  	v0 =	vadd.f32 v0, v1;
	v1 =	vmul.f32 v3, v3  }
0x105: {  	[tilespmem:$0x1FE10] =	vst v2;
	v2 =	vld [tilespmem:s19+$0xFFFFFF60]  }
0x106: {  	v0 =	vadd.f32 v0, v1;
	v1 =	vmul.f32 v53, v53  }
0x107: {  	[tilespmem:$0x1FE20] =	vst v3;
	v3 =	vld [tilespmem:s20+$0xFFFFFF60]  }
0x108: {  	v0 =	vadd.f32 v0, v1;
	v1 =	vmul.f32 v29, v29  }
0x109: {  	v21 =	vld [tilespmem:s18+$0xFFFFFF70]  }
0x10a: {  	v0 =	vadd.f32 v0, v1;
	v1 =	vmul.f32 v2, v2  }
0x10b: {  	[tilespmem:$0x1FE40] =	vst v2;
	v2 =	vld [tilespmem:s19+$0xFFFFFF70]  }
0x10c: {  	v0 =	vadd.f32 v0, v1;
	v1 =	vmul.f32 v3, v3  }
0x10d: {  	[tilespmem:$0x1FE50] =	vst v3;
	v3 =	vld [tilespmem:s20+$0xFFFFFF70]  }
0x10e: {  	v0 =	vadd.f32 v0, v1;
	v1 =	vmul.f32 v21, v21  }
0x10f: {  	v36 =	vld [tilespmem:s18+$0xFFFFFF80]  }
0x110: {  	v0 =	vadd.f32 v0, v1;
	v1 =	vmul.f32 v2, v2  }
0x111: {  	[tilespmem:$0x1FE60] =	vst v2;
	v2 =	vld [tilespmem:s19+$0xFFFFFF80]  }
0x112: {  	v0 =	vadd.f32 v0, v1;
	v1 =	vmul.f32 v3, v3  }
0x113: {  	[tilespmem:$0x1FE70] =	vst v3;
	v3 =	vld [tilespmem:s20+$0xFFFFFF80]  }
0x114: {  	v0 =	vadd.f32 v0, v1;
	v1 =	vmul.f32 v36, v36  }
0x115: {  	v51 =	vld [tilespmem:s18+$0xFFFFFF90]  }
0x116: {  	v0 =	vadd.f32 v0, v1;
	v1 =	vmul.f32 v2, v2  }
0x117: {  	[tilespmem:$0x1FE80] =	vst v2;
	v2 =	vld [tilespmem:s19+$0xFFFFFF90]  }
0x118: {  	v0 =	vadd.f32 v0, v1;
	v1 =	vmul.f32 v3, v3  }
0x119: {  	[tilespmem:$0x1FE90] =	vst v3;
	v3 =	vld [tilespmem:s20+$0xFFFFFF90]  }
0x11a: {  	v0 =	vadd.f32 v1, v0;
	v1 =	vmul.f32 v51, v51  }
0x11b: {  	v45 =	vld [tilespmem:s18+$0xFFFFFFA0]  }
0x11c: {  	v0 =	vadd.f32 v0, v1;
	v1 =	vmul.f32 v2, v2  }
0x11d: {  	[tilespmem:$0x1FEA0] =	vst v2;
	v2 =	vld [tilespmem:s19+$0xFFFFFFA0]  }
0x11e: {  	v0 =	vadd.f32 v0, v1;
	v1 =	vmul.f32 v3, v3  }
0x11f: {  	[tilespmem:$0x1FEB0] =	vst v3;
	v3 =	vld [tilespmem:s20+$0xFFFFFFA0]  }
0x120: {  	v0 =	vadd.f32 v0, v1;
	v1 =	vmul.f32 v45, v45  }
0x121: {  	v37 =	vld [tilespmem:s18+$0xFFFFFFB0]  }
0x122: {  	v0 =	vadd.f32 v0, v1;
	v1 =	vmul.f32 v2, v2  }
0x123: {  	v54 =	vld [tilespmem:s19+$0xFFFFFFB0]  }
0x124: {  	v0 =	vadd.f32 v0, v1;
	v1 =	vmul.f32 v3, v3  }
0x125: {  	[tilespmem:$0x1FEC0] =	vst v2;
	v2 =	vld [tilespmem:s20+$0xFFFFFFB0]  }
0x126: {  	v0 =	vadd.f32 v0, v1;
	v1 =	vmul.f32 v37, v37  }
0x127: {  	v58 =	vld [tilespmem:s18+$0xFFFFFFC0]  }
0x128: {  	v0 =	vadd.f32 v0, v1;
	v1 =	vmul.f32 v54, v54  }
0x129: {  	[tilespmem:$0x1FED0] =	vst v3;
	v3 =	vld [tilespmem:s19+$0xFFFFFFC0]  }
0x12a: {  	v0 =	vadd.f32 v0, v1;
	v1 =	vmul.f32 v2, v2  }
0x12b: {  	[tilespmem:$0x1FEF0] =	vst v2;
	v2 =	vld [tilespmem:s20+$0xFFFFFFC0]  }
0x12c: {  	v0 =	vadd.f32 v0, v1;
	v1 =	vmul.f32 v58, v58  }
0x12d: {  	v18 =	vld [tilespmem:s18+$0xFFFFFFD0]  }
0x12e: {  	v0 =	vadd.f32 v0, v1;
	v1 =	vmul.f32 v3, v3  }
0x12f: {  	[tilespmem:$0x1FF00] =	vst v3;
	v3 =	vld [tilespmem:s19+$0xFFFFFFD0]  }
0x130: {  	v0 =	vadd.f32 v0, v1;
	v1 =	vmul.f32 v2, v2  }
0x131: {  	v43 =	vld [tilespmem:s20+$0xFFFFFFD0]  }
0x132: {  	v0 =	vadd.f32 v1, v0;
	v1 =	vmul.f32 v18, v18  }
0x133: {  	v59 =	vld [tilespmem:s18+$0xFFFFFFE0]  }
0x134: {  	v0 =	vadd.f32 v0, v1;
	v1 =	vmul.f32 v3, v3  }
0x135: {  	[tilespmem:$0x1FF20] =	vst v3;
	v3 =	vld [tilespmem:s19+$0xFFFFFFE0]  }
0x136: {  	v0 =	vadd.f32 v0, v1;
	v1 =	vmul.f32 v43, v43  }
0x137: {  	[tilespmem:$0x1FF10] =	vst v2;
	v2 =	vld [tilespmem:s20+$0xFFFFFFE0]  }
0x138: {  	v0 =	vadd.f32 v0, v1;
	v1 =	vmul.f32 v59, v59  }
0x139: {  	[tilespmem:$0x1FEE0] =	vst v54;
	v54 =	vld [tilespmem:s18+$0xFFFFFFF0]  }
0x13a: {  	v0 =	vadd.f32 v0, v1;
	v1 =	vmul.f32 v3, v3  }
0x13b: {  	[tilespmem:$0x1FE30] =	vst v53;
	v53 =	vld [tilespmem:s19+$0xFFFFFFF0]  }
0x13c: {  	v0 =	vadd.f32 v0, v1;
	v1 =	vmul.f32 v2, v2  }
0x13d: {  	[tilespmem:$0x1FF40] =	vst v2;
	v2 =	vld [tilespmem:s20+$0xFFFFFFF0]  }
0x13e: {  	v0 =	vadd.f32 v0, v1;
	v1 =	vmul.f32 v54, v54  }
0x13f: {  	v10 =	vld [tilespmem:s18+$0x0]  }
0x140: {  	v0 =	vadd.f32 v0, v1;
	v1 =	vmul.f32 v53, v53  }
0x141: {  	v35 =	vld [tilespmem:s19+$0x0]  }
0x142: {  	v0 =	vadd.f32 v0, v1;
	v1 =	vmul.f32 v2, v2  }
0x143: {  	[tilespmem:$0x1FF50] =	vst v2;
	v2 =	vld [tilespmem:s20+$0x0]  }
0x144: {  	v0 =	vadd.f32 v0, v1;
	v1 =	vmul.f32 v10, v10  }
0x145: {  	v12 =	vld [tilespmem:s18+$0x10]  }
0x146: {  	v0 =	vadd.f32 v0, v1;
	v1 =	vmul.f32 v35, v35  }
0x147: {  	[tilespmem:$0x1FF30] =	vst v3;
	v3 =	vld [tilespmem:s19+$0x10]  }
0x148: {  	v0 =	vadd.f32 v0, v1;
	v1 =	vmul.f32 v2, v2  }
0x149: {  	[tilespmem:$0x1FF60] =	vst v2;
	v2 =	vld [tilespmem:s20+$0x10]  }
0x14a: {  	v0 =	vadd.f32 v1, v0;
	v1 =	vmul.f32 v12, v12  }
0x14b: {  	v9 =	vld [tilespmem:s18+$0x20]  }
0x14c: {  	v0 =	vadd.f32 v0, v1;
	v1 =	vmul.f32 v3, v3  }
0x14d: {  	v63 =	vld [tilespmem:s19+$0x20]  }
0x14e: {  	v0 =	vadd.f32 v0, v1;
	v1 =	vmul.f32 v2, v2  }
0x14f: {  	[tilespmem:$0x1FF70] =	vst v3;
	v3 =	vld [tilespmem:s20+$0x20]  }
0x150: {  	v0 =	vadd.f32 v0, v1;
	v1 =	vmul.f32 v9, v9  }
0x151: {  	v8 =	vld [tilespmem:s18+$0x30]  }
0x152: {  	v0 =	vadd.f32 v0, v1;
	v1 =	vmul.f32 v63, v63  }
0x153: {  	[tilespmem:$0x1FF80] =	vst v2;
	v2 =	vld [tilespmem:s19+$0x30]  }
0x154: {  	v0 =	vadd.f32 v0, v1;
	v1 =	vmul.f32 v3, v3  }
0x155: {  	[tilespmem:$0x1FF90] =	vst v63;
	v63 =	vld [tilespmem:s20+$0x30]  }
0x156: {  	v24 =	vmul.f32 v8, v8;
	v0 =	vadd.f32 v0, v1  }
0x157: {  	v7 =	vld [tilespmem:s18+$0x40]  }
0x158: {  	[tilespmem:$0x1FCF0] =	vst v6;
	v6 =	vmul.f32 v2, v2;
	v0 =	vadd.f32 v0, v24  }
0x159: {  	v39 =	vld [tilespmem:s19+$0x40]  }
0x15a: {  	v38 =	vmul.f32 v63, v63;
	v0 =	vadd.f32 v0, v6  }
0x15b: {  	v47 =	vld [tilespmem:s20+$0x40]  }
0x15c: {  	v25 =	vmul.f32 v7, v7;
	v24 =	vadd.f32 v0, v38  }
0x15d: {  	v6 =	vld [tilespmem:s18+$0x50]  }
0x15e: {  	v57 =	vmul.f32 v39, v39;
	v24 =	vadd.f32 v24, v25;
	_ =	sdelay $0x1  }
0x15f: {  	v38 =	vmul.f32 v47, v47;
	v24 =	vadd.f32 v24, v57;
	_ =	sdelay $0x1  }
0x160: {  	v0 =	vmul.f32 v6, v6;
	v24 =	vadd.f32 v38, v24  }
0x161: {  	v25 =	vld [tilespmem:$0x1FC40]  }
0x162: {  	[tilespmem:$0x1FFA0] =	vst v3;
	v3 =	vadd.f32 v24, v0;
	v0 =	vld [tilespmem:$0x1FC30];
	_ =	sdelay $0x2  }
0x163: {  	[tilespmem:$0x1FFB0] =	vst v2;
	v2 =	vmul.f32 v5, v13;
	_ =	sdelay $0x1  }
0x164: {  	v2 =	vadd.f32 $0.0e+00, v2;
	v0 =	vmul.f32 v0, v28;
	v28 =	vmul.f32 v25, v28  }
0x165: {  	v24 =	vld [tilespmem:$0x1FC60]  }
0x166: {  	v2 =	vadd.f32 v28, v2;
	v28 =	vld [tilespmem:$0x1FC50]  }
0x167: {  	v57 =	vmul.f32 v4, v13;
	_ =	sdelay $0x1  }
0x168: {  	v57 =	vadd.f32 $0.0e+00, v57;
	_ =	sdelay $0x1  }
0x169: {  	v0 =	vadd.f32 v0, v57;
	v57 =	vmul.f32 v28, v16;
	v16 =	vmul.f32 v24, v16;
	_ =	sdelay $0x1  }
0x16a: {  	v4 =	vadd.f32 v16, v2;
	v2 =	vld [tilespmem:$0x1FC70];
	_ =	sdelay $0x4  }
0x16b: {  	v0 =	vadd.f32 v57, v0;
	v57 =	vmul.f32 v2, v19;
	_ =	sdelay $0x1  }
0x16c: {  	v5 =	vadd.f32 v57, v0;
	v0 =	vld [tilespmem:$0x1FC90];
	_ =	sdelay $0x1  }
0x16d: {  	v44 =	vld [tilespmem:s19+$0x50]  }
0x16e: {  	v38 =	vld [tilespmem:s20+$0x50]  }
0x16f: {  	v2 =	vld [tilespmem:$0x1FC80]  }
0x170: {  	v28 =	vmul.f32 v0, v26;
	v0 =	vld [tilespmem:$0x1FCA0]  }
0x171: {  	v13 =	vld [tilespmem:s18+$0x60]  }
0x172: {  	v1 =	vmul.f32 v44, v44  }
0x173: {  	v25 =	vld [tilespmem:s19+$0x60]  }
0x174: {  	v1 =	vadd.f32 v3, v1;
	v3 =	vmul.f32 v38, v38  }
0x175: {  	v19 =	vmul.f32 v2, v19;
	v2 =	vmul.f32 v0, v26;
	v0 =	vld [tilespmem:$0x1FCB0]  }
0x176: {  	v1 =	vadd.f32 v1, v3;
	v3 =	vmul.f32 v13, v13;
	_ =	sdelay $0x1  }
0x177: {  	v1 =	vadd.f32 v1, v3;
	v3 =	vmul.f32 v25, v25;
	_ =	sdelay $0x1  }
0x178: {  	v1 =	vadd.f32 v1, v3;
	v28 =	vadd.f32 $0.0e+00, v28;
	v3 =	vmul.f32 v0, v41  }
0x179: {  	v24 =	vld [tilespmem:s20+$0x60]  }
0x17a: {  	v3 =	vadd.f32 v3, v28;
	v28 =	vld [tilespmem:$0x1FCD0]  }
0x17b: {  	v57 =	vld [tilespmem:$0x1FCC0]  }
0x17c: {  	v16 =	vld [tilespmem:s18+$0x70];
	_ =	sdelay $0x1  }
0x17d: {  	v26 =	vld [tilespmem:s19+$0x70]  }
0x17e: {  	v4 =	vadd.f32 v19, v4;
	v0 =	vmul.f32 v24, v24;
	v19 =	vmul.f32 v28, v34;
	v28 =	vld [tilespmem:$0x1FCE0]  }
0x17f: {  	v41 =	vmul.f32 v57, v41;
	v57 =	vld [tilespmem:s20+$0x70]  }
0x180: {  	v0 =	vadd.f32 v1, v0;
	v1 =	vmul.f32 v16, v16;
	_ =	sdelay $0x1  }
0x181: {  	v2 =	vadd.f32 $0.0e+00, v2;
	v0 =	vadd.f32 v0, v1;
	v1 =	vmul.f32 v26, v26  }
0x182: {  	v28 =	vmul.f32 v28, v34;
	v34 =	vld [tilespmem:$0x1FCF0]  }
0x183: {  	v2 =	vadd.f32 v41, v2;
	[tilespmem:$0x1FFC0] =	vst v57;
	v0 =	vadd.f32 v0, v1;
	v1 =	vmul.f32 v57, v57;
	v57 =	vld [tilespmem:$0x1FD20]  }
0x184: {  	v3 =	vadd.f32 v19, v3;
	v19 =	vld [tilespmem:$0x1FD00]  }
0x185: {  	v2 =	vadd.f32 v28, v2;
	v28 =	vld [tilespmem:$0x1FD10];
	_ =	sdelay $0x1  }
0x186: {  	v4 =	vsub.f32 v5, v4;
	v5 =	vmul.f32 v34, v27;
	_ =	sdelay $0x1  }
0x187: {  	v41 =	vld [tilespmem:s18+$0x80];
	v3 =	vadd.f32 v5, v3;
	v5 =	vmul.f32 v19, v27  }
0x188: {  	v19 =	vmul.f32 v28, v49;
	v28 =	vmul.f32 v57, v49;
	v57 =	vld [tilespmem:$0x1FD30];
	_ =	sdelay $0x3  }
0x189: {  	v0 =	vadd.f32 v0, v1;
	v1 =	vmul.f32 v41, v41;
	v34 =	vld [tilespmem:s19+$0x80]  }
0x18a: {  	v49 =	vmul.f32 v57, v11;
	v57 =	vld [tilespmem:$0x1FD40]  }
0x18b: {  	v60 =	vmul.f32 v60, v11;
	v0 =	vadd.f32 v0, v1;
	v1 =	vadd.f32 $0.0e+00, v28  }
0x18c: {  	v27 =	vld [tilespmem:s20+$0x80]  }
0x18d: {  	v19 =	vadd.f32 $0.0e+00, v19;
	v1 =	vadd.f32 v60, v1;
	v60 =	vld [tilespmem:$0x1FD50]  }
0x18e: {  	v2 =	vadd.f32 v5, v2;
	v11 =	vld [tilespmem:s18+$0x90]  }
0x18f: {  	v28 =	vmul.f32 v34, v34;
	v5 =	vadd.f32 v49, v19;
	v19 =	vmul.f32 v57, v50;
	v57 =	vld [tilespmem:$0x1FD60]  }
0x190: {  	v49 =	vld [tilespmem:s19+$0x90]  }
0x191: {  	v0 =	vadd.f32 v0, v28;
	v28 =	vmul.f32 v27, v27  }
0x192: {  	v5 =	vadd.f32 v19, v5;
	v19 =	vmul.f32 v60, v50;
	v50 =	vld [tilespmem:s20+$0x90]  }
0x193: {  	v2 =	vsub.f32 v3, v2;
	v0 =	vadd.f32 v28, v0;
	v3 =	vmul.f32 v11, v11  }
0x194: {  	v19 =	vadd.f32 v19, v1;
	v1 =	vmul.f32 v48, v20;
	v60 =	vmul.f32 v57, v46;
	v57 =	vld [tilespmem:$0x1FD70]  }
0x195: {  	v40 =	vmul.f32 v40, v17;
	v0 =	vadd.f32 v0, v3;
	v3 =	vmul.f32 v49, v49;
	v48 =	vld [tilespmem:s18+$0xA0]  }
0x196: {  	v20 =	vmul.f32 v62, v20;
	v5 =	vadd.f32 v60, v5;
	v60 =	vadd.f32 $0.0e+00, v1  }
0x197: {  	v0 =	vadd.f32 v0, v3;
	v1 =	vld [tilespmem:s19+$0xA0];
	v3 =	vmul.f32 v50, v50  }
0x198: {  	v17 =	vmul.f32 v56, v17;
	v20 =	vadd.f32 $0.0e+00, v20;
	v62 =	vadd.f32 v40, v60  }
0x199: {  	v0 =	vadd.f32 v0, v3;
	v3 =	vmul.f32 v42, v15;
	v28 =	vmul.f32 v57, v46;
	v46 =	vld [tilespmem:s20+$0xA0]  }
0x19a: {  	(xrf2) =	vadd.scan.msk.f32 $0xffff, v4;
	v56 =	vmul.f32 v48, v48;
	v60 =	vadd.f32 v17, v20  }
0x19b: {  	(xrf2) =	vadd.scan.msk.f32 $0xffff, v2;
	v15 =	vmul.f32 v55, v15;
	v40 =	vld [tilespmem:s18+$0xB0];
	v2 =	vadd.f32 v3, v62;
	v19 =	vadd.f32 v28, v19  }
0x19c: {  	v0 =	vadd.f32 v0, v56;
	v62 =	vmul.f32 v61, v14;
	v3 =	vmul.f32 v1, v1  }
0x19d: {  	v14 =	vmul.f32 v52, v14;
	v52 =	vld [tilespmem:s19+$0xB0];
	v57 =	vsub.f32 v5, v19;
	v5 =	vadd.f32 v15, v60  }
0x19e: {  	v56 =	vld [tilespmem:s20+$0xB0];
	v0 =	vadd.f32 v0, v3;
	v3 =	vmul.f32 v46, v46  }
0x19f: {  	v2 =	vadd.f32 v62, v2;
	v19 =	vadd.f32 v14, v5  }
0x1a0: {  	v0 =	vadd.f32 v0, v3;
	v3 =	vmul.f32 v40, v40  }
0x1a1: {  	v42 =	vld [tilespmem:s18+$0xC0];
	v2 =	vsub.f32 v2, v19  }
0x1a2: {  	v60 =	vld [tilespmem:s19+$0xC0];
	(xrf2) =	vadd.scan.msk.f32 $0xffff, v57;
	v0 =	vadd.f32 v0, v3;
	v3 =	vmul.f32 v52, v52  }
0x1a3: {  	(xrf2) =	vadd.scan.msk.f32 $0xffff, v2;
	v2 =	vmul.f32 v56, v56  }
0x1a4: {  	v28 =	vld [tilespmem:$0x1FD80];
	v0 =	vadd.f32 v0, v3  }
0x1a5: {  	v57 =	vld [tilespmem:s20+$0xC0]  }
0x1a6: {  	v20 =	vmul.f32 v42, v42;
	v3, _, _ =	vpop (xrf2);
	v0 =	vadd.f32 v0, v2  }
0x1a7: {  	v55 =	vld [tilespmem:s18+$0xD0];
	v62 =	vmul.f32 v60, v60;
	v2, _, _ =	vpop (xrf2)  }
0x1a8: {  	v3 =	vbroadcast v3, $0xF;
	v2 =	vbroadcast v2, $0xF;
	v0 =	vadd.f32 v0, v20;
	v20 =	vld [tilespmem:$0x1FDA0]  }
0x1a9: {  	v4 =	vmul.f32 v28, v31  }
0x1aa: {  	v28 =	vmul.f32 v57, v57;
	v2 =	vsel vm0, v3, v2;
	v3 =	vld [tilespmem:$0x1FD90];
	v0 =	vadd.f32 v0, v62;
	_ =	sdelay $0x1  }
0x1ab: {  	v62 =	vmul.f32 v55, v55;
	v0 =	vadd.f32 v28, v0  }
0x1ac: {  	v14 =	vmul.f32 v20, v22;
	v20 =	vld [tilespmem:$0x1FDC0]  }
0x1ad: {  	v0 =	vadd.f32 v0, v62;
	v62 =	vld [tilespmem:$0x1FDE0]  }
0x1ae: {  	v3 =	vmul.f32 v3, v31;
	v31 =	vld [tilespmem:$0x1FDB0]  }
0x1af: {  	v4 =	vadd.f32 $0.0e+00, v4;
	_ =	sdelay $0x1  }
0x1b0: {  	v61, _, _ =	vpop (xrf2);
	v4 =	vadd.f32 v14, v4;
	v14 =	vmul.f32 v20, v32  }
0x1b1: {  	v5 =	vbroadcast v61, $0xF  }
0x1b2: {  	v20 =	vmul.f32 v62, v33;
	v61 =	vmul.f32 v31, v22;
	v4 =	vadd.f32 v14, v4;
	v31 =	vld [tilespmem:$0x1FDD0]  }
0x1b3: {  	v19 =	vld [tilespmem:s19+$0xD0]  }
0x1b4: {  	v4 =	vadd.f32 v20, v4;
	v20 =	vld [tilespmem:$0x1FE00]  }
0x1b5: {  	v17 =	vld [tilespmem:s20+$0xD0];
	v3 =	vadd.f32 $0.0e+00, v3  }
0x1b6: {  	v15 =	vld [tilespmem:$0x1FDF0]  }
0x1b7: {  	v22, _, _ =	vpop (xrf2);
	v3 =	vadd.f32 v61, v3;
	v14 =	vmul.f32 v31, v32  }
0x1b8: {  	v2 =	vsel vm1, v2, v5;
	v28 =	vmul.f32 v19, v19;
	v5 =	vbroadcast v22, $0xF;
	v31 =	vld [tilespmem:$0x1FE20]  }
0x1b9: {  	v3 =	vadd.f32 v14, v3;
	v14 =	vmul.f32 v20, v33;
	v33 =	vld [tilespmem:$0x1FE30]  }
0x1ba: {  	v0 =	vadd.f32 v0, v28;
	v28 =	vld [tilespmem:$0x1FE10];
	v2 =	vsel vm2, v2, v5  }
0x1bb: {  	v61 =	vld [tilespmem:s18+$0xE0];
	v5 =	vmul.f32 v15, v23;
	[tilespmem:$0x1FFD0] =	vst v2;
	v2 =	vmul.f32 v17, v17  }
0x1bc: {  	v22 =	vld [tilespmem:s19+$0xE0]  }
0x1bd: {  	v0 =	vadd.f32 v0, v2;
	v2 =	vadd.f32 $0.0e+00, v5;
	v5 =	vmul.f32 v31, v30;
	v31 =	vld [tilespmem:$0x1FE50]  }
0x1be: {  	v62 =	vmul.f32 v33, v30;
	v33 =	vld [tilespmem:$0x1FE40]  }
0x1bf: {  	v15 =	vmul.f32 v28, v23  }
0x1c0: {  	v32 =	vmul.f32 v61, v61  }
0x1c1: {  	v15 =	vadd.f32 $0.0e+00, v15  }
0x1c2: {  	v0 =	vadd.f32 v0, v32;
	v2 =	vadd.f32 v5, v2;
	v5 =	vmul.f32 v22, v22  }
0x1c3: {  	v32 =	vadd.f32 v62, v15;
	v62 =	vmul.f32 v33, v29;
	v29 =	vmul.f32 v31, v29;
	_ =	sdelay $0x1  }
0x1c4: {  	v0 =	vadd.f32 v0, v5;
	v5 =	vadd.f32 v29, v32;
	v32 =	vld [tilespmem:$0x1FE60];
	_ =	sdelay $0x1  }
0x1c5: {  	v23 =	vld [tilespmem:s20+$0xE0]  }
0x1c6: {  	v3 =	vadd.f32 v14, v3;
	v14 =	vld [tilespmem:s18+$0xF0]  }
0x1c7: {  	v15 =	vld [tilespmem:s19+$0xF0]  }
0x1c8: {  	v2 =	vadd.f32 v62, v2;
	v62 =	vld [tilespmem:$0x1FE70];
	v33 =	vmul.f32 v32, v21  }
0x1c9: {  	v32 =	vld [tilespmem:$0x1FE80]  }
0x1ca: {  	v4 =	vsub.f32 v4, v3;
	v3 =	vmul.f32 v23, v23;
	v2 =	vadd.f32 v33, v2;
	v33 =	vld [tilespmem:$0x1FE90];
	_ =	sdelay $0x1  }
0x1cb: {  	v0 =	vadd.f32 v0, v3;
	v3 =	vmul.f32 v14, v14;
	_ =	sdelay $0x1  }
0x1cc: {  	v0 =	vadd.f32 v0, v3;
	v3 =	vld [tilespmem:$0x1FEA0];
	v29 =	vmul.f32 v62, v21;
	v28 =	vmul.f32 v32, v36  }
0x1cd: {  	v62 =	vld [tilespmem:$0x1FEB0];
	v30 =	vmul.f32 v33, v36;
	v36 =	vmul.f32 v15, v15;
	_ =	sdelay $0x1  }
0x1ce: {  	v0 =	vadd.f32 v0, v36;
	v36 =	vld [tilespmem:$0x1FEC0];
	_ =	sdelay $0x1  }
0x1cf: {  	v3 =	vmul.f32 v3, v51  }
0x1d0: {  	v32 =	vmul.f32 v62, v51;
	v28 =	vadd.f32 $0.0e+00, v28;
	v30 =	vadd.f32 $0.0e+00, v30  }
0x1d1: {  	v5 =	vadd.f32 v29, v5  }
0x1d2: {  	v3 =	vadd.f32 v3, v28;
	v33 =	vadd.f32 v32, v30;
	v30 =	vmul.f32 v36, v45;
	_ =	sdelay $0x1  }
0x1d3: {  	v5 =	vsub.f32 v2, v5;
	v2 =	vadd.f32 v30, v3;
	v3 =	vld [tilespmem:$0x1FEE0];
	_ =	sdelay $0x4  }
0x1d4: {  	v3 =	vmul.f32 v3, v37;
	_ =	sdelay $0x1  }
0x1d5: {  	v2 =	vadd.f32 v3, v2;
	v3 =	vld [tilespmem:$0x1FEF0]  }
0x1d6: {  	v62 =	vld [tilespmem:$0x1FED0];
	_ =	sdelay $0x1  }
0x1d7: {  	v20 =	vld [tilespmem:s20+$0xF0]  }
0x1d8: {  	v21 =	vld [tilespmem:s18+$0x100]  }
0x1d9: {  	v3 =	vmul.f32 v3, v37;
	v37 =	vld [tilespmem:$0x1FF10]  }
0x1da: {  	v31 =	vmul.f32 v62, v45  }
0x1db: {  	v51 =	vld [tilespmem:s19+$0x100]  }
0x1dc: {  	v29 =	vmul.f32 v20, v20;
	v28 =	vadd.f32 v31, v33;
	v33 =	vld [tilespmem:$0x1FF00]  }
0x1dd: {  	v36 =	vld [tilespmem:s20+$0x100]  }
0x1de: {  	v0 =	vadd.f32 v0, v29;
	v32 =	vmul.f32 v21, v21;
	v31 =	vmul.f32 v37, v58;
	v37 =	vld [tilespmem:$0x1FF20]  }
0x1df: {  	v45 =	vld [tilespmem:s18+$0x110]  }
0x1e0: {  	v29 =	vmul.f32 v51, v51;
	v0 =	vadd.f32 v0, v32;
	_ =	sdelay $0x1  }
0x1e1: {  	v0 =	vadd.f32 v0, v29;
	v30 =	vmul.f32 v33, v58;
	v58 =	vmul.f32 v36, v36  }
0x1e2: {  	v32 =	vmul.f32 v37, v18;
	v37 =	vld [tilespmem:$0x1FF30]  }
0x1e3: {  	v0 =	vadd.f32 v58, v0;
	v58 =	vmul.f32 v45, v45;
	_ =	sdelay $0x1  }
0x1e4: {  	v30 =	vadd.f32 $0.0e+00, v30;
	v0 =	vadd.f32 v0, v58;
	v58 =	vld [tilespmem:$0x1FF40]  }
0x1e5: {  	v62 =	vld [tilespmem:s19+$0x110]  }
0x1e6: {  	v33 =	vadd.f32 v32, v30;
	v30 =	vmul.f32 v37, v59  }
0x1e7: {  	v18 =	vmul.f32 v43, v18;
	v43 =	vld [tilespmem:s20+$0x110]  }
0x1e8: {  	v3 =	vadd.f32 v3, v28;
	v28 =	vadd.f32 v30, v33;
	v33 =	vld [tilespmem:$0x1FF50]  }
0x1e9: {  	v59 =	vmul.f32 v58, v59;
	v58 =	vmul.f32 v53, v54  }
0x1ea: {  	v29 =	vadd.f32 $0.0e+00, v31;
	v31 =	vmul.f32 v62, v62;
	v37 =	vld [tilespmem:s18+$0x120]  }
0x1eb: {  	v28 =	vadd.f32 v58, v28;
	v58 =	vld [tilespmem:$0x1FF70]  }
0x1ec: {  	v0 =	vadd.f32 v0, v31;
	v29 =	vadd.f32 v18, v29;
	v53 =	vld [tilespmem:s19+$0x120]  }
0x1ed: {  	v18 =	vsub.f32 v2, v3;
	v2 =	vmul.f32 v43, v43;
	v30 =	vmul.f32 v33, v54;
	v54 =	vld [tilespmem:$0x1FF60]  }
0x1ee: {  	v3 =	vadd.f32 v59, v29;
	v59 =	vmul.f32 v35, v10;
	v35 =	vld [tilespmem:s20+$0x120]  }
0x1ef: {  	v0 =	vadd.f32 v0, v2;
	v2 =	vmul.f32 v37, v37  }
0x1f0: {  	v32 =	vld [tilespmem:s18+$0x130];
	v29 =	vadd.f32 $0.0e+00, v59;
	v31 =	vmul.f32 v58, v12  }
0x1f1: {  	v1 =	vmul.f32 v1, v48;
	v0 =	vadd.f32 v0, v2;
	v2 =	vmul.f32 v53, v53;
	v33 =	vld [tilespmem:$0x1FF80]  }
0x1f2: {  	v3 =	vadd.f32 v30, v3;
	v29 =	vadd.f32 v31, v29;
	v31 =	vld [tilespmem:s19+$0x130];
	v10 =	vmul.f32 v54, v10  }
0x1f3: {  	v46 =	vmul.f32 v46, v48;
	v0 =	vadd.f32 v0, v2;
	v2 =	vmul.f32 v35, v35;
	v54 =	vld [tilespmem:$0x1FF90]  }
0x1f4: {  	v48 =	vmul.f32 v52, v40;
	v59 =	vadd.f32 $0.0e+00, v10;
	v10 =	vsub.f32 v28, v3;
	v3 =	vld [tilespmem:$0x1FFA0]  }
0x1f5: {  	v57 =	vmul.f32 v57, v42;
	v0 =	vadd.f32 v0, v2;
	v2 =	vmul.f32 v32, v32  }
0x1f6: {  	v19 =	vmul.f32 v19, v55;
	v12 =	vmul.f32 v33, v12;
	v33 =	vld [tilespmem:$0x1FFB0]  }
0x1f7: {  	v53 =	vmul.f32 v53, v37;
	v0 =	vadd.f32 v0, v2;
	v2 =	vmul.f32 v31, v31  }
0x1f8: {  	v12 =	vadd.f32 v12, v59;
	v58 =	vmul.f32 v54, v9;
	v54 =	vmul.f32 v39, v7  }
0x1f9: {  	v7 =	vmul.f32 v47, v7;
	v2 =	vadd.f32 v0, v2;
	v9 =	vmul.f32 v3, v9;
	v3 =	vld [tilespmem:s20+$0x130]  }
0x1fa: {  	v59 =	vadd.f32 v58, v29;
	v58 =	vadd.f32 $0.0e+00, v54;
	v54 =	vmul.f32 v26, v16  }
0x1fb: {  	v29 =	vld [tilespmem:s18+$0x140];
	v9 =	vadd.f32 v9, v12;
	v12 =	vmul.f32 v33, v8;
	v8 =	vmul.f32 v63, v8  }
0x1fc: {  	v28 =	vld [tilespmem:s18+$0x160];
	v7 =	vadd.f32 $0.0e+00, v7;
	v63 =	vmul.f32 v44, v6;
	v6 =	vmul.f32 v38, v6  }
0x1fd: {  	v44 =	vmul.f32 v25, v13;
	v13 =	vmul.f32 v24, v13;
	v8 =	vadd.f32 v8, v9;
	v9 =	vld [tilespmem:s19+$0x140]  }
0x1fe: {  	v26 =	vld [tilespmem:s19+$0x150];
	v33 =	vmul.f32 v27, v41;
	v12 =	vadd.f32 v12, v59;
	v59 =	vmul.f32 v3, v3  }
0x1ff: {  	v38 =	vld [tilespmem:s20+$0x140];
	v39 =	vadd.f32 v63, v58;
	v58 =	vmul.f32 v34, v41;
	v34 =	vmul.f32 v49, v11  }
0x200: {  	v25 =	vld [tilespmem:s18+$0x150];
	v11 =	vmul.f32 v50, v11;
	v30 =	vmul.f32 v29, v29;
	v2 =	vadd.f32 v2, v59  }
0x201: {  	v27 =	vld [tilespmem:s19+$0x160];
	v6 =	vadd.f32 v6, v7;
	v49 =	vmul.f32 v56, v40;
	v50 =	vmul.f32 v28, v28  }
0x202: {  	v40 =	vmul.f32 v51, v21;
	v2 =	vadd.f32 v2, v30;
	v47 =	vmul.f32 v9, v9  }
0x203: {  	v3 =	vmul.f32 v3, v32;
	v0 =	vsub.f32 v12, v8;
	v7 =	vadd.f32 v44, v39  }
0x204: {  	v41 =	vld [tilespmem:$0x1FFC0];
	v6 =	vadd.f32 v13, v6;
	v59 =	vmul.f32 v38, v38;
	v2 =	vadd.f32 v2, v47  }
0x205: {  	v24 =	vld [tilespmem:s20+$0x150];
	v63 =	vadd.f32 $0.0e+00, v58;
	v13 =	vadd.f32 $0.0e+00, v33;
	v44 =	vmul.f32 v26, v26  }
0x206: {  	v39 =	vmul.f32 v25, v25;
	v56 =	vmul.f32 v27, v27;
	v2 =	vadd.f32 v59, v2  }
0x207: {  	v26 =	vmul.f32 v26, v25;
	v7 =	vadd.f32 v54, v7;
	v12 =	vadd.f32 v34, v63  }
0x208: {  	v11 =	vadd.f32 v11, v13;
	v54 =	vmul.f32 v60, v42;
	v2 =	vadd.f32 v2, v39  }
0x209: {  	v33 =	vld [tilespmem:s19+$0x170];
	v60 =	vadd.f32 $0.0e+00, v57;
	v63 =	vmul.f32 v17, v55;
	v16 =	vmul.f32 v41, v16  }
0x20a: {  	v42 =	vmul.f32 v15, v14;
	v47 =	vmul.f32 v24, v24;
	v2 =	vadd.f32 v2, v44  }
0x20b: {  	v30 =	vmul.f32 v22, v61;
	v12 =	vadd.f32 v1, v12;
	v6 =	vadd.f32 v16, v6;
	v16 =	vld [tilespmem:s20+$0x160]  }
0x20c: {  	v9 =	vmul.f32 v9, v29;
	v11 =	vadd.f32 v46, v11;
	v2 =	vadd.f32 v2, v47  }
0x20d: {  	v46 =	vmul.f32 v62, v45;
	v52 =	vadd.f32 v48, v12;
	v12 =	vld [tilespmem:s18+$0x170];
	v1 =	vsub.f32 v7, v6  }
0x20e: {  	v41 =	vmul.f32 v33, v33;
	v7 =	vadd.f32 $0.0e+00, v54;
	v8 =	vadd.f32 v2, v50  }
0x20f: {  	v17 =	vld [tilespmem:s20+$0x170];
	v9 =	vadd.f32 $0.0e+00, v9;
	v11 =	vadd.f32 v49, v11;
	v48 =	vmul.f32 v20, v14  }
0x210: {  	v7 =	vadd.f32 v19, v7;
	v59 =	vmul.f32 v16, v16;
	v58 =	vadd.f32 v8, v56  }
0x211: {  	v49 =	vmul.f32 v36, v21;
	v9 =	vadd.f32 v26, v9;
	v39 =	vmul.f32 v23, v61;
	v23 =	vld [tilespmem:s18+$0x180]  }
0x212: {  	v19 =	vld [tilespmem:s19+$0x180];
	v34 =	vmul.f32 v12, v12;
	v7 =	vadd.f32 v30, v7;
	v6 =	vadd.f32 v58, v59  }
0x213: {  	v14 =	vadd.f32 $0.0e+00, v49;
	v16 =	vmul.f32 v16, v28;
	v44 =	vadd.f32 $0.0e+00, v40  }
0x214: {  	v20 =	vld [tilespmem:s18+$0x1E0];
	v47 =	vmul.f32 v17, v17;
	v7 =	vadd.f32 v42, v7;
	v6 =	vadd.f32 v6, v34  }
0x215: {  	v54 =	vld [tilespmem:s18+$0x190];
	v15 =	vadd.f32 v46, v44;
	v42 =	vmul.f32 v27, v28;
	v46 =	vmul.f32 v33, v12  }
0x216: {  	v40 =	vld [tilespmem:s18+$0x1B0];
	v12 =	vmul.f32 v17, v12;
	v51 =	vmul.f32 v23, v23;
	v6 =	vadd.f32 v6, v41  }
0x217: {  	v55 =	vmul.f32 v19, v19;
	v19 =	vmul.f32 v19, v23;
	v2 =	vsub.f32 v52, v11;
	v50 =	vld [tilespmem:s20+$0x180]  }
0x218: {  	v44 =	vld [tilespmem:s19+$0x1B0];
	v11 =	vadd.f32 v63, v60;
	v52 =	vmul.f32 v43, v45;
	v6 =	vadd.f32 v6, v47  }
0x219: {  	v57 =	vadd.f32 v53, v15;
	v60 =	vmul.f32 v31, v32;
	v43 =	vld [tilespmem:s20+$0x1A0];
	v9 =	vadd.f32 v42, v9  }
0x21a: {  	v63 =	vld [tilespmem:s20+$0x190];
	v31 =	vmul.f32 v54, v54;
	v19 =	vadd.f32 $0.0e+00, v19;
	v6 =	vadd.f32 v6, v51  }
0x21b: {  	v53 =	vmul.f32 v40, v40;
	v11 =	vadd.f32 v39, v11;
	v56 =	vadd.f32 v52, v14;
	v59 =	vld [tilespmem:s19+$0x190]  }
0x21c: {  	v14 =	vadd.f32 v60, v57;
	v39 =	vld [tilespmem:s19+$0x1A0];
	v61 =	vmul.f32 v50, v50;
	v6 =	vadd.f32 v6, v55  }
0x21d: {  	v26 =	vld [tilespmem:s19+$0x1E0];
	v9 =	vadd.f32 v46, v9;
	v11 =	vadd.f32 v48, v11;
	v58 =	vmul.f32 v35, v37  }
0x21e: {  	v35 =	vld [tilespmem:s18+$0x1A0];
	v50 =	vmul.f32 v50, v23;
	v52 =	vmul.f32 v43, v43;
	v6 =	vadd.f32 v61, v6  }
0x21f: {  	v49 =	vld [tilespmem:s18+$0x1C0];
	v13 =	vmul.f32 v63, v54;
	v7 =	vsub.f32 v7, v11;
	v34 =	vmul.f32 v38, v29  }
0x220: {  	v23 =	vld [tilespmem:s18+$0x1F0];
	v38 =	vmul.f32 v24, v25;
	v36 =	vmul.f32 v59, v59;
	v6 =	vadd.f32 v6, v31  }
0x221: {  	v62 =	vadd.f32 v58, v56;
	v56 =	vld [tilespmem:s20+$0x1C0];
	v58 =	vmul.f32 v44, v44;
	v48 =	vmul.f32 v39, v39  }
0x222: {  	v37 =	vadd.f32 $0.0e+00, v34;
	v41 =	vmul.f32 v63, v63;
	v63 =	vld [tilespmem:s20+$0x1D0];
	v6 =	vadd.f32 v6, v36  }
0x223: {  	v15 =	vadd.f32 $0.0e+00, v50;
	v3 =	vadd.f32 v3, v62;
	v34 =	vld [tilespmem:s20+$0x1F0];
	v45 =	vmul.f32 v35, v35  }
0x224: {  	v21 =	vmul.f32 v59, v54;
	v54 =	vld [tilespmem:s19+$0x1C0];
	v11 =	vadd.f32 v38, v37;
	v6 =	vadd.f32 v6, v41  }
0x225: {  	v13 =	vadd.f32 v13, v15;
	v57 =	vmul.f32 v43, v35;
	v59 =	vld [tilespmem:s19+$0x1D0];
	v3 =	vsub.f32 v14, v3  }
0x226: {  	(xrf2) =	vadd.scan.msk.f32 $0xffff, v4;
	v62 =	vmul.f32 v44, v40;
	v11 =	vadd.f32 v16, v11;
	v51 =	vld [tilespmem:s18+$0x1D0];
	v6 =	vadd.f32 v6, v45  }
0x227: {  	(xrf2) =	vadd.scan.msk.f32 $0xffff, v5;
	v47 =	vld [tilespmem:s20+$0x1B0];
	v19 =	vadd.f32 v21, v19;
	v4 =	vadd.f32 v57, v13;
	v32 =	vmul.f32 v56, v49  }
0x228: {  	(xrf2) =	vadd.scan.msk.f32 $0xffff, v18;
	v29 =	vld [tilespmem:s20+$0x1E0];
	v38 =	vmul.f32 v26, v20;
	v11 =	vadd.f32 v12, v11;
	v6 =	vadd.f32 v6, v48  }
0x229: {  	(xrf2) =	vadd.scan.msk.f32 $0xffff, v10;
	v10 =	vadd.f32 $0.0e+00, v32;
	v44 =	vmul.f32 v34, v23;
	v30 =	vmul.f32 v54, v49  }
0x22a: {  	v55 =	vmul.f32 v39, v35;
	v60 =	vsub.f32 v9, v11;
	v31 =	vld [tilespmem:s19+$0x1F0];
	v6 =	vadd.f32 v6, v52  }
0x22b: {  	(xrf2) =	vadd.scan.msk.f32 $0xffff, v0;
	v35 =	vadd.f32 $0.0e+00, v30;
	v37 =	vmul.f32 v63, v51;
	v36 =	vmul.f32 v59, v51  }
0x22c: {  	(xrf2) =	vadd.scan.msk.f32 $0xffff, v1;
	v28 =	vmul.f32 v47, v40;
	v61 =	vadd.f32 v55, v19;
	v6 =	vadd.f32 v6, v53  }
0x22d: {  	(xrf2) =	vadd.scan.msk.f32 $0xffff, v2;
	v39 =	vmul.f32 v29, v20;
	v2 =	vadd.f32 v37, v10;
	v11 =	vadd.f32 v36, v35  }
0x22e: {  	v24 =	vmul.f32 v47, v47;
	v0 =	vadd.f32 v28, v4;
	v6 =	vadd.f32 v6, v58  }
0x22f: {  	v2 =	vadd.f32 v39, v2;
	v43 =	vmul.f32 v31, v23;
	v41 =	vadd.f32 v38, v11  }
0x230: {  	v33 =	vmul.f32 v49, v49;
	(xrf2) =	vadd.scan.msk.f32 $0xffff, v7;
	v9 =	vadd.f32 v62, v61;
	v6 =	vadd.f32 v6, v24  }
0x231: {  	v2 =	vadd.f32 v44, v2;
	v47 =	vadd.f32 v43, v41;
	v48 =	vld [tilespmem:$0x1FFD0]  }
0x232: {  	v42, _, _ =	vpop (xrf2);
	(xrf2) =	vadd.scan.msk.f32 $0xffff, v3;
	v1 =	vmul.f32 v54, v54;
	v0 =	vsub.f32 v9, v0;
	v6 =	vadd.f32 v6, v33  }
0x233: {  	v45, _, _ =	vpop (xrf2);
	(xrf2) =	vadd.scan.msk.f32 $0xffff, v60;
	v2 =	vsub.f32 v47, v2  }
0x234: {  	v3 =	vbroadcast v42, $0xF;
	v40 =	vmul.f32 v56, v56;
	v49, _, _ =	vpop (xrf2);
	(xrf2) =	vadd.scan.msk.f32 $0xffff, v0;
	v1 =	vadd.f32 v6, v1  }
0x235: {  	v46 =	vmul.f32 v51, v51;
	v50, _, _ =	vpop (xrf2);
	v6 =	vbroadcast v45, $0xF  }
0x236: {  	v51 =	vbroadcast v49, $0xF;
	v53, _, _ =	vpop (xrf2);
	v3 =	vsel vm3, v48, v3;
	v1 =	vadd.f32 v40, v1  }
0x237: {  	v52 =	vbroadcast v50, $0xF;
	(xrf2) =	vadd.scan.msk.f32 $0xffff, v2;
	v54 =	vbroadcast v53, $0xF;
	v2, _, _ =	vpop (xrf2);
	v3 =	vsel vm4, v3, v6  }
0x238: {  	v55, _, _ =	vpop (xrf2);
	v3 =	vsel vm5, v3, v51;
	v0 =	vadd.f32 v1, v46;
	v1 =	vmul.f32 v59, v59  }
0x239: {  	v2 =	vbroadcast v2, $0xF;
	v5 =	vbroadcast v55, $0xF;
	v3 =	vsel vm6, v3, v52  }
0x23a: {  	v56, _, _ =	vpop (xrf2);
	v3 =	vsel vm7, v3, v54;
	v0 =	vadd.f32 v0, v1;
	v1 =	vmul.f32 v63, v63  }
0x23b: {  	v2 =	vsel vm8, v3, v2;
	v3 =	vbroadcast v56, $0xF  }
0x23c: {  	s26 =	sshra.s32 s23, $0x2;
	v58, _, _ =	vpop (xrf2);
	v2 =	vsel vm9, v2, v5;
	v0 =	vadd.f32 v0, v1;
	v1 =	vmul.f32 v20, v20  }
0x23d: {  	v57 =	vld [tilespmem:s26+$0x18600];
	v60, _, _ =	vpop (xrf2);
	v2 =	vsel vm10, v2, v3;
	v3 =	vbroadcast v58, $0xF  }
0x23e: {  	v61, _, _ =	vpop (xrf2);
	v59 =	vld [tilespmem:s26+$0x18800];
	v0 =	vadd.f32 v0, v1;
	v1 =	vmul.f32 v26, v26  }
0x23f: {  	v2 =	vsel vm11, v2, v3;
	v3 =	vbroadcast v61, $0xF  }
0x240: {  	v9 =	vbroadcast v60, $0xF;
	v0 =	vadd.f32 v0, v1;
	v1 =	vmul.f32 v29, v29;
	_ =	sdelay $0x1  }
0x241: {  	v2 =	vsel vm12, v2, v9;
	v0 =	vadd.f32 v0, v1;
	v1 =	vmul.f32 v23, v23  }
0x242: {  	v62 =	vsub.f32 v57, v59;
	v2 =	vsel vm13, v2, v3;
	v3, _, _ =	vpop (xrf2)  }
0x243: {  	v2 =	vsel vm14, v2, v3;
	v0 =	vadd.f32 v0, v1;
	v1 =	vmul.f32 v31, v31  }
0x244: {  	v2 =	vadd.f32 v2, v62  }
0x245: {  	v0 =	vadd.f32 v0, v1;
	v1 =	vmul.f32 v34, v34  }
0x246: {  	[tilespmem:s26+$0x18A00] =	vst v2;
	v2 =	vld [tilespmem:$0x1FFF0]  }
0x247: {  	p0 =	sne.s32 s23, $0x7C0;
	v0 =	vadd.f32 v0, v1;
	v1 =	vld [tilespmem:$0x1FFE0]  }
.Ltmp0:
0x248: {  	_ = 	snop;
	(pc) =	sbr.rel @p0 .LBB2_2-.Ltmp0, $4  }
0x249: {  	_ = 	snop  }
0x24a: {  	v63 =	vmul.f32 v59, v59;
	v3 =	vmul.f32 v57, v57  }
0x24b: {  	s23 =	sadd.s32 $0x40, s23  }
0x24c: {  	s20 =	sadd.s32 $0x400, s20;
	s18 =	sadd.s32 $0x400, s18;
	s19 =	sadd.s32 $0x400, s19;
	v2 =	vadd.f32 v63, v2;
	v1 =	vadd.f32 v3, v1  }
0x24d: {  	_ = 	snop  }
0x24e: {  	v0 =	vmul.f32 $5.000000240e-04, v0;
	v1 =	vmul.f32 $9.999999770e-03, v1;
	_ =	sdelay $0x1  }
0x24f: {  	v63 =	vmul.f32 $1.000000050e-03, v2;
	v0 =	vadd.f32 v1, v0;
	_ =	sdelay $0x1  }
0x250: {  	v0 =	vadd.f32 v63, v0;
	_ =	sdelay $0x1  }
0x251: {  	[tilespmem:$0x18C00] =	vst v0  }
0x252: {  	[hbm4b:s9+s1] =	stream.linear.scatter [tilespmem:s0], [sflag:$0x2], $0x200, $0x38;
	[tilespmem:$0x18C10] =	vst v63  }
0x253: {  	s17 =	sadd.s32 $0x1, s17;
	_ =	swait.ge [sflag:s12], $0x200  }
0x254: {  	p0 =	sne.s32 s17, s11;
	[sflag:s12] =	ssyncset.done $0x0  }
.Ltmp1:
0x255: {  	[sflag:s12] =	ssyncadd.s32 $0xFFFFFE00;
	(pc) =	sbr.rel @p0 .LBB2_1-.Ltmp1, $4  }
0x256: {  	[hbm4b:s10+s1] =	stream.linear.scatter [tilespmem:s16], [sflag:$0x2], $0x10, $0x38;
	[tilespmem:$0x18C10] =	vst v63  }
0x257: {  	_ =	swait.ge [sflag:s12], $0x10  }
0x258: {  	[sflag:s12] =	ssyncset.done $0x0  }
0x259: {  	[sflag:s12] =	ssyncadd.s32 $0xFFFFFFF0  }
0x25a: {  	_ =	sfence.sel $0x180000  }
0x25b: {  	[bflag:$0x0] =	sbarrier.arrive $0xFFFF  }
0x25c: {  	_ =	strace $0x90000047  }
0x25d: {  	s0 =	stileid.u32;
	[bflag:$0x2] =	sbarrier.arrive $0xFFFF  }
0x25e: {  	p0 =	sne.s32 s0, $0x0;
	s0 =	rddreg [dreg:$0x4]  }
0x25f: {  	s0 =	sadd.s32 @!p0 $0x100000, s0  }
0x260: {  	[sflag:s0] =	ssyncadd.tile.s32 @!p0 $0x1;
	_ =	shalt  }
.Lfunc_end2:
_tile_overlayer_lowered:
.L_overlay_start_2:
0x261: {  	(tag) =	ssettag $0x2  }
0x262: {  	s0 =	rddreg [dreg:$0x0];
	s2 =	stileid.u32  }
0x263: {  	s1 =	rddreg [dreg:$0x1];
	p0 =	sne.s32 s2, $0x0  }
0x264: {  	s3 =	rddreg [dreg:$0x2];
	[bflag:$0x3] =	sbarrier.arrive $0xFFFF;
	s2 =	simm.s32 @!p0 $0x1C02  }
0x265: {  	[timem:s3], [sflag:s2] =	dma.local @!p0 [hbm:s0], s1  }
0x266: {  	s0 =	simm.s32 @!p0 $0x2  }
0x267: {  	_ =	swait.ge @!p0 [sflag:s0], s1  }
0x268: {  	s1 =	ssub.s32 @!p0 $0x0, s1;
	[sflag:s0] =	ssyncset.done @!p0 $0x0  }
0x269: {  	[sflag:s0] =	ssyncadd.s32 @!p0 s1  }
0x26a: {  	[bflag:$0x3] =	sbarrier.arrive $0xFFFF  }
0x26b: {  	_ =	shalt  }

</sc_bundles>
